<compile_context>
chip_gen: v7x
topology: tpu7x:2x2x1
jax: 0.10.2.dev20260603
libtpu: 0.0.44.dev20260713+nightly
codegen_flags: <defaults>
</compile_context>

<pallas_src>
import functools

import jax
import jax.numpy as jnp
from jax import lax
from jax.experimental import pallas as pl
from jax.experimental.pallas import tpu as pltpu
from jax.experimental.pallas import tpu_sc as plsc

N = 10000
E = 320000
IN_DIM = 128
HID = 64
OUT = 32

NC = 2
NS = 16
NW = NC * NS
CHUNK = 64
NCH = 160
EPW = CHUNK * NCH
E_PAD = EPW * NW
ROWS = 10112
RPT = ROWS // NS
CNTW = 16

_mesh = plsc.VectorSubcoreMesh(core_axis_name="c", subcore_axis_name="s")


NBUF = 5
NG = NCH // NBUF


def _make_sc_agg(d, with_cnt):
    out_type = [jax.ShapeDtypeStruct((NC, ROWS, d), jnp.float32)]
    scratch = [
        pltpu.VMEM_SHARED((ROWS, d), jnp.float32),
        pltpu.VMEM((NCH, CHUNK), jnp.int32),
        pltpu.VMEM((NCH, CHUNK), jnp.int32),
        [pltpu.VMEM((2, CHUNK, d), jnp.float32) for _ in range(NBUF)],
        [pltpu.SemaphoreType.DMA for _ in range(NBUF)],
        [pltpu.SemaphoreType.DMA for _ in range(NBUF)],
        pltpu.SemaphoreType.DMA,
    ]
    if with_cnt:
        out_type.append(jax.ShapeDtypeStruct((NC, ROWS, CNTW), jnp.float32))
        scratch += [
            pltpu.VMEM_SHARED((ROWS, CNTW), jnp.float32),
            pltpu.VMEM((CHUNK, CNTW), jnp.float32),
            [pltpu.SemaphoreType.DMA for _ in range(NBUF)],
        ]

    @functools.partial(
        pl.kernel, mesh=_mesh, out_type=out_type, scratch_types=scratch,
        compiler_params=pltpu.CompilerParams(use_tc_tiling_on_sc=False))
    def sc_agg(p_hbm, src_hbm, dst_hbm, z_acc_hbm, *rest):
        if with_cnt:
            (z_cnt_hbm, ones_hbm, acc_hbm, cnt_hbm, acc_sh, src_all, dst_all,
             rows, gsem, ssem, stg, cnt_sh, ones_v, csem) = rest
        else:
            (acc_hbm, acc_sh, src_all, dst_all, rows, gsem, ssem, stg) = rest
        cid = lax.axis_index("c")
        sid = lax.axis_index("s")
        wid = cid * NS + sid
        r0 = sid * RPT
        c0 = wid * NCH
        cps = [pltpu.async_copy(z_acc_hbm.at[pl.ds(r0, RPT)],
                                acc_sh.at[pl.ds(r0, RPT)], stg),
               pltpu.async_copy(src_hbm.at[pl.ds(c0, NCH)], src_all, stg),
               pltpu.async_copy(dst_hbm.at[pl.ds(c0, NCH)], dst_all, stg)]
        if with_cnt:
            cps.append(pltpu.async_copy(z_cnt_hbm.at[pl.ds(r0, RPT)],
                                        cnt_sh.at[pl.ds(r0, RPT)], stg))
            cps.append(pltpu.async_copy(ones_hbm, ones_v, stg))
        for cp in cps:
            cp.wait()
        plsc.subcore_barrier()

        for b in range(NBUF):
            pltpu.async_copy(p_hbm.at[src_all.at[b]], rows[b].at[0], gsem[b])

        def group(g, carry):
            par = lax.rem(g, 2)
            for b in range(NBUF):
                i = g * NBUF + b
                pltpu.make_async_copy(p_hbm.at[src_all.at[i]],
                                      rows[b].at[par], gsem[b]).wait()

                @pl.when(g >= 1)
                def _retire():
                    pltpu.make_async_copy(rows[b].at[1 - par],
                                          acc_sh.at[dst_all.at[i - NBUF]],
                                          ssem[b]).wait()
                    if with_cnt:
                        pltpu.make_async_copy(ones_v,
                                              cnt_sh.at[dst_all.at[i - NBUF]],
                                              csem[b]).wait()

                @pl.when(i + NBUF < NCH)
                def _prefetch():
                    pltpu.async_copy(p_hbm.at[src_all.at[i + NBUF]],
                                     rows[b].at[1 - par], gsem[b])

                pltpu.async_copy(rows[b].at[par], acc_sh.at[dst_all.at[i]],
                                 ssem[b], add=True)
                if with_cnt:
                    pltpu.async_copy(ones_v, cnt_sh.at[dst_all.at[i]],
                                     csem[b], add=True)
            return carry

        lax.fori_loop(0, NG, group, 0)
        last_par = (NG - 1) % 2
        for b in range(NBUF):
            i = (NG - 1) * NBUF + b
            pltpu.make_async_copy(rows[b].at[last_par],
                                  acc_sh.at[dst_all.at[i]], ssem[b]).wait()
            if with_cnt:
                pltpu.make_async_copy(ones_v, cnt_sh.at[dst_all.at[i]],
                                      csem[b]).wait()
        plsc.subcore_barrier()
        pltpu.sync_copy(acc_sh.at[pl.ds(r0, RPT)], acc_hbm.at[cid, pl.ds(r0, RPT)])
        if with_cnt:
            pltpu.sync_copy(cnt_sh.at[pl.ds(r0, RPT)], cnt_hbm.at[cid, pl.ds(r0, RPT)])

    return sc_agg


_sc_agg1 = _make_sc_agg(HID, True)
_sc_agg2 = _make_sc_agg(OUT, False)



_RB = 2000


def _lin1_body(x_ref, wl_ref, wr_ref, b_ref, p_ref, r_ref):
    x = x_ref[...]
    p_ref[...] = jnp.dot(x, wl_ref[...], preferred_element_type=jnp.float32)
    r_ref[...] = (jnp.dot(x, wr_ref[...], preferred_element_type=jnp.float32)
                  + b_ref[...])


def _lin1(x, wl_t, wr_t, b):
    return pl.pallas_call(
        _lin1_body,
        grid=(N // _RB,),
        in_specs=[
            pl.BlockSpec((_RB, IN_DIM), lambda i: (i, 0)),
            pl.BlockSpec((IN_DIM, HID), lambda i: (0, 0)),
            pl.BlockSpec((IN_DIM, HID), lambda i: (0, 0)),
            pl.BlockSpec((1, HID), lambda i: (0, 0)),
        ],
        out_specs=[
            pl.BlockSpec((_RB, HID), lambda i: (i, 0)),
            pl.BlockSpec((_RB, HID), lambda i: (i, 0)),
        ],
        out_shape=[
            jax.ShapeDtypeStruct((N, HID), jnp.float32),
            jax.ShapeDtypeStruct((N, HID), jnp.float32),
        ],
    )(x, wl_t, wr_t, b)


def _mid_body(a0_ref, a1_ref, c0_ref, c1_ref, r1_ref, wl_ref, wr_ref, b_ref,
              p_ref, r_ref):
    cnt = c0_ref[:, 0:1] + c1_ref[:, 0:1]
    inv = 1.0 / jnp.maximum(cnt, 1.0)
    h = (a0_ref[...] + a1_ref[...]) * inv + r1_ref[...]
    h = jnp.where(h >= 0, h, 0.1 * h)
    p_ref[...] = jnp.dot(h, wl_ref[...], preferred_element_type=jnp.float32)
    r_ref[...] = (jnp.dot(h, wr_ref[...], preferred_element_type=jnp.float32)
                  + b_ref[...])


def _mid(a0, a1, c0, c1, r1, wl_t, wr_t, b):
    return pl.pallas_call(
        _mid_body,
        grid=(N // _RB,),
        in_specs=[
            pl.BlockSpec((_RB, HID), lambda i: (i, 0)),
            pl.BlockSpec((_RB, HID), lambda i: (i, 0)),
            pl.BlockSpec((_RB, CNTW), lambda i: (i, 0)),
            pl.BlockSpec((_RB, CNTW), lambda i: (i, 0)),
            pl.BlockSpec((_RB, HID), lambda i: (i, 0)),
            pl.BlockSpec((HID, OUT), lambda i: (0, 0)),
            pl.BlockSpec((HID, OUT), lambda i: (0, 0)),
            pl.BlockSpec((1, OUT), lambda i: (0, 0)),
        ],
        out_specs=[
            pl.BlockSpec((_RB, OUT), lambda i: (i, 0)),
            pl.BlockSpec((_RB, OUT), lambda i: (i, 0)),
        ],
        out_shape=[
            jax.ShapeDtypeStruct((N, OUT), jnp.float32),
            jax.ShapeDtypeStruct((N, OUT), jnp.float32),
        ],
    )(a0, a1, c0, c1, r1, wl_t, wr_t, b)


def _fin_body(a0_ref, a1_ref, c0_ref, c1_ref, r2_ref, z_ref):
    cnt = c0_ref[:, 0:1] + c1_ref[:, 0:1]
    inv = 1.0 / jnp.maximum(cnt, 1.0)
    z = (a0_ref[...] + a1_ref[...]) * inv + r2_ref[...]
    z_ref[...] = jnp.where(z >= 0, z, 0.1 * z)


def _fin(a0, a1, c0, c1, r2):
    return pl.pallas_call(
        _fin_body,
        grid=(N // _RB,),
        in_specs=[
            pl.BlockSpec((_RB, OUT), lambda i: (i, 0)),
            pl.BlockSpec((_RB, OUT), lambda i: (i, 0)),
            pl.BlockSpec((_RB, CNTW), lambda i: (i, 0)),
            pl.BlockSpec((_RB, CNTW), lambda i: (i, 0)),
            pl.BlockSpec((_RB, OUT), lambda i: (i, 0)),
        ],
        out_specs=pl.BlockSpec((_RB, OUT), lambda i: (i, 0)),
        out_shape=jax.ShapeDtypeStruct((N, OUT), jnp.float32),
    )(a0, a1, c0, c1, r2)


def kernel(x, edge_index, W1l, W1r, b1, W2l, W2r, b2):
    pad = E_PAD - E
    src_p = jnp.concatenate([edge_index[0], jnp.zeros((pad,), jnp.int32)])
    dst_p = jnp.concatenate([edge_index[1], jnp.full((pad,), N, jnp.int32)])
    src2d = src_p.reshape(E_PAD // CHUNK, CHUNK)
    dst2d = dst_p.reshape(E_PAD // CHUNK, CHUNK)
    z64 = jnp.zeros((ROWS, HID), jnp.float32)
    z32 = jnp.zeros((ROWS, OUT), jnp.float32)
    z16 = jnp.zeros((ROWS, CNTW), jnp.float32)
    ones = jnp.ones((CHUNK, CNTW), jnp.float32)

    p1, r1 = _lin1(x, W1l.T, W1r.T, b1[None])
    acc1, cnt = _sc_agg1(p1, src2d, dst2d, z64, z16, ones)
    p2, r2 = _mid(acc1[0, :N], acc1[1, :N], cnt[0, :N], cnt[1, :N], r1,
                  W2l.T, W2r.T, b2[None])
    acc2, = _sc_agg2(p2, src2d, dst2d, z32)
    return _fin(acc2[0, :N], acc2[1, :N], cnt[0, :N], cnt[1, :N], r2)

# --- scband reference (transcript-rebuilt; emitter-appended) ---
"""Pipeline reference for scband-sageconv-reconstruction-module-36850819400182 (READ-ONLY COPY).

The authoritative reference and input builder live on the scoring server;
editing this copy changes nothing except your own understanding.
"""

import jax, jax.numpy as jnp
import numpy as np

N = 10000
E = 320000
IN_DIM = 128
HID = 64
OUT = 32


def setup_inputs(seed: int = 0) -> dict:
    key = jax.random.key(seed)
    ks = jax.random.split(key, 9)
    x = jax.random.normal(ks[0], (N, IN_DIM), dtype=jnp.float32)
    edge_index = jax.random.randint(ks[1], (2, E), 0, N, dtype=jnp.int32)
    # SAGEConv layer 1: lin_l (applied to aggregated neighbors, with bias), lin_r (applied to root, no bias)
    W1l = jax.random.normal(ks[2], (HID, IN_DIM), dtype=jnp.float32) * (1.0 / np.sqrt(IN_DIM))
    W1r = jax.random.normal(ks[3], (HID, IN_DIM), dtype=jnp.float32) * (1.0 / np.sqrt(IN_DIM))
    b1 = jax.random.normal(ks[4], (HID,), dtype=jnp.float32) * 0.01
    # SAGEConv layer 2
    W2l = jax.random.normal(ks[5], (OUT, HID), dtype=jnp.float32) * (1.0 / np.sqrt(HID))
    W2r = jax.random.normal(ks[6], (OUT, HID), dtype=jnp.float32) * (1.0 / np.sqrt(HID))
    b2 = jax.random.normal(ks[7], (OUT,), dtype=jnp.float32) * 0.01
    return {"x": x, "edge_index": edge_index, "W1l": W1l, "W1r": W1r, "b1": b1,
            "W2l": W2l, "W2r": W2r, "b2": b2}


def _sage_conv(h, edge_index, Wl, Wr, b):
    src = edge_index[0]
    dst = edge_index[1]
    msgs = jnp.take(h, src, axis=0)                              # gather source features
    agg = jax.ops.segment_sum(msgs, dst, num_segments=N)         # scatter-add by destination
    cnt = jax.ops.segment_sum(jnp.ones((E,), h.dtype), dst, num_segments=N)
    mean = agg / jnp.clip(cnt, 1.0)[:, None]                     # mean aggregation
    return mean @ Wl.T + h @ Wr.T + b


def reference(x, edge_index, W1l, W1r, b1, W2l, W2r, b2):
    h = jax.nn.leaky_relu(_sage_conv(x, edge_index, W1l, W1r, b1), negative_slope=0.1)
    z = jax.nn.leaky_relu(_sage_conv(h, edge_index, W2l, W2r, b2), negative_slope=0.1)
    return z

if __name__ == "__main__":
    import jax
    _d = setup_inputs()
    print(jax.jit(kernel)(*tuple(_d.values())))

</pallas_src>

<mosaic_0001>
#map = affine_map<(d0, d1) -> (0, 0)>
#map1 = affine_map<(d0, d1) -> (0, 0, 0)>
module attributes {stable_mosaic.version = 14 : i64} {
  func.func @sc_agg(%arg0: i32, %arg1: i32, %arg2: memref<10000x64xf32, #tpu.memory_space<hbm>>, %arg3: memref<5120x64xi32, #tpu.memory_space<hbm>>, %arg4: memref<5120x64xi32, #tpu.memory_space<hbm>>, %arg5: memref<10112x64xf32, #tpu.memory_space<hbm>>, %arg6: memref<10112x16xf32, #tpu.memory_space<hbm>>, %arg7: memref<64x16xf32, #tpu.memory_space<hbm>>, %arg8: memref<2x10112x64xf32, #tpu.memory_space<hbm>>, %arg9: memref<2x10112x16xf32, #tpu.memory_space<hbm>>, %arg10: memref<10112x64xf32, #tpu.memory_space<vmem_shared>>, %arg11: memref<160x64xi32, #tpu.memory_space<vmem>>, %arg12: memref<160x64xi32, #tpu.memory_space<vmem>>, %arg13: memref<2x64x64xf32, #tpu.memory_space<vmem>>, %arg14: memref<2x64x64xf32, #tpu.memory_space<vmem>>, %arg15: memref<2x64x64xf32, #tpu.memory_space<vmem>>, %arg16: memref<2x64x64xf32, #tpu.memory_space<vmem>>, %arg17: memref<2x64x64xf32, #tpu.memory_space<vmem>>, %arg18: memref<!tpu.dma_semaphore, #tpu.memory_space<semaphore_mem>>, %arg19: memref<!tpu.dma_semaphore, #tpu.memory_space<semaphore_mem>>, %arg20: memref<!tpu.dma_semaphore, #tpu.memory_space<semaphore_mem>>, %arg21: memref<!tpu.dma_semaphore, #tpu.memory_space<semaphore_mem>>, %arg22: memref<!tpu.dma_semaphore, #tpu.memory_space<semaphore_mem>>, %arg23: memref<!tpu.dma_semaphore, #tpu.memory_space<semaphore_mem>>, %arg24: memref<!tpu.dma_semaphore, #tpu.memory_space<semaphore_mem>>, %arg25: memref<!tpu.dma_semaphore, #tpu.memory_space<semaphore_mem>>, %arg26: memref<!tpu.dma_semaphore, #tpu.memory_space<semaphore_mem>>, %arg27: memref<!tpu.dma_semaphore, #tpu.memory_space<semaphore_mem>>, %arg28: memref<!tpu.dma_semaphore, #tpu.memory_space<semaphore_mem>>, %arg29: memref<10112x16xf32, #tpu.memory_space<vmem_shared>>, %arg30: memref<64x16xf32, #tpu.memory_space<vmem>>, %arg31: memref<!tpu.dma_semaphore, #tpu.memory_space<semaphore_mem>>, %arg32: memref<!tpu.dma_semaphore, #tpu.memory_space<semaphore_mem>>, %arg33: memref<!tpu.dma_semaphore, #tpu.memory_space<semaphore_mem>>, %arg34: memref<!tpu.dma_semaphore, #tpu.memory_space<semaphore_mem>>, %arg35: memref<!tpu.dma_semaphore, #tpu.memory_space<semaphore_mem>>) attributes {dimension_semantics = [#tpu.dimension_semantics<core_parallel>, #tpu.dimension_semantics<subcore_parallel>], iteration_bounds = array<i64: 2, 16>, scalar_prefetch = 0 : i64, scratch_operands = 26 : i64, tpu.core_type = #tpu.core_type<sc_vector_subcore>, window_params = [{transform_indices = #map}, {transform_indices = #map}, {transform_indices = #map}, {transform_indices = #map}, {transform_indices = #map}, {transform_indices = #map}, {transform_indices = #map1}, {transform_indices = #map1}]} {
    %mul3A = arith.constant 16 : i32
    %mul3A_0 = arith.muli %arg0, %mul3A : i32
    %add3A = arith.addi %mul3A_0, %arg1 : i32
    %mul3A_1 = arith.constant 632 : i32
    %mul3A_2 = arith.muli %arg1, %mul3A_1 : i32
    %mul3A_3 = arith.constant 160 : i32
    %mul3A_4 = arith.muli %add3A, %mul3A_3 : i32
    %dma_start3A = arith.constant 0 : i32
    %dma_start3A_5 = tpu.memref_slice %arg10[%mul3A_2, %dma_start3A] : memref<10112x64xf32, #tpu.memory_space<vmem_shared>> -> memref<632x64xf32, #tpu.memory_space<vmem_shared>>
    %dma_start3A_6 = arith.constant 0 : i32
    %dma_start3A_7 = tpu.memref_slice %arg5[%mul3A_2, %dma_start3A_6] : memref<10112x64xf32, #tpu.memory_space<hbm>> -> memref<632x64xf32, #tpu.memory_space<hbm>>
    tpu.enqueue_dma source(%dma_start3A_7 : memref<632x64xf32, #tpu.memory_space<hbm>>) target(%dma_start3A_5 : memref<632x64xf32, #tpu.memory_space<vmem_shared>>) target_semaphore(%arg28 : memref<!tpu.dma_semaphore, #tpu.memory_space<semaphore_mem>>)
    %dma_start3A_8 = arith.constant 0 : i32
    %dma_start3A_9 = tpu.memref_slice %arg3[%mul3A_4, %dma_start3A_8] : memref<5120x64xi32, #tpu.memory_space<hbm>> -> memref<160x64xi32, #tpu.memory_space<hbm>>
    %dma_start3A_10 = arith.constant 0 : i32
    %dma_start3A_11 = tpu.memref_slice %arg3[%mul3A_4, %dma_start3A_10] : memref<5120x64xi32, #tpu.memory_space<hbm>> -> memref<160x64xi32, #tpu.memory_space<hbm>>
    tpu.enqueue_dma source(%dma_start3A_11 : memref<160x64xi32, #tpu.memory_space<hbm>>) target(%arg11 : memref<160x64xi32, #tpu.memory_space<vmem>>) target_semaphore(%arg28 : memref<!tpu.dma_semaphore, #tpu.memory_space<semaphore_mem>>)
    %dma_start3A_12 = arith.constant 0 : i32
    %dma_start3A_13 = tpu.memref_slice %arg4[%mul3A_4, %dma_start3A_12] : memref<5120x64xi32, #tpu.memory_space<hbm>> -> memref<160x64xi32, #tpu.memory_space<hbm>>
    %dma_start3A_14 = arith.constant 0 : i32
    %dma_start3A_15 = tpu.memref_slice %arg4[%mul3A_4, %dma_start3A_14] : memref<5120x64xi32, #tpu.memory_space<hbm>> -> memref<160x64xi32, #tpu.memory_space<hbm>>
    tpu.enqueue_dma source(%dma_start3A_15 : memref<160x64xi32, #tpu.memory_space<hbm>>) target(%arg12 : memref<160x64xi32, #tpu.memory_space<vmem>>) target_semaphore(%arg28 : memref<!tpu.dma_semaphore, #tpu.memory_space<semaphore_mem>>)
    %dma_start3A_16 = arith.constant 0 : i32
    %dma_start3A_17 = tpu.memref_slice %arg29[%mul3A_2, %dma_start3A_16] : memref<10112x16xf32, #tpu.memory_space<vmem_shared>> -> memref<632x16xf32, #tpu.memory_space<vmem_shared>>
    %dma_start3A_18 = arith.constant 0 : i32
    %dma_start3A_19 = tpu.memref_slice %arg6[%mul3A_2, %dma_start3A_18] : memref<10112x16xf32, #tpu.memory_space<hbm>> -> memref<632x16xf32, #tpu.memory_space<hbm>>
    tpu.enqueue_dma source(%dma_start3A_19 : memref<632x16xf32, #tpu.memory_space<hbm>>) target(%dma_start3A_17 : memref<632x16xf32, #tpu.memory_space<vmem_shared>>) target_semaphore(%arg28 : memref<!tpu.dma_semaphore, #tpu.memory_space<semaphore_mem>>)
    tpu.enqueue_dma source(%arg7 : memref<64x16xf32, #tpu.memory_space<hbm>>) target(%arg30 : memref<64x16xf32, #tpu.memory_space<vmem>>) target_semaphore(%arg28 : memref<!tpu.dma_semaphore, #tpu.memory_space<semaphore_mem>>)
    %dma_wait3A = arith.constant 0 : i32
    %dma_wait3A_20 = tpu.memref_slice %arg10[%mul3A_2, %dma_wait3A] : memref<10112x64xf32, #tpu.memory_space<vmem_shared>> -> memref<632x64xf32, #tpu.memory_space<vmem_shared>>
    %dma_wait3A_21 = arith.constant 0 : i32
    %dma_wait3A_22 = tpu.memref_slice %arg5[%mul3A_2, %dma_wait3A_21] : memref<10112x64xf32, #tpu.memory_space<hbm>> -> memref<632x64xf32, #tpu.memory_space<hbm>>
    tpu.wait_dma2 semaphore(%arg28 : memref<!tpu.dma_semaphore, #tpu.memory_space<semaphore_mem>>) src(%dma_wait3A_22 : memref<632x64xf32, #tpu.memory_space<hbm>>) dst(%dma_wait3A_20 : memref<632x64xf32, #tpu.memory_space<vmem_shared>>)
    %dma_wait3A_23 = arith.constant 0 : i32
    %dma_wait3A_24 = tpu.memref_slice %arg3[%mul3A_4, %dma_wait3A_23] : memref<5120x64xi32, #tpu.memory_space<hbm>> -> memref<160x64xi32, #tpu.memory_space<hbm>>
    %dma_wait3A_25 = arith.constant 0 : i32
    %dma_wait3A_26 = tpu.memref_slice %arg3[%mul3A_4, %dma_wait3A_25] : memref<5120x64xi32, #tpu.memory_space<hbm>> -> memref<160x64xi32, #tpu.memory_space<hbm>>
    tpu.wait_dma2 semaphore(%arg28 : memref<!tpu.dma_semaphore, #tpu.memory_space<semaphore_mem>>) src(%dma_wait3A_26 : memref<160x64xi32, #tpu.memory_space<hbm>>) dst(%arg11 : memref<160x64xi32, #tpu.memory_space<vmem>>)
    %dma_wait3A_27 = arith.constant 0 : i32
    %dma_wait3A_28 = tpu.memref_slice %arg4[%mul3A_4, %dma_wait3A_27] : memref<5120x64xi32, #tpu.memory_space<hbm>> -> memref<160x64xi32, #tpu.memory_space<hbm>>
    %dma_wait3A_29 = arith.constant 0 : i32
    %dma_wait3A_30 = tpu.memref_slice %arg4[%mul3A_4, %dma_wait3A_29] : memref<5120x64xi32, #tpu.memory_space<hbm>> -> memref<160x64xi32, #tpu.memory_space<hbm>>
    tpu.wait_dma2 semaphore(%arg28 : memref<!tpu.dma_semaphore, #tpu.memory_space<semaphore_mem>>) src(%dma_wait3A_30 : memref<160x64xi32, #tpu.memory_space<hbm>>) dst(%arg12 : memref<160x64xi32, #tpu.memory_space<vmem>>)
    %dma_wait3A_31 = arith.constant 0 : i32
    %dma_wait3A_32 = tpu.memref_slice %arg29[%mul3A_2, %dma_wait3A_31] : memref<10112x16xf32, #tpu.memory_space<vmem_shared>> -> memref<632x16xf32, #tpu.memory_space<vmem_shared>>
    %dma_wait3A_33 = arith.constant 0 : i32
    %dma_wait3A_34 = tpu.memref_slice %arg6[%mul3A_2, %dma_wait3A_33] : memref<10112x16xf32, #tpu.memory_space<hbm>> -> memref<632x16xf32, #tpu.memory_space<hbm>>
    tpu.wait_dma2 semaphore(%arg28 : memref<!tpu.dma_semaphore, #tpu.memory_space<semaphore_mem>>) src(%dma_wait3A_34 : memref<632x16xf32, #tpu.memory_space<hbm>>) dst(%dma_wait3A_32 : memref<632x16xf32, #tpu.memory_space<vmem_shared>>)
    tpu.wait_dma2 semaphore(%arg28 : memref<!tpu.dma_semaphore, #tpu.memory_space<semaphore_mem>>) src(%arg7 : memref<64x16xf32, #tpu.memory_space<hbm>>) dst(%arg30 : memref<64x16xf32, #tpu.memory_space<vmem>>)
    %barrier3A = arith.constant 0 : index
    tpu.barrier barrier_id(%barrier3A)
    %dma_start3A_35 = arith.constant 0 : i32
    %dma_start3A_36 = arith.constant 0 : i32
    %dma_start3A_37 = arith.constant 0 : i32
    %dma_start3A_38 = arith.constant 0 : i32
    %dma_start3A_39 = tpu.memref_slice %arg13[%dma_start3A_36, %dma_start3A_37, %dma_start3A_38] : memref<2x64x64xf32, #tpu.memory_space<vmem>> -> memref<1x64x64xf32, #tpu.memory_space<vmem>>
    %dma_start3A_40 = tpu.memref_squeeze %dma_start3A_39 : memref<1x64x64xf32, #tpu.memory_space<vmem>> -> memref<64x64xf32, #tpu.memory_space<vmem>>
    %dma_start3A_41 = arith.constant 0 : i32
    %dma_start3A_42 = tpu.memref_slice %arg11[%dma_start3A_35, %dma_start3A_41] : memref<160x64xi32, #tpu.memory_space<vmem>> -> memref<1x64xi32, #tpu.memory_space<vmem>>
    %dma_start3A_43 = tpu.memref_squeeze %dma_start3A_42 : memref<1x64xi32, #tpu.memory_space<vmem>> -> memref<64xi32, #tpu.memory_space<vmem>>
    %dma_start3A_44 = arith.constant 0 : i32
    %dma_start3A_45 = arith.constant 0 : i32
    %dma_start3A_46 = tpu.memref_slice %arg2[%dma_start3A_44, %dma_start3A_45] : memref<10000x64xf32, #tpu.memory_space<hbm>> -> memref<10000x64xf32, #tpu.memory_space<hbm>>
    tpu.enqueue_indirect_dma source(%dma_start3A_46 : memref<10000x64xf32, #tpu.memory_space<hbm>>) target(%dma_start3A_40 : memref<64x64xf32, #tpu.memory_space<vmem>>) offsets(%dma_start3A_43 : memref<64xi32, #tpu.memory_space<vmem>>) semaphore(%arg18 : memref<!tpu.dma_semaphore, #tpu.memory_space<semaphore_mem>>)
    %dma_start3A_47 = arith.constant 1 : i32
    %dma_start3A_48 = arith.constant 0 : i32
    %dma_start3A_49 = arith.constant 0 : i32
    %dma_start3A_50 = arith.constant 0 : i32
    %dma_start3A_51 = tpu.memref_slice %arg14[%dma_start3A_48, %dma_start3A_49, %dma_start3A_50] : memref<2x64x64xf32, #tpu.memory_space<vmem>> -> memref<1x64x64xf32, #tpu.memory_space<vmem>>
    %dma_start3A_52 = tpu.memref_squeeze %dma_start3A_51 : memref<1x64x64xf32, #tpu.memory_space<vmem>> -> memref<64x64xf32, #tpu.memory_space<vmem>>
    %dma_start3A_53 = arith.constant 0 : i32
    %dma_start3A_54 = tpu.memref_slice %arg11[%dma_start3A_47, %dma_start3A_53] : memref<160x64xi32, #tpu.memory_space<vmem>> -> memref<1x64xi32, #tpu.memory_space<vmem>>
    %dma_start3A_55 = tpu.memref_squeeze %dma_start3A_54 : memref<1x64xi32, #tpu.memory_space<vmem>> -> memref<64xi32, #tpu.memory_space<vmem>>
    %dma_start3A_56 = arith.constant 0 : i32
    %dma_start3A_57 = arith.constant 0 : i32
    %dma_start3A_58 = tpu.memref_slice %arg2[%dma_start3A_56, %dma_start3A_57] : memref<10000x64xf32, #tpu.memory_space<hbm>> -> memref<10000x64xf32, #tpu.memory_space<hbm>>
    tpu.enqueue_indirect_dma source(%dma_start3A_58 : memref<10000x64xf32, #tpu.memory_space<hbm>>) target(%dma_start3A_52 : memref<64x64xf32, #tpu.memory_space<vmem>>) offsets(%dma_start3A_55 : memref<64xi32, #tpu.memory_space<vmem>>) semaphore(%arg19 : memref<!tpu.dma_semaphore, #tpu.memory_space<semaphore_mem>>)
    %dma_start3A_59 = arith.constant 2 : i32
    %dma_start3A_60 = arith.constant 0 : i32
    %dma_start3A_61 = arith.constant 0 : i32
    %dma_start3A_62 = arith.constant 0 : i32
    %dma_start3A_63 = tpu.memref_slice %arg15[%dma_start3A_60, %dma_start3A_61, %dma_start3A_62] : memref<2x64x64xf32, #tpu.memory_space<vmem>> -> memref<1x64x64xf32, #tpu.memory_space<vmem>>
    %dma_start3A_64 = tpu.memref_squeeze %dma_start3A_63 : memref<1x64x64xf32, #tpu.memory_space<vmem>> -> memref<64x64xf32, #tpu.memory_space<vmem>>
    %dma_start3A_65 = arith.constant 0 : i32
    %dma_start3A_66 = tpu.memref_slice %arg11[%dma_start3A_59, %dma_start3A_65] : memref<160x64xi32, #tpu.memory_space<vmem>> -> memref<1x64xi32, #tpu.memory_space<vmem>>
    %dma_start3A_67 = tpu.memref_squeeze %dma_start3A_66 : memref<1x64xi32, #tpu.memory_space<vmem>> -> memref<64xi32, #tpu.memory_space<vmem>>
    %dma_start3A_68 = arith.constant 0 : i32
    %dma_start3A_69 = arith.constant 0 : i32
    %dma_start3A_70 = tpu.memref_slice %arg2[%dma_start3A_68, %dma_start3A_69] : memref<10000x64xf32, #tpu.memory_space<hbm>> -> memref<10000x64xf32, #tpu.memory_space<hbm>>
    tpu.enqueue_indirect_dma source(%dma_start3A_70 : memref<10000x64xf32, #tpu.memory_space<hbm>>) target(%dma_start3A_64 : memref<64x64xf32, #tpu.memory_space<vmem>>) offsets(%dma_start3A_67 : memref<64xi32, #tpu.memory_space<vmem>>) semaphore(%arg20 : memref<!tpu.dma_semaphore, #tpu.memory_space<semaphore_mem>>)
    %dma_start3A_71 = arith.constant 3 : i32
    %dma_start3A_72 = arith.constant 0 : i32
    %dma_start3A_73 = arith.constant 0 : i32
    %dma_start3A_74 = arith.constant 0 : i32
    %dma_start3A_75 = tpu.memref_slice %arg16[%dma_start3A_72, %dma_start3A_73, %dma_start3A_74] : memref<2x64x64xf32, #tpu.memory_space<vmem>> -> memref<1x64x64xf32, #tpu.memory_space<vmem>>
    %dma_start3A_76 = tpu.memref_squeeze %dma_start3A_75 : memref<1x64x64xf32, #tpu.memory_space<vmem>> -> memref<64x64xf32, #tpu.memory_space<vmem>>
    %dma_start3A_77 = arith.constant 0 : i32
    %dma_start3A_78 = tpu.memref_slice %arg11[%dma_start3A_71, %dma_start3A_77] : memref<160x64xi32, #tpu.memory_space<vmem>> -> memref<1x64xi32, #tpu.memory_space<vmem>>
    %dma_start3A_79 = tpu.memref_squeeze %dma_start3A_78 : memref<1x64xi32, #tpu.memory_space<vmem>> -> memref<64xi32, #tpu.memory_space<vmem>>
    %dma_start3A_80 = arith.constant 0 : i32
    %dma_start3A_81 = arith.constant 0 : i32
    %dma_start3A_82 = tpu.memref_slice %arg2[%dma_start3A_80, %dma_start3A_81] : memref<10000x64xf32, #tpu.memory_space<hbm>> -> memref<10000x64xf32, #tpu.memory_space<hbm>>
    tpu.enqueue_indirect_dma source(%dma_start3A_82 : memref<10000x64xf32, #tpu.memory_space<hbm>>) target(%dma_start3A_76 : memref<64x64xf32, #tpu.memory_space<vmem>>) offsets(%dma_start3A_79 : memref<64xi32, #tpu.memory_space<vmem>>) semaphore(%arg21 : memref<!tpu.dma_semaphore, #tpu.memory_space<semaphore_mem>>)
    %dma_start3A_83 = arith.constant 4 : i32
    %dma_start3A_84 = arith.constant 0 : i32
    %dma_start3A_85 = arith.constant 0 : i32
    %dma_start3A_86 = arith.constant 0 : i32
    %dma_start3A_87 = tpu.memref_slice %arg17[%dma_start3A_84, %dma_start3A_85, %dma_start3A_86] : memref<2x64x64xf32, #tpu.memory_space<vmem>> -> memref<1x64x64xf32, #tpu.memory_space<vmem>>
    %dma_start3A_88 = tpu.memref_squeeze %dma_start3A_87 : memref<1x64x64xf32, #tpu.memory_space<vmem>> -> memref<64x64xf32, #tpu.memory_space<vmem>>
    %dma_start3A_89 = arith.constant 0 : i32
    %dma_start3A_90 = tpu.memref_slice %arg11[%dma_start3A_83, %dma_start3A_89] : memref<160x64xi32, #tpu.memory_space<vmem>> -> memref<1x64xi32, #tpu.memory_space<vmem>>
    %dma_start3A_91 = tpu.memref_squeeze %dma_start3A_90 : memref<1x64xi32, #tpu.memory_space<vmem>> -> memref<64xi32, #tpu.memory_space<vmem>>
    %dma_start3A_92 = arith.constant 0 : i32
    %dma_start3A_93 = arith.constant 0 : i32
    %dma_start3A_94 = tpu.memref_slice %arg2[%dma_start3A_92, %dma_start3A_93] : memref<10000x64xf32, #tpu.memory_space<hbm>> -> memref<10000x64xf32, #tpu.memory_space<hbm>>
    tpu.enqueue_indirect_dma source(%dma_start3A_94 : memref<10000x64xf32, #tpu.memory_space<hbm>>) target(%dma_start3A_88 : memref<64x64xf32, #tpu.memory_space<vmem>>) offsets(%dma_start3A_91 : memref<64xi32, #tpu.memory_space<vmem>>) semaphore(%arg22 : memref<!tpu.dma_semaphore, #tpu.memory_space<semaphore_mem>>)
    %scan3A = arith.constant 0 : i32
    %scan3A_95 = arith.constant 0 : i32
    %scan3A_96 = arith.constant 32 : i32
    %scan3A_97 = arith.addi %scan3A_95, %scan3A_96 : i32
    %scan3A_98 = arith.constant 1 : i32
    scf.for %scan3A_196 = %scan3A_95 to %scan3A_97 step %scan3A_98  : i32 {
      %rem3A = arith.constant 2 : i32
      %rem3A_197 = arith.remsi %scan3A_196, %rem3A : i32
      %mul3A_198 = arith.constant 5 : i32
      %mul3A_199 = arith.muli %scan3A_196, %mul3A_198 : i32
      %add3A_200 = arith.constant 0 : i32
      %add3A_201 = arith.addi %mul3A_199, %add3A_200 : i32
      %dma_wait3A_202 = arith.constant 0 : i32
      %dma_wait3A_203 = arith.constant 0 : i32
      %dma_wait3A_204 = tpu.memref_slice %arg13[%rem3A_197, %dma_wait3A_202, %dma_wait3A_203] : memref<2x64x64xf32, #tpu.memory_space<vmem>> -> memref<1x64x64xf32, #tpu.memory_space<vmem>>
      %dma_wait3A_205 = tpu.memref_squeeze %dma_wait3A_204 : memref<1x64x64xf32, #tpu.memory_space<vmem>> -> memref<64x64xf32, #tpu.memory_space<vmem>>
      %dma_wait3A_206 = arith.constant 0 : i32
      %dma_wait3A_207 = tpu.memref_slice %arg11[%add3A_201, %dma_wait3A_206] : memref<160x64xi32, #tpu.memory_space<vmem>> -> memref<1x64xi32, #tpu.memory_space<vmem>>
      %dma_wait3A_208 = tpu.memref_squeeze %dma_wait3A_207 : memref<1x64xi32, #tpu.memory_space<vmem>> -> memref<64xi32, #tpu.memory_space<vmem>>
      %dma_wait3A_209 = arith.constant 0 : i32
      %dma_wait3A_210 = arith.constant 0 : i32
      %dma_wait3A_211 = tpu.memref_slice %arg2[%dma_wait3A_209, %dma_wait3A_210] : memref<10000x64xf32, #tpu.memory_space<hbm>> -> memref<10000x64xf32, #tpu.memory_space<hbm>>
      tpu.wait_indirect_dma semaphore(%arg18 : memref<!tpu.dma_semaphore, #tpu.memory_space<semaphore_mem>>) src(%dma_wait3A_211 : memref<10000x64xf32, #tpu.memory_space<hbm>>) dst(%dma_wait3A_205 : memref<64x64xf32, #tpu.memory_space<vmem>>)
      %ge3A = arith.constant 1 : i32
      %ge3A_212 = arith.cmpi sge, %scan3A_196, %ge3A : i32
      %convert_element_type3A = arith.extui %ge3A_212 : i1 to i32
      %cond3A = arith.constant 0 : i32
      %cond3A_213 = arith.cmpi ne, %convert_element_type3A, %cond3A : i32
      scf.if %cond3A_213 {
        %sub3A = arith.constant 1 : i32
        %sub3A_404 = arith.subi %sub3A, %rem3A_197 : i32
        %sub3A_405 = arith.constant 5 : i32
        %sub3A_406 = arith.subi %add3A_201, %sub3A_405 : i32
        %dma_wait3A_407 = arith.constant 0 : i32
        %dma_wait3A_408 = arith.constant 0 : i32
        %dma_wait3A_409 = tpu.memref_slice %arg13[%sub3A_404, %dma_wait3A_407, %dma_wait3A_408] : memref<2x64x64xf32, #tpu.memory_space<vmem>> -> memref<1x64x64xf32, #tpu.memory_space<vmem>>
        %dma_wait3A_410 = tpu.memref_squeeze %dma_wait3A_409 : memref<1x64x64xf32, #tpu.memory_space<vmem>> -> memref<64x64xf32, #tpu.memory_space<vmem>>
        %dma_wait3A_411 = arith.constant 0 : i32
        %dma_wait3A_412 = tpu.memref_slice %arg12[%sub3A_406, %dma_wait3A_411] : memref<160x64xi32, #tpu.memory_space<vmem>> -> memref<1x64xi32, #tpu.memory_space<vmem>>
        %dma_wait3A_413 = tpu.memref_squeeze %dma_wait3A_412 : memref<1x64xi32, #tpu.memory_space<vmem>> -> memref<64xi32, #tpu.memory_space<vmem>>
        %dma_wait3A_414 = arith.constant 0 : i32
        %dma_wait3A_415 = arith.constant 0 : i32
        %dma_wait3A_416 = tpu.memref_slice %arg10[%dma_wait3A_414, %dma_wait3A_415] : memref<10112x64xf32, #tpu.memory_space<vmem_shared>> -> memref<10112x64xf32, #tpu.memory_space<vmem_shared>>
        tpu.wait_indirect_dma semaphore(%arg23 : memref<!tpu.dma_semaphore, #tpu.memory_space<semaphore_mem>>) src(%dma_wait3A_410 : memref<64x64xf32, #tpu.memory_space<vmem>>) dst(%dma_wait3A_416 : memref<10112x64xf32, #tpu.memory_space<vmem_shared>>)
        %sub3A_417 = arith.constant 5 : i32
        %sub3A_418 = arith.subi %add3A_201, %sub3A_417 : i32
        %dma_wait3A_419 = arith.constant 0 : i32
        %dma_wait3A_420 = tpu.memref_slice %arg12[%sub3A_418, %dma_wait3A_419] : memref<160x64xi32, #tpu.memory_space<vmem>> -> memref<1x64xi32, #tpu.memory_space<vmem>>
        %dma_wait3A_421 = tpu.memref_squeeze %dma_wait3A_420 : memref<1x64xi32, #tpu.memory_space<vmem>> -> memref<64xi32, #tpu.memory_space<vmem>>
        %dma_wait3A_422 = arith.constant 0 : i32
        %dma_wait3A_423 = arith.constant 0 : i32
        %dma_wait3A_424 = tpu.memref_slice %arg29[%dma_wait3A_422, %dma_wait3A_423] : memref<10112x16xf32, #tpu.memory_space<vmem_shared>> -> memref<10112x16xf32, #tpu.memory_space<vmem_shared>>
        tpu.wait_indirect_dma semaphore(%arg31 : memref<!tpu.dma_semaphore, #tpu.memory_space<semaphore_mem>>) src(%arg30 : memref<64x16xf32, #tpu.memory_space<vmem>>) dst(%dma_wait3A_424 : memref<10112x16xf32, #tpu.memory_space<vmem_shared>>)
      } else {
      }
      %add3A_214 = arith.constant 5 : i32
      %add3A_215 = arith.addi %add3A_201, %add3A_214 : i32
      %lt3A = arith.constant 160 : i32
      %lt3A_216 = arith.cmpi slt, %add3A_215, %lt3A : i32
      %convert_element_type3A_217 = arith.extui %lt3A_216 : i1 to i32
      %cond3A_218 = arith.constant 0 : i32
      %cond3A_219 = arith.cmpi ne, %convert_element_type3A_217, %cond3A_218 : i32
      scf.if %cond3A_219 {
        %add3A_404 = arith.constant 5 : i32
        %add3A_405 = arith.addi %add3A_201, %add3A_404 : i32
        %sub3A = arith.constant 1 : i32
        %sub3A_406 = arith.subi %sub3A, %rem3A_197 : i32
        %dma_start3A_407 = arith.constant 0 : i32
        %dma_start3A_408 = arith.constant 0 : i32
        %dma_start3A_409 = tpu.memref_slice %arg13[%sub3A_406, %dma_start3A_407, %dma_start3A_408] : memref<2x64x64xf32, #tpu.memory_space<vmem>> -> memref<1x64x64xf32, #tpu.memory_space<vmem>>
        %dma_start3A_410 = tpu.memref_squeeze %dma_start3A_409 : memref<1x64x64xf32, #tpu.memory_space<vmem>> -> memref<64x64xf32, #tpu.memory_space<vmem>>
        %dma_start3A_411 = arith.constant 0 : i32
        %dma_start3A_412 = tpu.memref_slice %arg11[%add3A_405, %dma_start3A_411] : memref<160x64xi32, #tpu.memory_space<vmem>> -> memref<1x64xi32, #tpu.memory_space<vmem>>
        %dma_start3A_413 = tpu.memref_squeeze %dma_start3A_412 : memref<1x64xi32, #tpu.memory_space<vmem>> -> memref<64xi32, #tpu.memory_space<vmem>>
        %dma_start3A_414 = arith.constant 0 : i32
        %dma_start3A_415 = arith.constant 0 : i32
        %dma_start3A_416 = tpu.memref_slice %arg2[%dma_start3A_414, %dma_start3A_415] : memref<10000x64xf32, #tpu.memory_space<hbm>> -> memref<10000x64xf32, #tpu.memory_space<hbm>>
        tpu.enqueue_indirect_dma source(%dma_start3A_416 : memref<10000x64xf32, #tpu.memory_space<hbm>>) target(%dma_start3A_410 : memref<64x64xf32, #tpu.memory_space<vmem>>) offsets(%dma_start3A_413 : memref<64xi32, #tpu.memory_space<vmem>>) semaphore(%arg18 : memref<!tpu.dma_semaphore, #tpu.memory_space<semaphore_mem>>)
      } else {
      }
      %dma_start3A_220 = arith.constant 0 : i32
      %dma_start3A_221 = arith.constant 0 : i32
      %dma_start3A_222 = tpu.memref_slice %arg13[%rem3A_197, %dma_start3A_220, %dma_start3A_221] : memref<2x64x64xf32, #tpu.memory_space<vmem>> -> memref<1x64x64xf32, #tpu.memory_space<vmem>>
      %dma_start3A_223 = tpu.memref_squeeze %dma_start3A_222 : memref<1x64x64xf32, #tpu.memory_space<vmem>> -> memref<64x64xf32, #tpu.memory_space<vmem>>
      %dma_start3A_224 = arith.constant 0 : i32
      %dma_start3A_225 = tpu.memref_slice %arg12[%add3A_201, %dma_start3A_224] : memref<160x64xi32, #tpu.memory_space<vmem>> -> memref<1x64xi32, #tpu.memory_space<vmem>>
      %dma_start3A_226 = tpu.memref_squeeze %dma_start3A_225 : memref<1x64xi32, #tpu.memory_space<vmem>> -> memref<64xi32, #tpu.memory_space<vmem>>
      %dma_start3A_227 = arith.constant 0 : i32
      %dma_start3A_228 = arith.constant 0 : i32
      %dma_start3A_229 = tpu.memref_slice %arg10[%dma_start3A_227, %dma_start3A_228] : memref<10112x64xf32, #tpu.memory_space<vmem_shared>> -> memref<10112x64xf32, #tpu.memory_space<vmem_shared>>
      tpu.enqueue_indirect_dma source(%dma_start3A_223 : memref<64x64xf32, #tpu.memory_space<vmem>>) target(%dma_start3A_229 : memref<10112x64xf32, #tpu.memory_space<vmem_shared>>) offsets(%dma_start3A_226 : memref<64xi32, #tpu.memory_space<vmem>>) semaphore(%arg23 : memref<!tpu.dma_semaphore, #tpu.memory_space<semaphore_mem>>) {add = true}
      %dma_start3A_230 = arith.constant 0 : i32
      %dma_start3A_231 = tpu.memref_slice %arg12[%add3A_201, %dma_start3A_230] : memref<160x64xi32, #tpu.memory_space<vmem>> -> memref<1x64xi32, #tpu.memory_space<vmem>>
      %dma_start3A_232 = tpu.memref_squeeze %dma_start3A_231 : memref<1x64xi32, #tpu.memory_space<vmem>> -> memref<64xi32, #tpu.memory_space<vmem>>
      %dma_start3A_233 = arith.constant 0 : i32
      %dma_start3A_234 = arith.constant 0 : i32
      %dma_start3A_235 = tpu.memref_slice %arg29[%dma_start3A_233, %dma_start3A_234] : memref<10112x16xf32, #tpu.memory_space<vmem_shared>> -> memref<10112x16xf32, #tpu.memory_space<vmem_shared>>
      tpu.enqueue_indirect_dma source(%arg30 : memref<64x16xf32, #tpu.memory_space<vmem>>) target(%dma_start3A_235 : memref<10112x16xf32, #tpu.memory_space<vmem_shared>>) offsets(%dma_start3A_232 : memref<64xi32, #tpu.memory_space<vmem>>) semaphore(%arg31 : memref<!tpu.dma_semaphore, #tpu.memory_space<semaphore_mem>>) {add = true}
      %mul3A_236 = arith.constant 5 : i32
      %mul3A_237 = arith.muli %scan3A_196, %mul3A_236 : i32
      %add3A_238 = arith.constant 1 : i32
      %add3A_239 = arith.addi %mul3A_237, %add3A_238 : i32
      %dma_wait3A_240 = arith.constant 0 : i32
      %dma_wait3A_241 = arith.constant 0 : i32
      %dma_wait3A_242 = tpu.memref_slice %arg14[%rem3A_197, %dma_wait3A_240, %dma_wait3A_241] : memref<2x64x64xf32, #tpu.memory_space<vmem>> -> memref<1x64x64xf32, #tpu.memory_space<vmem>>
      %dma_wait3A_243 = tpu.memref_squeeze %dma_wait3A_242 : memref<1x64x64xf32, #tpu.memory_space<vmem>> -> memref<64x64xf32, #tpu.memory_space<vmem>>
      %dma_wait3A_244 = arith.constant 0 : i32
      %dma_wait3A_245 = tpu.memref_slice %arg11[%add3A_239, %dma_wait3A_244] : memref<160x64xi32, #tpu.memory_space<vmem>> -> memref<1x64xi32, #tpu.memory_space<vmem>>
      %dma_wait3A_246 = tpu.memref_squeeze %dma_wait3A_245 : memref<1x64xi32, #tpu.memory_space<vmem>> -> memref<64xi32, #tpu.memory_space<vmem>>
      %dma_wait3A_247 = arith.constant 0 : i32
      %dma_wait3A_248 = arith.constant 0 : i32
      %dma_wait3A_249 = tpu.memref_slice %arg2[%dma_wait3A_247, %dma_wait3A_248] : memref<10000x64xf32, #tpu.memory_space<hbm>> -> memref<10000x64xf32, #tpu.memory_space<hbm>>
      tpu.wait_indirect_dma semaphore(%arg19 : memref<!tpu.dma_semaphore, #tpu.memory_space<semaphore_mem>>) src(%dma_wait3A_249 : memref<10000x64xf32, #tpu.memory_space<hbm>>) dst(%dma_wait3A_243 : memref<64x64xf32, #tpu.memory_space<vmem>>)
      %ge3A_250 = arith.constant 1 : i32
      %ge3A_251 = arith.cmpi sge, %scan3A_196, %ge3A_250 : i32
      %convert_element_type3A_252 = arith.extui %ge3A_251 : i1 to i32
      %cond3A_253 = arith.constant 0 : i32
      %cond3A_254 = arith.cmpi ne, %convert_element_type3A_252, %cond3A_253 : i32
      scf.if %cond3A_254 {
        %sub3A = arith.constant 1 : i32
        %sub3A_404 = arith.subi %sub3A, %rem3A_197 : i32
        %sub3A_405 = arith.constant 5 : i32
        %sub3A_406 = arith.subi %add3A_239, %sub3A_405 : i32
        %dma_wait3A_407 = arith.constant 0 : i32
        %dma_wait3A_408 = arith.constant 0 : i32
        %dma_wait3A_409 = tpu.memref_slice %arg14[%sub3A_404, %dma_wait3A_407, %dma_wait3A_408] : memref<2x64x64xf32, #tpu.memory_space<vmem>> -> memref<1x64x64xf32, #tpu.memory_space<vmem>>
        %dma_wait3A_410 = tpu.memref_squeeze %dma_wait3A_409 : memref<1x64x64xf32, #tpu.memory_space<vmem>> -> memref<64x64xf32, #tpu.memory_space<vmem>>
        %dma_wait3A_411 = arith.constant 0 : i32
        %dma_wait3A_412 = tpu.memref_slice %arg12[%sub3A_406, %dma_wait3A_411] : memref<160x64xi32, #tpu.memory_space<vmem>> -> memref<1x64xi32, #tpu.memory_space<vmem>>
        %dma_wait3A_413 = tpu.memref_squeeze %dma_wait3A_412 : memref<1x64xi32, #tpu.memory_space<vmem>> -> memref<64xi32, #tpu.memory_space<vmem>>
        %dma_wait3A_414 = arith.constant 0 : i32
        %dma_wait3A_415 = arith.constant 0 : i32
        %dma_wait3A_416 = tpu.memref_slice %arg10[%dma_wait3A_414, %dma_wait3A_415] : memref<10112x64xf32, #tpu.memory_space<vmem_shared>> -> memref<10112x64xf32, #tpu.memory_space<vmem_shared>>
        tpu.wait_indirect_dma semaphore(%arg24 : memref<!tpu.dma_semaphore, #tpu.memory_space<semaphore_mem>>) src(%dma_wait3A_410 : memref<64x64xf32, #tpu.memory_space<vmem>>) dst(%dma_wait3A_416 : memref<10112x64xf32, #tpu.memory_space<vmem_shared>>)
        %sub3A_417 = arith.constant 5 : i32
        %sub3A_418 = arith.subi %add3A_239, %sub3A_417 : i32
        %dma_wait3A_419 = arith.constant 0 : i32
        %dma_wait3A_420 = tpu.memref_slice %arg12[%sub3A_418, %dma_wait3A_419] : memref<160x64xi32, #tpu.memory_space<vmem>> -> memref<1x64xi32, #tpu.memory_space<vmem>>
        %dma_wait3A_421 = tpu.memref_squeeze %dma_wait3A_420 : memref<1x64xi32, #tpu.memory_space<vmem>> -> memref<64xi32, #tpu.memory_space<vmem>>
        %dma_wait3A_422 = arith.constant 0 : i32
        %dma_wait3A_423 = arith.constant 0 : i32
        %dma_wait3A_424 = tpu.memref_slice %arg29[%dma_wait3A_422, %dma_wait3A_423] : memref<10112x16xf32, #tpu.memory_space<vmem_shared>> -> memref<10112x16xf32, #tpu.memory_space<vmem_shared>>
        tpu.wait_indirect_dma semaphore(%arg32 : memref<!tpu.dma_semaphore, #tpu.memory_space<semaphore_mem>>) src(%arg30 : memref<64x16xf32, #tpu.memory_space<vmem>>) dst(%dma_wait3A_424 : memref<10112x16xf32, #tpu.memory_space<vmem_shared>>)
      } else {
      }
      %add3A_255 = arith.constant 5 : i32
      %add3A_256 = arith.addi %add3A_239, %add3A_255 : i32
      %lt3A_257 = arith.constant 160 : i32
      %lt3A_258 = arith.cmpi slt, %add3A_256, %lt3A_257 : i32
      %convert_element_type3A_259 = arith.extui %lt3A_258 : i1 to i32
      %cond3A_260 = arith.constant 0 : i32
      %cond3A_261 = arith.cmpi ne, %convert_element_type3A_259, %cond3A_260 : i32
      scf.if %cond3A_261 {
        %add3A_404 = arith.constant 5 : i32
        %add3A_405 = arith.addi %add3A_239, %add3A_404 : i32
        %sub3A = arith.constant 1 : i32
        %sub3A_406 = arith.subi %sub3A, %rem3A_197 : i32
        %dma_start3A_407 = arith.constant 0 : i32
        %dma_start3A_408 = arith.constant 0 : i32
        %dma_start3A_409 = tpu.memref_slice %arg14[%sub3A_406, %dma_start3A_407, %dma_start3A_408] : memref<2x64x64xf32, #tpu.memory_space<vmem>> -> memref<1x64x64xf32, #tpu.memory_space<vmem>>
        %dma_start3A_410 = tpu.memref_squeeze %dma_start3A_409 : memref<1x64x64xf32, #tpu.memory_space<vmem>> -> memref<64x64xf32, #tpu.memory_space<vmem>>
        %dma_start3A_411 = arith.constant 0 : i32
        %dma_start3A_412 = tpu.memref_slice %arg11[%add3A_405, %dma_start3A_411] : memref<160x64xi32, #tpu.memory_space<vmem>> -> memref<1x64xi32, #tpu.memory_space<vmem>>
        %dma_start3A_413 = tpu.memref_squeeze %dma_start3A_412 : memref<1x64xi32, #tpu.memory_space<vmem>> -> memref<64xi32, #tpu.memory_space<vmem>>
        %dma_start3A_414 = arith.constant 0 : i32
        %dma_start3A_415 = arith.constant 0 : i32
        %dma_start3A_416 = tpu.memref_slice %arg2[%dma_start3A_414, %dma_start3A_415] : memref<10000x64xf32, #tpu.memory_space<hbm>> -> memref<10000x64xf32, #tpu.memory_space<hbm>>
        tpu.enqueue_indirect_dma source(%dma_start3A_416 : memref<10000x64xf32, #tpu.memory_space<hbm>>) target(%dma_start3A_410 : memref<64x64xf32, #tpu.memory_space<vmem>>) offsets(%dma_start3A_413 : memref<64xi32, #tpu.memory_space<vmem>>) semaphore(%arg19 : memref<!tpu.dma_semaphore, #tpu.memory_space<semaphore_mem>>)
      } else {
      }
      %dma_start3A_262 = arith.constant 0 : i32
      %dma_start3A_263 = arith.constant 0 : i32
      %dma_start3A_264 = tpu.memref_slice %arg14[%rem3A_197, %dma_start3A_262, %dma_start3A_263] : memref<2x64x64xf32, #tpu.memory_space<vmem>> -> memref<1x64x64xf32, #tpu.memory_space<vmem>>
      %dma_start3A_265 = tpu.memref_squeeze %dma_start3A_264 : memref<1x64x64xf32, #tpu.memory_space<vmem>> -> memref<64x64xf32, #tpu.memory_space<vmem>>
      %dma_start3A_266 = arith.constant 0 : i32
      %dma_start3A_267 = tpu.memref_slice %arg12[%add3A_239, %dma_start3A_266] : memref<160x64xi32, #tpu.memory_space<vmem>> -> memref<1x64xi32, #tpu.memory_space<vmem>>
      %dma_start3A_268 = tpu.memref_squeeze %dma_start3A_267 : memref<1x64xi32, #tpu.memory_space<vmem>> -> memref<64xi32, #tpu.memory_space<vmem>>
      %dma_start3A_269 = arith.constant 0 : i32
      %dma_start3A_270 = arith.constant 0 : i32
      %dma_start3A_271 = tpu.memref_slice %arg10[%dma_start3A_269, %dma_start3A_270] : memref<10112x64xf32, #tpu.memory_space<vmem_shared>> -> memref<10112x64xf32, #tpu.memory_space<vmem_shared>>
      tpu.enqueue_indirect_dma source(%dma_start3A_265 : memref<64x64xf32, #tpu.memory_space<vmem>>) target(%dma_start3A_271 : memref<10112x64xf32, #tpu.memory_space<vmem_shared>>) offsets(%dma_start3A_268 : memref<64xi32, #tpu.memory_space<vmem>>) semaphore(%arg24 : memref<!tpu.dma_semaphore, #tpu.memory_space<semaphore_mem>>) {add = true}
      %dma_start3A_272 = arith.constant 0 : i32
      %dma_start3A_273 = tpu.memref_slice %arg12[%add3A_239, %dma_start3A_272] : memref<160x64xi32, #tpu.memory_space<vmem>> -> memref<1x64xi32, #tpu.memory_space<vmem>>
      %dma_start3A_274 = tpu.memref_squeeze %dma_start3A_273 : memref<1x64xi32, #tpu.memory_space<vmem>> -> memref<64xi32, #tpu.memory_space<vmem>>
      %dma_start3A_275 = arith.constant 0 : i32
      %dma_start3A_276 = arith.constant 0 : i32
      %dma_start3A_277 = tpu.memref_slice %arg29[%dma_start3A_275, %dma_start3A_276] : memref<10112x16xf32, #tpu.memory_space<vmem_shared>> -> memref<10112x16xf32, #tpu.memory_space<vmem_shared>>
      tpu.enqueue_indirect_dma source(%arg30 : memref<64x16xf32, #tpu.memory_space<vmem>>) target(%dma_start3A_277 : memref<10112x16xf32, #tpu.memory_space<vmem_shared>>) offsets(%dma_start3A_274 : memref<64xi32, #tpu.memory_space<vmem>>) semaphore(%arg32 : memref<!tpu.dma_semaphore, #tpu.memory_space<semaphore_mem>>) {add = true}
      %mul3A_278 = arith.constant 5 : i32
      %mul3A_279 = arith.muli %scan3A_196, %mul3A_278 : i32
      %add3A_280 = arith.constant 2 : i32
      %add3A_281 = arith.addi %mul3A_279, %add3A_280 : i32
      %dma_wait3A_282 = arith.constant 0 : i32
      %dma_wait3A_283 = arith.constant 0 : i32
      %dma_wait3A_284 = tpu.memref_slice %arg15[%rem3A_197, %dma_wait3A_282, %dma_wait3A_283] : memref<2x64x64xf32, #tpu.memory_space<vmem>> -> memref<1x64x64xf32, #tpu.memory_space<vmem>>
      %dma_wait3A_285 = tpu.memref_squeeze %dma_wait3A_284 : memref<1x64x64xf32, #tpu.memory_space<vmem>> -> memref<64x64xf32, #tpu.memory_space<vmem>>
      %dma_wait3A_286 = arith.constant 0 : i32
      %dma_wait3A_287 = tpu.memref_slice %arg11[%add3A_281, %dma_wait3A_286] : memref<160x64xi32, #tpu.memory_space<vmem>> -> memref<1x64xi32, #tpu.memory_space<vmem>>
      %dma_wait3A_288 = tpu.memref_squeeze %dma_wait3A_287 : memref<1x64xi32, #tpu.memory_space<vmem>> -> memref<64xi32, #tpu.memory_space<vmem>>
      %dma_wait3A_289 = arith.constant 0 : i32
      %dma_wait3A_290 = arith.constant 0 : i32
      %dma_wait3A_291 = tpu.memref_slice %arg2[%dma_wait3A_289, %dma_wait3A_290] : memref<10000x64xf32, #tpu.memory_space<hbm>> -> memref<10000x64xf32, #tpu.memory_space<hbm>>
      tpu.wait_indirect_dma semaphore(%arg20 : memref<!tpu.dma_semaphore, #tpu.memory_space<semaphore_mem>>) src(%dma_wait3A_291 : memref<10000x64xf32, #tpu.memory_space<hbm>>) dst(%dma_wait3A_285 : memref<64x64xf32, #tpu.memory_space<vmem>>)
      %ge3A_292 = arith.constant 1 : i32
      %ge3A_293 = arith.cmpi sge, %scan3A_196, %ge3A_292 : i32
      %convert_element_type3A_294 = arith.extui %ge3A_293 : i1 to i32
      %cond3A_295 = arith.constant 0 : i32
      %cond3A_296 = arith.cmpi ne, %convert_element_type3A_294, %cond3A_295 : i32
      scf.if %cond3A_296 {
        %sub3A = arith.constant 1 : i32
        %sub3A_404 = arith.subi %sub3A, %rem3A_197 : i32
        %sub3A_405 = arith.constant 5 : i32
        %sub3A_406 = arith.subi %add3A_281, %sub3A_405 : i32
        %dma_wait3A_407 = arith.constant 0 : i32
        %dma_wait3A_408 = arith.constant 0 : i32
        %dma_wait3A_409 = tpu.memref_slice %arg15[%sub3A_404, %dma_wait3A_407, %dma_wait3A_408] : memref<2x64x64xf32, #tpu.memory_space<vmem>> -> memref<1x64x64xf32, #tpu.memory_space<vmem>>
        %dma_wait3A_410 = tpu.memref_squeeze %dma_wait3A_409 : memref<1x64x64xf32, #tpu.memory_space<vmem>> -> memref<64x64xf32, #tpu.memory_space<vmem>>
        %dma_wait3A_411 = arith.constant 0 : i32
        %dma_wait3A_412 = tpu.memref_slice %arg12[%sub3A_406, %dma_wait3A_411] : memref<160x64xi32, #tpu.memory_space<vmem>> -> memref<1x64xi32, #tpu.memory_space<vmem>>
        %dma_wait3A_413 = tpu.memref_squeeze %dma_wait3A_412 : memref<1x64xi32, #tpu.memory_space<vmem>> -> memref<64xi32, #tpu.memory_space<vmem>>
        %dma_wait3A_414 = arith.constant 0 : i32
        %dma_wait3A_415 = arith.constant 0 : i32
        %dma_wait3A_416 = tpu.memref_slice %arg10[%dma_wait3A_414, %dma_wait3A_415] : memref<10112x64xf32, #tpu.memory_space<vmem_shared>> -> memref<10112x64xf32, #tpu.memory_space<vmem_shared>>
        tpu.wait_indirect_dma semaphore(%arg25 : memref<!tpu.dma_semaphore, #tpu.memory_space<semaphore_mem>>) src(%dma_wait3A_410 : memref<64x64xf32, #tpu.memory_space<vmem>>) dst(%dma_wait3A_416 : memref<10112x64xf32, #tpu.memory_space<vmem_shared>>)
        %sub3A_417 = arith.constant 5 : i32
        %sub3A_418 = arith.subi %add3A_281, %sub3A_417 : i32
        %dma_wait3A_419 = arith.constant 0 : i32
        %dma_wait3A_420 = tpu.memref_slice %arg12[%sub3A_418, %dma_wait3A_419] : memref<160x64xi32, #tpu.memory_space<vmem>> -> memref<1x64xi32, #tpu.memory_space<vmem>>
        %dma_wait3A_421 = tpu.memref_squeeze %dma_wait3A_420 : memref<1x64xi32, #tpu.memory_space<vmem>> -> memref<64xi32, #tpu.memory_space<vmem>>
        %dma_wait3A_422 = arith.constant 0 : i32
        %dma_wait3A_423 = arith.constant 0 : i32
        %dma_wait3A_424 = tpu.memref_slice %arg29[%dma_wait3A_422, %dma_wait3A_423] : memref<10112x16xf32, #tpu.memory_space<vmem_shared>> -> memref<10112x16xf32, #tpu.memory_space<vmem_shared>>
        tpu.wait_indirect_dma semaphore(%arg33 : memref<!tpu.dma_semaphore, #tpu.memory_space<semaphore_mem>>) src(%arg30 : memref<64x16xf32, #tpu.memory_space<vmem>>) dst(%dma_wait3A_424 : memref<10112x16xf32, #tpu.memory_space<vmem_shared>>)
      } else {
      }
      %add3A_297 = arith.constant 5 : i32
      %add3A_298 = arith.addi %add3A_281, %add3A_297 : i32
      %lt3A_299 = arith.constant 160 : i32
      %lt3A_300 = arith.cmpi slt, %add3A_298, %lt3A_299 : i32
      %convert_element_type3A_301 = arith.extui %lt3A_300 : i1 to i32
      %cond3A_302 = arith.constant 0 : i32
      %cond3A_303 = arith.cmpi ne, %convert_element_type3A_301, %cond3A_302 : i32
      scf.if %cond3A_303 {
        %add3A_404 = arith.constant 5 : i32
        %add3A_405 = arith.addi %add3A_281, %add3A_404 : i32
        %sub3A = arith.constant 1 : i32
        %sub3A_406 = arith.subi %sub3A, %rem3A_197 : i32
        %dma_start3A_407 = arith.constant 0 : i32
        %dma_start3A_408 = arith.constant 0 : i32
        %dma_start3A_409 = tpu.memref_slice %arg15[%sub3A_406, %dma_start3A_407, %dma_start3A_408] : memref<2x64x64xf32, #tpu.memory_space<vmem>> -> memref<1x64x64xf32, #tpu.memory_space<vmem>>
        %dma_start3A_410 = tpu.memref_squeeze %dma_start3A_409 : memref<1x64x64xf32, #tpu.memory_space<vmem>> -> memref<64x64xf32, #tpu.memory_space<vmem>>
        %dma_start3A_411 = arith.constant 0 : i32
        %dma_start3A_412 = tpu.memref_slice %arg11[%add3A_405, %dma_start3A_411] : memref<160x64xi32, #tpu.memory_space<vmem>> -> memref<1x64xi32, #tpu.memory_space<vmem>>
        %dma_start3A_413 = tpu.memref_squeeze %dma_start3A_412 : memref<1x64xi32, #tpu.memory_space<vmem>> -> memref<64xi32, #tpu.memory_space<vmem>>
        %dma_start3A_414 = arith.constant 0 : i32
        %dma_start3A_415 = arith.constant 0 : i32
        %dma_start3A_416 = tpu.memref_slice %arg2[%dma_start3A_414, %dma_start3A_415] : memref<10000x64xf32, #tpu.memory_space<hbm>> -> memref<10000x64xf32, #tpu.memory_space<hbm>>
        tpu.enqueue_indirect_dma source(%dma_start3A_416 : memref<10000x64xf32, #tpu.memory_space<hbm>>) target(%dma_start3A_410 : memref<64x64xf32, #tpu.memory_space<vmem>>) offsets(%dma_start3A_413 : memref<64xi32, #tpu.memory_space<vmem>>) semaphore(%arg20 : memref<!tpu.dma_semaphore, #tpu.memory_space<semaphore_mem>>)
      } else {
      }
      %dma_start3A_304 = arith.constant 0 : i32
      %dma_start3A_305 = arith.constant 0 : i32
      %dma_start3A_306 = tpu.memref_slice %arg15[%rem3A_197, %dma_start3A_304, %dma_start3A_305] : memref<2x64x64xf32, #tpu.memory_space<vmem>> -> memref<1x64x64xf32, #tpu.memory_space<vmem>>
      %dma_start3A_307 = tpu.memref_squeeze %dma_start3A_306 : memref<1x64x64xf32, #tpu.memory_space<vmem>> -> memref<64x64xf32, #tpu.memory_space<vmem>>
      %dma_start3A_308 = arith.constant 0 : i32
      %dma_start3A_309 = tpu.memref_slice %arg12[%add3A_281, %dma_start3A_308] : memref<160x64xi32, #tpu.memory_space<vmem>> -> memref<1x64xi32, #tpu.memory_space<vmem>>
      %dma_start3A_310 = tpu.memref_squeeze %dma_start3A_309 : memref<1x64xi32, #tpu.memory_space<vmem>> -> memref<64xi32, #tpu.memory_space<vmem>>
      %dma_start3A_311 = arith.constant 0 : i32
      %dma_start3A_312 = arith.constant 0 : i32
      %dma_start3A_313 = tpu.memref_slice %arg10[%dma_start3A_311, %dma_start3A_312] : memref<10112x64xf32, #tpu.memory_space<vmem_shared>> -> memref<10112x64xf32, #tpu.memory_space<vmem_shared>>
      tpu.enqueue_indirect_dma source(%dma_start3A_307 : memref<64x64xf32, #tpu.memory_space<vmem>>) target(%dma_start3A_313 : memref<10112x64xf32, #tpu.memory_space<vmem_shared>>) offsets(%dma_start3A_310 : memref<64xi32, #tpu.memory_space<vmem>>) semaphore(%arg25 : memref<!tpu.dma_semaphore, #tpu.memory_space<semaphore_mem>>) {add = true}
      %dma_start3A_314 = arith.constant 0 : i32
      %dma_start3A_315 = tpu.memref_slice %arg12[%add3A_281, %dma_start3A_314] : memref<160x64xi32, #tpu.memory_space<vmem>> -> memref<1x64xi32, #tpu.memory_space<vmem>>
      %dma_start3A_316 = tpu.memref_squeeze %dma_start3A_315 : memref<1x64xi32, #tpu.memory_space<vmem>> -> memref<64xi32, #tpu.memory_space<vmem>>
      %dma_start3A_317 = arith.constant 0 : i32
      %dma_start3A_318 = arith.constant 0 : i32
      %dma_start3A_319 = tpu.memref_slice %arg29[%dma_start3A_317, %dma_start3A_318] : memref<10112x16xf32, #tpu.memory_space<vmem_shared>> -> memref<10112x16xf32, #tpu.memory_space<vmem_shared>>
      tpu.enqueue_indirect_dma source(%arg30 : memref<64x16xf32, #tpu.memory_space<vmem>>) target(%dma_start3A_319 : memref<10112x16xf32, #tpu.memory_space<vmem_shared>>) offsets(%dma_start3A_316 : memref<64xi32, #tpu.memory_space<vmem>>) semaphore(%arg33 : memref<!tpu.dma_semaphore, #tpu.memory_space<semaphore_mem>>) {add = true}
      %mul3A_320 = arith.constant 5 : i32
      %mul3A_321 = arith.muli %scan3A_196, %mul3A_320 : i32
      %add3A_322 = arith.constant 3 : i32
      %add3A_323 = arith.addi %mul3A_321, %add3A_322 : i32
      %dma_wait3A_324 = arith.constant 0 : i32
      %dma_wait3A_325 = arith.constant 0 : i32
      %dma_wait3A_326 = tpu.memref_slice %arg16[%rem3A_197, %dma_wait3A_324, %dma_wait3A_325] : memref<2x64x64xf32, #tpu.memory_space<vmem>> -> memref<1x64x64xf32, #tpu.memory_space<vmem>>
      %dma_wait3A_327 = tpu.memref_squeeze %dma_wait3A_326 : memref<1x64x64xf32, #tpu.memory_space<vmem>> -> memref<64x64xf32, #tpu.memory_space<vmem>>
      %dma_wait3A_328 = arith.constant 0 : i32
      %dma_wait3A_329 = tpu.memref_slice %arg11[%add3A_323, %dma_wait3A_328] : memref<160x64xi32, #tpu.memory_space<vmem>> -> memref<1x64xi32, #tpu.memory_space<vmem>>
      %dma_wait3A_330 = tpu.memref_squeeze %dma_wait3A_329 : memref<1x64xi32, #tpu.memory_space<vmem>> -> memref<64xi32, #tpu.memory_space<vmem>>
      %dma_wait3A_331 = arith.constant 0 : i32
      %dma_wait3A_332 = arith.constant 0 : i32
      %dma_wait3A_333 = tpu.memref_slice %arg2[%dma_wait3A_331, %dma_wait3A_332] : memref<10000x64xf32, #tpu.memory_space<hbm>> -> memref<10000x64xf32, #tpu.memory_space<hbm>>
      tpu.wait_indirect_dma semaphore(%arg21 : memref<!tpu.dma_semaphore, #tpu.memory_space<semaphore_mem>>) src(%dma_wait3A_333 : memref<10000x64xf32, #tpu.memory_space<hbm>>) dst(%dma_wait3A_327 : memref<64x64xf32, #tpu.memory_space<vmem>>)
      %ge3A_334 = arith.constant 1 : i32
      %ge3A_335 = arith.cmpi sge, %scan3A_196, %ge3A_334 : i32
      %convert_element_type3A_336 = arith.extui %ge3A_335 : i1 to i32
      %cond3A_337 = arith.constant 0 : i32
      %cond3A_338 = arith.cmpi ne, %convert_element_type3A_336, %cond3A_337 : i32
      scf.if %cond3A_338 {
        %sub3A = arith.constant 1 : i32
        %sub3A_404 = arith.subi %sub3A, %rem3A_197 : i32
        %sub3A_405 = arith.constant 5 : i32
        %sub3A_406 = arith.subi %add3A_323, %sub3A_405 : i32
        %dma_wait3A_407 = arith.constant 0 : i32
        %dma_wait3A_408 = arith.constant 0 : i32
        %dma_wait3A_409 = tpu.memref_slice %arg16[%sub3A_404, %dma_wait3A_407, %dma_wait3A_408] : memref<2x64x64xf32, #tpu.memory_space<vmem>> -> memref<1x64x64xf32, #tpu.memory_space<vmem>>
        %dma_wait3A_410 = tpu.memref_squeeze %dma_wait3A_409 : memref<1x64x64xf32, #tpu.memory_space<vmem>> -> memref<64x64xf32, #tpu.memory_space<vmem>>
        %dma_wait3A_411 = arith.constant 0 : i32
        %dma_wait3A_412 = tpu.memref_slice %arg12[%sub3A_406, %dma_wait3A_411] : memref<160x64xi32, #tpu.memory_space<vmem>> -> memref<1x64xi32, #tpu.memory_space<vmem>>
        %dma_wait3A_413 = tpu.memref_squeeze %dma_wait3A_412 : memref<1x64xi32, #tpu.memory_space<vmem>> -> memref<64xi32, #tpu.memory_space<vmem>>
        %dma_wait3A_414 = arith.constant 0 : i32
        %dma_wait3A_415 = arith.constant 0 : i32
        %dma_wait3A_416 = tpu.memref_slice %arg10[%dma_wait3A_414, %dma_wait3A_415] : memref<10112x64xf32, #tpu.memory_space<vmem_shared>> -> memref<10112x64xf32, #tpu.memory_space<vmem_shared>>
        tpu.wait_indirect_dma semaphore(%arg26 : memref<!tpu.dma_semaphore, #tpu.memory_space<semaphore_mem>>) src(%dma_wait3A_410 : memref<64x64xf32, #tpu.memory_space<vmem>>) dst(%dma_wait3A_416 : memref<10112x64xf32, #tpu.memory_space<vmem_shared>>)
        %sub3A_417 = arith.constant 5 : i32
        %sub3A_418 = arith.subi %add3A_323, %sub3A_417 : i32
        %dma_wait3A_419 = arith.constant 0 : i32
        %dma_wait3A_420 = tpu.memref_slice %arg12[%sub3A_418, %dma_wait3A_419] : memref<160x64xi32, #tpu.memory_space<vmem>> -> memref<1x64xi32, #tpu.memory_space<vmem>>
        %dma_wait3A_421 = tpu.memref_squeeze %dma_wait3A_420 : memref<1x64xi32, #tpu.memory_space<vmem>> -> memref<64xi32, #tpu.memory_space<vmem>>
        %dma_wait3A_422 = arith.constant 0 : i32
        %dma_wait3A_423 = arith.constant 0 : i32
        %dma_wait3A_424 = tpu.memref_slice %arg29[%dma_wait3A_422, %dma_wait3A_423] : memref<10112x16xf32, #tpu.memory_space<vmem_shared>> -> memref<10112x16xf32, #tpu.memory_space<vmem_shared>>
        tpu.wait_indirect_dma semaphore(%arg34 : memref<!tpu.dma_semaphore, #tpu.memory_space<semaphore_mem>>) src(%arg30 : memref<64x16xf32, #tpu.memory_space<vmem>>) dst(%dma_wait3A_424 : memref<10112x16xf32, #tpu.memory_space<vmem_shared>>)
      } else {
      }
      %add3A_339 = arith.constant 5 : i32
      %add3A_340 = arith.addi %add3A_323, %add3A_339 : i32
      %lt3A_341 = arith.constant 160 : i32
      %lt3A_342 = arith.cmpi slt, %add3A_340, %lt3A_341 : i32
      %convert_element_type3A_343 = arith.extui %lt3A_342 : i1 to i32
      %cond3A_344 = arith.constant 0 : i32
      %cond3A_345 = arith.cmpi ne, %convert_element_type3A_343, %cond3A_344 : i32
      scf.if %cond3A_345 {
        %add3A_404 = arith.constant 5 : i32
        %add3A_405 = arith.addi %add3A_323, %add3A_404 : i32
        %sub3A = arith.constant 1 : i32
        %sub3A_406 = arith.subi %sub3A, %rem3A_197 : i32
        %dma_start3A_407 = arith.constant 0 : i32
        %dma_start3A_408 = arith.constant 0 : i32
        %dma_start3A_409 = tpu.memref_slice %arg16[%sub3A_406, %dma_start3A_407, %dma_start3A_408] : memref<2x64x64xf32, #tpu.memory_space<vmem>> -> memref<1x64x64xf32, #tpu.memory_space<vmem>>
        %dma_start3A_410 = tpu.memref_squeeze %dma_start3A_409 : memref<1x64x64xf32, #tpu.memory_space<vmem>> -> memref<64x64xf32, #tpu.memory_space<vmem>>
        %dma_start3A_411 = arith.constant 0 : i32
        %dma_start3A_412 = tpu.memref_slice %arg11[%add3A_405, %dma_start3A_411] : memref<160x64xi32, #tpu.memory_space<vmem>> -> memref<1x64xi32, #tpu.memory_space<vmem>>
        %dma_start3A_413 = tpu.memref_squeeze %dma_start3A_412 : memref<1x64xi32, #tpu.memory_space<vmem>> -> memref<64xi32, #tpu.memory_space<vmem>>
        %dma_start3A_414 = arith.constant 0 : i32
        %dma_start3A_415 = arith.constant 0 : i32
        %dma_start3A_416 = tpu.memref_slice %arg2[%dma_start3A_414, %dma_start3A_415] : memref<10000x64xf32, #tpu.memory_space<hbm>> -> memref<10000x64xf32, #tpu.memory_space<hbm>>
        tpu.enqueue_indirect_dma source(%dma_start3A_416 : memref<10000x64xf32, #tpu.memory_space<hbm>>) target(%dma_start3A_410 : memref<64x64xf32, #tpu.memory_space<vmem>>) offsets(%dma_start3A_413 : memref<64xi32, #tpu.memory_space<vmem>>) semaphore(%arg21 : memref<!tpu.dma_semaphore, #tpu.memory_space<semaphore_mem>>)
      } else {
      }
      %dma_start3A_346 = arith.constant 0 : i32
      %dma_start3A_347 = arith.constant 0 : i32
      %dma_start3A_348 = tpu.memref_slice %arg16[%rem3A_197, %dma_start3A_346, %dma_start3A_347] : memref<2x64x64xf32, #tpu.memory_space<vmem>> -> memref<1x64x64xf32, #tpu.memory_space<vmem>>
      %dma_start3A_349 = tpu.memref_squeeze %dma_start3A_348 : memref<1x64x64xf32, #tpu.memory_space<vmem>> -> memref<64x64xf32, #tpu.memory_space<vmem>>
      %dma_start3A_350 = arith.constant 0 : i32
      %dma_start3A_351 = tpu.memref_slice %arg12[%add3A_323, %dma_start3A_350] : memref<160x64xi32, #tpu.memory_space<vmem>> -> memref<1x64xi32, #tpu.memory_space<vmem>>
      %dma_start3A_352 = tpu.memref_squeeze %dma_start3A_351 : memref<1x64xi32, #tpu.memory_space<vmem>> -> memref<64xi32, #tpu.memory_space<vmem>>
      %dma_start3A_353 = arith.constant 0 : i32
      %dma_start3A_354 = arith.constant 0 : i32
      %dma_start3A_355 = tpu.memref_slice %arg10[%dma_start3A_353, %dma_start3A_354] : memref<10112x64xf32, #tpu.memory_space<vmem_shared>> -> memref<10112x64xf32, #tpu.memory_space<vmem_shared>>
      tpu.enqueue_indirect_dma source(%dma_start3A_349 : memref<64x64xf32, #tpu.memory_space<vmem>>) target(%dma_start3A_355 : memref<10112x64xf32, #tpu.memory_space<vmem_shared>>) offsets(%dma_start3A_352 : memref<64xi32, #tpu.memory_space<vmem>>) semaphore(%arg26 : memref<!tpu.dma_semaphore, #tpu.memory_space<semaphore_mem>>) {add = true}
      %dma_start3A_356 = arith.constant 0 : i32
      %dma_start3A_357 = tpu.memref_slice %arg12[%add3A_323, %dma_start3A_356] : memref<160x64xi32, #tpu.memory_space<vmem>> -> memref<1x64xi32, #tpu.memory_space<vmem>>
      %dma_start3A_358 = tpu.memref_squeeze %dma_start3A_357 : memref<1x64xi32, #tpu.memory_space<vmem>> -> memref<64xi32, #tpu.memory_space<vmem>>
      %dma_start3A_359 = arith.constant 0 : i32
      %dma_start3A_360 = arith.constant 0 : i32
      %dma_start3A_361 = tpu.memref_slice %arg29[%dma_start3A_359, %dma_start3A_360] : memref<10112x16xf32, #tpu.memory_space<vmem_shared>> -> memref<10112x16xf32, #tpu.memory_space<vmem_shared>>
      tpu.enqueue_indirect_dma source(%arg30 : memref<64x16xf32, #tpu.memory_space<vmem>>) target(%dma_start3A_361 : memref<10112x16xf32, #tpu.memory_space<vmem_shared>>) offsets(%dma_start3A_358 : memref<64xi32, #tpu.memory_space<vmem>>) semaphore(%arg34 : memref<!tpu.dma_semaphore, #tpu.memory_space<semaphore_mem>>) {add = true}
      %mul3A_362 = arith.constant 5 : i32
      %mul3A_363 = arith.muli %scan3A_196, %mul3A_362 : i32
      %add3A_364 = arith.constant 4 : i32
      %add3A_365 = arith.addi %mul3A_363, %add3A_364 : i32
      %dma_wait3A_366 = arith.constant 0 : i32
      %dma_wait3A_367 = arith.constant 0 : i32
      %dma_wait3A_368 = tpu.memref_slice %arg17[%rem3A_197, %dma_wait3A_366, %dma_wait3A_367] : memref<2x64x64xf32, #tpu.memory_space<vmem>> -> memref<1x64x64xf32, #tpu.memory_space<vmem>>
      %dma_wait3A_369 = tpu.memref_squeeze %dma_wait3A_368 : memref<1x64x64xf32, #tpu.memory_space<vmem>> -> memref<64x64xf32, #tpu.memory_space<vmem>>
      %dma_wait3A_370 = arith.constant 0 : i32
      %dma_wait3A_371 = tpu.memref_slice %arg11[%add3A_365, %dma_wait3A_370] : memref<160x64xi32, #tpu.memory_space<vmem>> -> memref<1x64xi32, #tpu.memory_space<vmem>>
      %dma_wait3A_372 = tpu.memref_squeeze %dma_wait3A_371 : memref<1x64xi32, #tpu.memory_space<vmem>> -> memref<64xi32, #tpu.memory_space<vmem>>
      %dma_wait3A_373 = arith.constant 0 : i32
      %dma_wait3A_374 = arith.constant 0 : i32
      %dma_wait3A_375 = tpu.memref_slice %arg2[%dma_wait3A_373, %dma_wait3A_374] : memref<10000x64xf32, #tpu.memory_space<hbm>> -> memref<10000x64xf32, #tpu.memory_space<hbm>>
      tpu.wait_indirect_dma semaphore(%arg22 : memref<!tpu.dma_semaphore, #tpu.memory_space<semaphore_mem>>) src(%dma_wait3A_375 : memref<10000x64xf32, #tpu.memory_space<hbm>>) dst(%dma_wait3A_369 : memref<64x64xf32, #tpu.memory_space<vmem>>)
      %ge3A_376 = arith.constant 1 : i32
      %ge3A_377 = arith.cmpi sge, %scan3A_196, %ge3A_376 : i32
      %convert_element_type3A_378 = arith.extui %ge3A_377 : i1 to i32
      %cond3A_379 = arith.constant 0 : i32
      %cond3A_380 = arith.cmpi ne, %convert_element_type3A_378, %cond3A_379 : i32
      scf.if %cond3A_380 {
        %sub3A = arith.constant 1 : i32
        %sub3A_404 = arith.subi %sub3A, %rem3A_197 : i32
        %sub3A_405 = arith.constant 5 : i32
        %sub3A_406 = arith.subi %add3A_365, %sub3A_405 : i32
        %dma_wait3A_407 = arith.constant 0 : i32
        %dma_wait3A_408 = arith.constant 0 : i32
        %dma_wait3A_409 = tpu.memref_slice %arg17[%sub3A_404, %dma_wait3A_407, %dma_wait3A_408] : memref<2x64x64xf32, #tpu.memory_space<vmem>> -> memref<1x64x64xf32, #tpu.memory_space<vmem>>
        %dma_wait3A_410 = tpu.memref_squeeze %dma_wait3A_409 : memref<1x64x64xf32, #tpu.memory_space<vmem>> -> memref<64x64xf32, #tpu.memory_space<vmem>>
        %dma_wait3A_411 = arith.constant 0 : i32
        %dma_wait3A_412 = tpu.memref_slice %arg12[%sub3A_406, %dma_wait3A_411] : memref<160x64xi32, #tpu.memory_space<vmem>> -> memref<1x64xi32, #tpu.memory_space<vmem>>
        %dma_wait3A_413 = tpu.memref_squeeze %dma_wait3A_412 : memref<1x64xi32, #tpu.memory_space<vmem>> -> memref<64xi32, #tpu.memory_space<vmem>>
        %dma_wait3A_414 = arith.constant 0 : i32
        %dma_wait3A_415 = arith.constant 0 : i32
        %dma_wait3A_416 = tpu.memref_slice %arg10[%dma_wait3A_414, %dma_wait3A_415] : memref<10112x64xf32, #tpu.memory_space<vmem_shared>> -> memref<10112x64xf32, #tpu.memory_space<vmem_shared>>
        tpu.wait_indirect_dma semaphore(%arg27 : memref<!tpu.dma_semaphore, #tpu.memory_space<semaphore_mem>>) src(%dma_wait3A_410 : memref<64x64xf32, #tpu.memory_space<vmem>>) dst(%dma_wait3A_416 : memref<10112x64xf32, #tpu.memory_space<vmem_shared>>)
        %sub3A_417 = arith.constant 5 : i32
        %sub3A_418 = arith.subi %add3A_365, %sub3A_417 : i32
        %dma_wait3A_419 = arith.constant 0 : i32
        %dma_wait3A_420 = tpu.memref_slice %arg12[%sub3A_418, %dma_wait3A_419] : memref<160x64xi32, #tpu.memory_space<vmem>> -> memref<1x64xi32, #tpu.memory_space<vmem>>
        %dma_wait3A_421 = tpu.memref_squeeze %dma_wait3A_420 : memref<1x64xi32, #tpu.memory_space<vmem>> -> memref<64xi32, #tpu.memory_space<vmem>>
        %dma_wait3A_422 = arith.constant 0 : i32
        %dma_wait3A_423 = arith.constant 0 : i32
        %dma_wait3A_424 = tpu.memref_slice %arg29[%dma_wait3A_422, %dma_wait3A_423] : memref<10112x16xf32, #tpu.memory_space<vmem_shared>> -> memref<10112x16xf32, #tpu.memory_space<vmem_shared>>
        tpu.wait_indirect_dma semaphore(%arg35 : memref<!tpu.dma_semaphore, #tpu.memory_space<semaphore_mem>>) src(%arg30 : memref<64x16xf32, #tpu.memory_space<vmem>>) dst(%dma_wait3A_424 : memref<10112x16xf32, #tpu.memory_space<vmem_shared>>)
      } else {
      }
      %add3A_381 = arith.constant 5 : i32
      %add3A_382 = arith.addi %add3A_365, %add3A_381 : i32
      %lt3A_383 = arith.constant 160 : i32
      %lt3A_384 = arith.cmpi slt, %add3A_382, %lt3A_383 : i32
      %convert_element_type3A_385 = arith.extui %lt3A_384 : i1 to i32
      %cond3A_386 = arith.constant 0 : i32
      %cond3A_387 = arith.cmpi ne, %convert_element_type3A_385, %cond3A_386 : i32
      scf.if %cond3A_387 {
        %add3A_404 = arith.constant 5 : i32
        %add3A_405 = arith.addi %add3A_365, %add3A_404 : i32
        %sub3A = arith.constant 1 : i32
        %sub3A_406 = arith.subi %sub3A, %rem3A_197 : i32
        %dma_start3A_407 = arith.constant 0 : i32
        %dma_start3A_408 = arith.constant 0 : i32
        %dma_start3A_409 = tpu.memref_slice %arg17[%sub3A_406, %dma_start3A_407, %dma_start3A_408] : memref<2x64x64xf32, #tpu.memory_space<vmem>> -> memref<1x64x64xf32, #tpu.memory_space<vmem>>
        %dma_start3A_410 = tpu.memref_squeeze %dma_start3A_409 : memref<1x64x64xf32, #tpu.memory_space<vmem>> -> memref<64x64xf32, #tpu.memory_space<vmem>>
        %dma_start3A_411 = arith.constant 0 : i32
        %dma_start3A_412 = tpu.memref_slice %arg11[%add3A_405, %dma_start3A_411] : memref<160x64xi32, #tpu.memory_space<vmem>> -> memref<1x64xi32, #tpu.memory_space<vmem>>
        %dma_start3A_413 = tpu.memref_squeeze %dma_start3A_412 : memref<1x64xi32, #tpu.memory_space<vmem>> -> memref<64xi32, #tpu.memory_space<vmem>>
        %dma_start3A_414 = arith.constant 0 : i32
        %dma_start3A_415 = arith.constant 0 : i32
        %dma_start3A_416 = tpu.memref_slice %arg2[%dma_start3A_414, %dma_start3A_415] : memref<10000x64xf32, #tpu.memory_space<hbm>> -> memref<10000x64xf32, #tpu.memory_space<hbm>>
        tpu.enqueue_indirect_dma source(%dma_start3A_416 : memref<10000x64xf32, #tpu.memory_space<hbm>>) target(%dma_start3A_410 : memref<64x64xf32, #tpu.memory_space<vmem>>) offsets(%dma_start3A_413 : memref<64xi32, #tpu.memory_space<vmem>>) semaphore(%arg22 : memref<!tpu.dma_semaphore, #tpu.memory_space<semaphore_mem>>)
      } else {
      }
      %dma_start3A_388 = arith.constant 0 : i32
      %dma_start3A_389 = arith.constant 0 : i32
      %dma_start3A_390 = tpu.memref_slice %arg17[%rem3A_197, %dma_start3A_388, %dma_start3A_389] : memref<2x64x64xf32, #tpu.memory_space<vmem>> -> memref<1x64x64xf32, #tpu.memory_space<vmem>>
      %dma_start3A_391 = tpu.memref_squeeze %dma_start3A_390 : memref<1x64x64xf32, #tpu.memory_space<vmem>> -> memref<64x64xf32, #tpu.memory_space<vmem>>
      %dma_start3A_392 = arith.constant 0 : i32
      %dma_start3A_393 = tpu.memref_slice %arg12[%add3A_365, %dma_start3A_392] : memref<160x64xi32, #tpu.memory_space<vmem>> -> memref<1x64xi32, #tpu.memory_space<vmem>>
      %dma_start3A_394 = tpu.memref_squeeze %dma_start3A_393 : memref<1x64xi32, #tpu.memory_space<vmem>> -> memref<64xi32, #tpu.memory_space<vmem>>
      %dma_start3A_395 = arith.constant 0 : i32
      %dma_start3A_396 = arith.constant 0 : i32
      %dma_start3A_397 = tpu.memref_slice %arg10[%dma_start3A_395, %dma_start3A_396] : memref<10112x64xf32, #tpu.memory_space<vmem_shared>> -> memref<10112x64xf32, #tpu.memory_space<vmem_shared>>
      tpu.enqueue_indirect_dma source(%dma_start3A_391 : memref<64x64xf32, #tpu.memory_space<vmem>>) target(%dma_start3A_397 : memref<10112x64xf32, #tpu.memory_space<vmem_shared>>) offsets(%dma_start3A_394 : memref<64xi32, #tpu.memory_space<vmem>>) semaphore(%arg27 : memref<!tpu.dma_semaphore, #tpu.memory_space<semaphore_mem>>) {add = true}
      %dma_start3A_398 = arith.constant 0 : i32
      %dma_start3A_399 = tpu.memref_slice %arg12[%add3A_365, %dma_start3A_398] : memref<160x64xi32, #tpu.memory_space<vmem>> -> memref<1x64xi32, #tpu.memory_space<vmem>>
      %dma_start3A_400 = tpu.memref_squeeze %dma_start3A_399 : memref<1x64xi32, #tpu.memory_space<vmem>> -> memref<64xi32, #tpu.memory_space<vmem>>
      %dma_start3A_401 = arith.constant 0 : i32
      %dma_start3A_402 = arith.constant 0 : i32
      %dma_start3A_403 = tpu.memref_slice %arg29[%dma_start3A_401, %dma_start3A_402] : memref<10112x16xf32, #tpu.memory_space<vmem_shared>> -> memref<10112x16xf32, #tpu.memory_space<vmem_shared>>
      tpu.enqueue_indirect_dma source(%arg30 : memref<64x16xf32, #tpu.memory_space<vmem>>) target(%dma_start3A_403 : memref<10112x16xf32, #tpu.memory_space<vmem_shared>>) offsets(%dma_start3A_400 : memref<64xi32, #tpu.memory_space<vmem>>) semaphore(%arg35 : memref<!tpu.dma_semaphore, #tpu.memory_space<semaphore_mem>>) {add = true}
    }
    %scan3A_99 = arith.constant 32 : i32
    %dma_wait3A_100 = arith.constant 1 : i32
    %dma_wait3A_101 = arith.constant 155 : i32
    %dma_wait3A_102 = arith.constant 0 : i32
    %dma_wait3A_103 = arith.constant 0 : i32
    %dma_wait3A_104 = tpu.memref_slice %arg13[%dma_wait3A_100, %dma_wait3A_102, %dma_wait3A_103] : memref<2x64x64xf32, #tpu.memory_space<vmem>> -> memref<1x64x64xf32, #tpu.memory_space<vmem>>
    %dma_wait3A_105 = tpu.memref_squeeze %dma_wait3A_104 : memref<1x64x64xf32, #tpu.memory_space<vmem>> -> memref<64x64xf32, #tpu.memory_space<vmem>>
    %dma_wait3A_106 = arith.constant 0 : i32
    %dma_wait3A_107 = tpu.memref_slice %arg12[%dma_wait3A_101, %dma_wait3A_106] : memref<160x64xi32, #tpu.memory_space<vmem>> -> memref<1x64xi32, #tpu.memory_space<vmem>>
    %dma_wait3A_108 = tpu.memref_squeeze %dma_wait3A_107 : memref<1x64xi32, #tpu.memory_space<vmem>> -> memref<64xi32, #tpu.memory_space<vmem>>
    %dma_wait3A_109 = arith.constant 0 : i32
    %dma_wait3A_110 = arith.constant 0 : i32
    %dma_wait3A_111 = tpu.memref_slice %arg10[%dma_wait3A_109, %dma_wait3A_110] : memref<10112x64xf32, #tpu.memory_space<vmem_shared>> -> memref<10112x64xf32, #tpu.memory_space<vmem_shared>>
    tpu.wait_indirect_dma semaphore(%arg23 : memref<!tpu.dma_semaphore, #tpu.memory_space<semaphore_mem>>) src(%dma_wait3A_105 : memref<64x64xf32, #tpu.memory_space<vmem>>) dst(%dma_wait3A_111 : memref<10112x64xf32, #tpu.memory_space<vmem_shared>>)
    %dma_wait3A_112 = arith.constant 155 : i32
    %dma_wait3A_113 = arith.constant 0 : i32
    %dma_wait3A_114 = tpu.memref_slice %arg12[%dma_wait3A_112, %dma_wait3A_113] : memref<160x64xi32, #tpu.memory_space<vmem>> -> memref<1x64xi32, #tpu.memory_space<vmem>>
    %dma_wait3A_115 = tpu.memref_squeeze %dma_wait3A_114 : memref<1x64xi32, #tpu.memory_space<vmem>> -> memref<64xi32, #tpu.memory_space<vmem>>
    %dma_wait3A_116 = arith.constant 0 : i32
    %dma_wait3A_117 = arith.constant 0 : i32
    %dma_wait3A_118 = tpu.memref_slice %arg29[%dma_wait3A_116, %dma_wait3A_117] : memref<10112x16xf32, #tpu.memory_space<vmem_shared>> -> memref<10112x16xf32, #tpu.memory_space<vmem_shared>>
    tpu.wait_indirect_dma semaphore(%arg31 : memref<!tpu.dma_semaphore, #tpu.memory_space<semaphore_mem>>) src(%arg30 : memref<64x16xf32, #tpu.memory_space<vmem>>) dst(%dma_wait3A_118 : memref<10112x16xf32, #tpu.memory_space<vmem_shared>>)
    %dma_wait3A_119 = arith.constant 1 : i32
    %dma_wait3A_120 = arith.constant 156 : i32
    %dma_wait3A_121 = arith.constant 0 : i32
    %dma_wait3A_122 = arith.constant 0 : i32
    %dma_wait3A_123 = tpu.memref_slice %arg14[%dma_wait3A_119, %dma_wait3A_121, %dma_wait3A_122] : memref<2x64x64xf32, #tpu.memory_space<vmem>> -> memref<1x64x64xf32, #tpu.memory_space<vmem>>
    %dma_wait3A_124 = tpu.memref_squeeze %dma_wait3A_123 : memref<1x64x64xf32, #tpu.memory_space<vmem>> -> memref<64x64xf32, #tpu.memory_space<vmem>>
    %dma_wait3A_125 = arith.constant 0 : i32
    %dma_wait3A_126 = tpu.memref_slice %arg12[%dma_wait3A_120, %dma_wait3A_125] : memref<160x64xi32, #tpu.memory_space<vmem>> -> memref<1x64xi32, #tpu.memory_space<vmem>>
    %dma_wait3A_127 = tpu.memref_squeeze %dma_wait3A_126 : memref<1x64xi32, #tpu.memory_space<vmem>> -> memref<64xi32, #tpu.memory_space<vmem>>
    %dma_wait3A_128 = arith.constant 0 : i32
    %dma_wait3A_129 = arith.constant 0 : i32
    %dma_wait3A_130 = tpu.memref_slice %arg10[%dma_wait3A_128, %dma_wait3A_129] : memref<10112x64xf32, #tpu.memory_space<vmem_shared>> -> memref<10112x64xf32, #tpu.memory_space<vmem_shared>>
    tpu.wait_indirect_dma semaphore(%arg24 : memref<!tpu.dma_semaphore, #tpu.memory_space<semaphore_mem>>) src(%dma_wait3A_124 : memref<64x64xf32, #tpu.memory_space<vmem>>) dst(%dma_wait3A_130 : memref<10112x64xf32, #tpu.memory_space<vmem_shared>>)
    %dma_wait3A_131 = arith.constant 156 : i32
    %dma_wait3A_132 = arith.constant 0 : i32
    %dma_wait3A_133 = tpu.memref_slice %arg12[%dma_wait3A_131, %dma_wait3A_132] : memref<160x64xi32, #tpu.memory_space<vmem>> -> memref<1x64xi32, #tpu.memory_space<vmem>>
    %dma_wait3A_134 = tpu.memref_squeeze %dma_wait3A_133 : memref<1x64xi32, #tpu.memory_space<vmem>> -> memref<64xi32, #tpu.memory_space<vmem>>
    %dma_wait3A_135 = arith.constant 0 : i32
    %dma_wait3A_136 = arith.constant 0 : i32
    %dma_wait3A_137 = tpu.memref_slice %arg29[%dma_wait3A_135, %dma_wait3A_136] : memref<10112x16xf32, #tpu.memory_space<vmem_shared>> -> memref<10112x16xf32, #tpu.memory_space<vmem_shared>>
    tpu.wait_indirect_dma semaphore(%arg32 : memref<!tpu.dma_semaphore, #tpu.memory_space<semaphore_mem>>) src(%arg30 : memref<64x16xf32, #tpu.memory_space<vmem>>) dst(%dma_wait3A_137 : memref<10112x16xf32, #tpu.memory_space<vmem_shared>>)
    %dma_wait3A_138 = arith.constant 1 : i32
    %dma_wait3A_139 = arith.constant 157 : i32
    %dma_wait3A_140 = arith.constant 0 : i32
    %dma_wait3A_141 = arith.constant 0 : i32
    %dma_wait3A_142 = tpu.memref_slice %arg15[%dma_wait3A_138, %dma_wait3A_140, %dma_wait3A_141] : memref<2x64x64xf32, #tpu.memory_space<vmem>> -> memref<1x64x64xf32, #tpu.memory_space<vmem>>
    %dma_wait3A_143 = tpu.memref_squeeze %dma_wait3A_142 : memref<1x64x64xf32, #tpu.memory_space<vmem>> -> memref<64x64xf32, #tpu.memory_space<vmem>>
    %dma_wait3A_144 = arith.constant 0 : i32
    %dma_wait3A_145 = tpu.memref_slice %arg12[%dma_wait3A_139, %dma_wait3A_144] : memref<160x64xi32, #tpu.memory_space<vmem>> -> memref<1x64xi32, #tpu.memory_space<vmem>>
    %dma_wait3A_146 = tpu.memref_squeeze %dma_wait3A_145 : memref<1x64xi32, #tpu.memory_space<vmem>> -> memref<64xi32, #tpu.memory_space<vmem>>
    %dma_wait3A_147 = arith.constant 0 : i32
    %dma_wait3A_148 = arith.constant 0 : i32
    %dma_wait3A_149 = tpu.memref_slice %arg10[%dma_wait3A_147, %dma_wait3A_148] : memref<10112x64xf32, #tpu.memory_space<vmem_shared>> -> memref<10112x64xf32, #tpu.memory_space<vmem_shared>>
    tpu.wait_indirect_dma semaphore(%arg25 : memref<!tpu.dma_semaphore, #tpu.memory_space<semaphore_mem>>) src(%dma_wait3A_143 : memref<64x64xf32, #tpu.memory_space<vmem>>) dst(%dma_wait3A_149 : memref<10112x64xf32, #tpu.memory_space<vmem_shared>>)
    %dma_wait3A_150 = arith.constant 157 : i32
    %dma_wait3A_151 = arith.constant 0 : i32
    %dma_wait3A_152 = tpu.memref_slice %arg12[%dma_wait3A_150, %dma_wait3A_151] : memref<160x64xi32, #tpu.memory_space<vmem>> -> memref<1x64xi32, #tpu.memory_space<vmem>>
    %dma_wait3A_153 = tpu.memref_squeeze %dma_wait3A_152 : memref<1x64xi32, #tpu.memory_space<vmem>> -> memref<64xi32, #tpu.memory_space<vmem>>
    %dma_wait3A_154 = arith.constant 0 : i32
    %dma_wait3A_155 = arith.constant 0 : i32
    %dma_wait3A_156 = tpu.memref_slice %arg29[%dma_wait3A_154, %dma_wait3A_155] : memref<10112x16xf32, #tpu.memory_space<vmem_shared>> -> memref<10112x16xf32, #tpu.memory_space<vmem_shared>>
    tpu.wait_indirect_dma semaphore(%arg33 : memref<!tpu.dma_semaphore, #tpu.memory_space<semaphore_mem>>) src(%arg30 : memref<64x16xf32, #tpu.memory_space<vmem>>) dst(%dma_wait3A_156 : memref<10112x16xf32, #tpu.memory_space<vmem_shared>>)
    %dma_wait3A_157 = arith.constant 1 : i32
    %dma_wait3A_158 = arith.constant 158 : i32
    %dma_wait3A_159 = arith.constant 0 : i32
    %dma_wait3A_160 = arith.constant 0 : i32
    %dma_wait3A_161 = tpu.memref_slice %arg16[%dma_wait3A_157, %dma_wait3A_159, %dma_wait3A_160] : memref<2x64x64xf32, #tpu.memory_space<vmem>> -> memref<1x64x64xf32, #tpu.memory_space<vmem>>
    %dma_wait3A_162 = tpu.memref_squeeze %dma_wait3A_161 : memref<1x64x64xf32, #tpu.memory_space<vmem>> -> memref<64x64xf32, #tpu.memory_space<vmem>>
    %dma_wait3A_163 = arith.constant 0 : i32
    %dma_wait3A_164 = tpu.memref_slice %arg12[%dma_wait3A_158, %dma_wait3A_163] : memref<160x64xi32, #tpu.memory_space<vmem>> -> memref<1x64xi32, #tpu.memory_space<vmem>>
    %dma_wait3A_165 = tpu.memref_squeeze %dma_wait3A_164 : memref<1x64xi32, #tpu.memory_space<vmem>> -> memref<64xi32, #tpu.memory_space<vmem>>
    %dma_wait3A_166 = arith.constant 0 : i32
    %dma_wait3A_167 = arith.constant 0 : i32
    %dma_wait3A_168 = tpu.memref_slice %arg10[%dma_wait3A_166, %dma_wait3A_167] : memref<10112x64xf32, #tpu.memory_space<vmem_shared>> -> memref<10112x64xf32, #tpu.memory_space<vmem_shared>>
    tpu.wait_indirect_dma semaphore(%arg26 : memref<!tpu.dma_semaphore, #tpu.memory_space<semaphore_mem>>) src(%dma_wait3A_162 : memref<64x64xf32, #tpu.memory_space<vmem>>) dst(%dma_wait3A_168 : memref<10112x64xf32, #tpu.memory_space<vmem_shared>>)
    %dma_wait3A_169 = arith.constant 158 : i32
    %dma_wait3A_170 = arith.constant 0 : i32
    %dma_wait3A_171 = tpu.memref_slice %arg12[%dma_wait3A_169, %dma_wait3A_170] : memref<160x64xi32, #tpu.memory_space<vmem>> -> memref<1x64xi32, #tpu.memory_space<vmem>>
    %dma_wait3A_172 = tpu.memref_squeeze %dma_wait3A_171 : memref<1x64xi32, #tpu.memory_space<vmem>> -> memref<64xi32, #tpu.memory_space<vmem>>
    %dma_wait3A_173 = arith.constant 0 : i32
    %dma_wait3A_174 = arith.constant 0 : i32
    %dma_wait3A_175 = tpu.memref_slice %arg29[%dma_wait3A_173, %dma_wait3A_174] : memref<10112x16xf32, #tpu.memory_space<vmem_shared>> -> memref<10112x16xf32, #tpu.memory_space<vmem_shared>>
    tpu.wait_indirect_dma semaphore(%arg34 : memref<!tpu.dma_semaphore, #tpu.memory_space<semaphore_mem>>) src(%arg30 : memref<64x16xf32, #tpu.memory_space<vmem>>) dst(%dma_wait3A_175 : memref<10112x16xf32, #tpu.memory_space<vmem_shared>>)
    %dma_wait3A_176 = arith.constant 1 : i32
    %dma_wait3A_177 = arith.constant 159 : i32
    %dma_wait3A_178 = arith.constant 0 : i32
    %dma_wait3A_179 = arith.constant 0 : i32
    %dma_wait3A_180 = tpu.memref_slice %arg17[%dma_wait3A_176, %dma_wait3A_178, %dma_wait3A_179] : memref<2x64x64xf32, #tpu.memory_space<vmem>> -> memref<1x64x64xf32, #tpu.memory_space<vmem>>
    %dma_wait3A_181 = tpu.memref_squeeze %dma_wait3A_180 : memref<1x64x64xf32, #tpu.memory_space<vmem>> -> memref<64x64xf32, #tpu.memory_space<vmem>>
    %dma_wait3A_182 = arith.constant 0 : i32
    %dma_wait3A_183 = tpu.memref_slice %arg12[%dma_wait3A_177, %dma_wait3A_182] : memref<160x64xi32, #tpu.memory_space<vmem>> -> memref<1x64xi32, #tpu.memory_space<vmem>>
    %dma_wait3A_184 = tpu.memref_squeeze %dma_wait3A_183 : memref<1x64xi32, #tpu.memory_space<vmem>> -> memref<64xi32, #tpu.memory_space<vmem>>
    %dma_wait3A_185 = arith.constant 0 : i32
    %dma_wait3A_186 = arith.constant 0 : i32
    %dma_wait3A_187 = tpu.memref_slice %arg10[%dma_wait3A_185, %dma_wait3A_186] : memref<10112x64xf32, #tpu.memory_space<vmem_shared>> -> memref<10112x64xf32, #tpu.memory_space<vmem_shared>>
    tpu.wait_indirect_dma semaphore(%arg27 : memref<!tpu.dma_semaphore, #tpu.memory_space<semaphore_mem>>) src(%dma_wait3A_181 : memref<64x64xf32, #tpu.memory_space<vmem>>) dst(%dma_wait3A_187 : memref<10112x64xf32, #tpu.memory_space<vmem_shared>>)
    %dma_wait3A_188 = arith.constant 159 : i32
    %dma_wait3A_189 = arith.constant 0 : i32
    %dma_wait3A_190 = tpu.memref_slice %arg12[%dma_wait3A_188, %dma_wait3A_189] : memref<160x64xi32, #tpu.memory_space<vmem>> -> memref<1x64xi32, #tpu.memory_space<vmem>>
    %dma_wait3A_191 = tpu.memref_squeeze %dma_wait3A_190 : memref<1x64xi32, #tpu.memory_space<vmem>> -> memref<64xi32, #tpu.memory_space<vmem>>
    %dma_wait3A_192 = arith.constant 0 : i32
    %dma_wait3A_193 = arith.constant 0 : i32
    %dma_wait3A_194 = tpu.memref_slice %arg29[%dma_wait3A_192, %dma_wait3A_193] : memref<10112x16xf32, #tpu.memory_space<vmem_shared>> -> memref<10112x16xf32, #tpu.memory_space<vmem_shared>>
    tpu.wait_indirect_dma semaphore(%arg35 : memref<!tpu.dma_semaphore, #tpu.memory_space<semaphore_mem>>) src(%arg30 : memref<64x16xf32, #tpu.memory_space<vmem>>) dst(%dma_wait3A_194 : memref<10112x16xf32, #tpu.memory_space<vmem_shared>>)
    %barrier3A_195 = arith.constant 0 : index
    tpu.barrier barrier_id(%barrier3A_195)
    "tpu.region"() ({
      %run_scoped3A = tpu.sem_alloc : memref<!tpu.dma_semaphore, #tpu.memory_space<semaphore_mem>>
      %dma_start3A_196 = arith.constant 0 : i32
      %dma_start3A_197 = tpu.memref_slice %arg8[%arg0, %mul3A_2, %dma_start3A_196] : memref<2x10112x64xf32, #tpu.memory_space<hbm>> -> memref<1x632x64xf32, #tpu.memory_space<hbm>>
      %dma_start3A_198 = tpu.memref_squeeze %dma_start3A_197 : memref<1x632x64xf32, #tpu.memory_space<hbm>> -> memref<632x64xf32, #tpu.memory_space<hbm>>
      %dma_start3A_199 = arith.constant 0 : i32
      %dma_start3A_200 = tpu.memref_slice %arg10[%mul3A_2, %dma_start3A_199] : memref<10112x64xf32, #tpu.memory_space<vmem_shared>> -> memref<632x64xf32, #tpu.memory_space<vmem_shared>>
      tpu.enqueue_dma source(%dma_start3A_200 : memref<632x64xf32, #tpu.memory_space<vmem_shared>>) target(%dma_start3A_198 : memref<632x64xf32, #tpu.memory_space<hbm>>) target_semaphore(%run_scoped3A : memref<!tpu.dma_semaphore, #tpu.memory_space<semaphore_mem>>)
      %dma_wait3A_201 = arith.constant 0 : i32
      %dma_wait3A_202 = tpu.memref_slice %arg8[%arg0, %mul3A_2, %dma_wait3A_201] : memref<2x10112x64xf32, #tpu.memory_space<hbm>> -> memref<1x632x64xf32, #tpu.memory_space<hbm>>
      %dma_wait3A_203 = tpu.memref_squeeze %dma_wait3A_202 : memref<1x632x64xf32, #tpu.memory_space<hbm>> -> memref<632x64xf32, #tpu.memory_space<hbm>>
      %dma_wait3A_204 = arith.constant 0 : i32
      %dma_wait3A_205 = tpu.memref_slice %arg10[%mul3A_2, %dma_wait3A_204] : memref<10112x64xf32, #tpu.memory_space<vmem_shared>> -> memref<632x64xf32, #tpu.memory_space<vmem_shared>>
      tpu.wait_dma2 semaphore(%run_scoped3A : memref<!tpu.dma_semaphore, #tpu.memory_space<semaphore_mem>>) src(%dma_wait3A_205 : memref<632x64xf32, #tpu.memory_space<vmem_shared>>) dst(%dma_wait3A_203 : memref<632x64xf32, #tpu.memory_space<hbm>>)
      tpu.yield
    }) : () -> ()
    "tpu.region"() ({
      %run_scoped3A = tpu.sem_alloc : memref<!tpu.dma_semaphore, #tpu.memory_space<semaphore_mem>>
      %dma_start3A_196 = arith.constant 0 : i32
      %dma_start3A_197 = tpu.memref_slice %arg9[%arg0, %mul3A_2, %dma_start3A_196] : memref<2x10112x16xf32, #tpu.memory_space<hbm>> -> memref<1x632x16xf32, #tpu.memory_space<hbm>>
      %dma_start3A_198 = tpu.memref_squeeze %dma_start3A_197 : memref<1x632x16xf32, #tpu.memory_space<hbm>> -> memref<632x16xf32, #tpu.memory_space<hbm>>
      %dma_start3A_199 = arith.constant 0 : i32
      %dma_start3A_200 = tpu.memref_slice %arg29[%mul3A_2, %dma_start3A_199] : memref<10112x16xf32, #tpu.memory_space<vmem_shared>> -> memref<632x16xf32, #tpu.memory_space<vmem_shared>>
      tpu.enqueue_dma source(%dma_start3A_200 : memref<632x16xf32, #tpu.memory_space<vmem_shared>>) target(%dma_start3A_198 : memref<632x16xf32, #tpu.memory_space<hbm>>) target_semaphore(%run_scoped3A : memref<!tpu.dma_semaphore, #tpu.memory_space<semaphore_mem>>)
      %dma_wait3A_201 = arith.constant 0 : i32
      %dma_wait3A_202 = tpu.memref_slice %arg9[%arg0, %mul3A_2, %dma_wait3A_201] : memref<2x10112x16xf32, #tpu.memory_space<hbm>> -> memref<1x632x16xf32, #tpu.memory_space<hbm>>
      %dma_wait3A_203 = tpu.memref_squeeze %dma_wait3A_202 : memref<1x632x16xf32, #tpu.memory_space<hbm>> -> memref<632x16xf32, #tpu.memory_space<hbm>>
      %dma_wait3A_204 = arith.constant 0 : i32
      %dma_wait3A_205 = tpu.memref_slice %arg29[%mul3A_2, %dma_wait3A_204] : memref<10112x16xf32, #tpu.memory_space<vmem_shared>> -> memref<632x16xf32, #tpu.memory_space<vmem_shared>>
      tpu.wait_dma2 semaphore(%run_scoped3A : memref<!tpu.dma_semaphore, #tpu.memory_space<semaphore_mem>>) src(%dma_wait3A_205 : memref<632x16xf32, #tpu.memory_space<vmem_shared>>) dst(%dma_wait3A_203 : memref<632x16xf32, #tpu.memory_space<hbm>>)
      tpu.yield
    }) : () -> ()
    return
  }
}

#map = affine_map<(d0, d1) -> (0, 0)>
#map1 = affine_map<(d0, d1) -> (0, 0, 0)>
module attributes {stable_mosaic.version = 14 : i64} {
  func.func @sc_agg(%arg0: i32, %arg1: i32, %arg2: memref<10000x32xf32, #tpu.memory_space<hbm>>, %arg3: memref<5120x64xi32, #tpu.memory_space<hbm>>, %arg4: memref<5120x64xi32, #tpu.memory_space<hbm>>, %arg5: memref<10112x32xf32, #tpu.memory_space<hbm>>, %arg6: memref<2x10112x32xf32, #tpu.memory_space<hbm>>, %arg7: memref<10112x32xf32, #tpu.memory_space<vmem_shared>>, %arg8: memref<160x64xi32, #tpu.memory_space<vmem>>, %arg9: memref<160x64xi32, #tpu.memory_space<vmem>>, %arg10: memref<2x64x32xf32, #tpu.memory_space<vmem>>, %arg11: memref<2x64x32xf32, #tpu.memory_space<vmem>>, %arg12: memref<2x64x32xf32, #tpu.memory_space<vmem>>, %arg13: memref<2x64x32xf32, #tpu.memory_space<vmem>>, %arg14: memref<2x64x32xf32, #tpu.memory_space<vmem>>, %arg15: memref<!tpu.dma_semaphore, #tpu.memory_space<semaphore_mem>>, %arg16: memref<!tpu.dma_semaphore, #tpu.memory_space<semaphore_mem>>, %arg17: memref<!tpu.dma_semaphore, #tpu.memory_space<semaphore_mem>>, %arg18: memref<!tpu.dma_semaphore, #tpu.memory_space<semaphore_mem>>, %arg19: memref<!tpu.dma_semaphore, #tpu.memory_space<semaphore_mem>>, %arg20: memref<!tpu.dma_semaphore, #tpu.memory_space<semaphore_mem>>, %arg21: memref<!tpu.dma_semaphore, #tpu.memory_space<semaphore_mem>>, %arg22: memref<!tpu.dma_semaphore, #tpu.memory_space<semaphore_mem>>, %arg23: memref<!tpu.dma_semaphore, #tpu.memory_space<semaphore_mem>>, %arg24: memref<!tpu.dma_semaphore, #tpu.memory_space<semaphore_mem>>, %arg25: memref<!tpu.dma_semaphore, #tpu.memory_space<semaphore_mem>>) attributes {dimension_semantics = [#tpu.dimension_semantics<core_parallel>, #tpu.dimension_semantics<subcore_parallel>], iteration_bounds = array<i64: 2, 16>, scalar_prefetch = 0 : i64, scratch_operands = 19 : i64, tpu.core_type = #tpu.core_type<sc_vector_subcore>, window_params = [{transform_indices = #map}, {transform_indices = #map}, {transform_indices = #map}, {transform_indices = #map}, {transform_indices = #map1}]} {
    %mul3A = arith.constant 16 : i32
    %mul3A_0 = arith.muli %arg0, %mul3A : i32
    %add3A = arith.addi %mul3A_0, %arg1 : i32
    %mul3A_1 = arith.constant 632 : i32
    %mul3A_2 = arith.muli %arg1, %mul3A_1 : i32
    %mul3A_3 = arith.constant 160 : i32
    %mul3A_4 = arith.muli %add3A, %mul3A_3 : i32
    %dma_start3A = arith.constant 0 : i32
    %dma_start3A_5 = tpu.memref_slice %arg7[%mul3A_2, %dma_start3A] : memref<10112x32xf32, #tpu.memory_space<vmem_shared>> -> memref<632x32xf32, #tpu.memory_space<vmem_shared>>
    %dma_start3A_6 = arith.constant 0 : i32
    %dma_start3A_7 = tpu.memref_slice %arg5[%mul3A_2, %dma_start3A_6] : memref<10112x32xf32, #tpu.memory_space<hbm>> -> memref<632x32xf32, #tpu.memory_space<hbm>>
    tpu.enqueue_dma source(%dma_start3A_7 : memref<632x32xf32, #tpu.memory_space<hbm>>) target(%dma_start3A_5 : memref<632x32xf32, #tpu.memory_space<vmem_shared>>) target_semaphore(%arg25 : memref<!tpu.dma_semaphore, #tpu.memory_space<semaphore_mem>>)
    %dma_start3A_8 = arith.constant 0 : i32
    %dma_start3A_9 = tpu.memref_slice %arg3[%mul3A_4, %dma_start3A_8] : memref<5120x64xi32, #tpu.memory_space<hbm>> -> memref<160x64xi32, #tpu.memory_space<hbm>>
    %dma_start3A_10 = arith.constant 0 : i32
    %dma_start3A_11 = tpu.memref_slice %arg3[%mul3A_4, %dma_start3A_10] : memref<5120x64xi32, #tpu.memory_space<hbm>> -> memref<160x64xi32, #tpu.memory_space<hbm>>
    tpu.enqueue_dma source(%dma_start3A_11 : memref<160x64xi32, #tpu.memory_space<hbm>>) target(%arg8 : memref<160x64xi32, #tpu.memory_space<vmem>>) target_semaphore(%arg25 : memref<!tpu.dma_semaphore, #tpu.memory_space<semaphore_mem>>)
    %dma_start3A_12 = arith.constant 0 : i32
    %dma_start3A_13 = tpu.memref_slice %arg4[%mul3A_4, %dma_start3A_12] : memref<5120x64xi32, #tpu.memory_space<hbm>> -> memref<160x64xi32, #tpu.memory_space<hbm>>
    %dma_start3A_14 = arith.constant 0 : i32
    %dma_start3A_15 = tpu.memref_slice %arg4[%mul3A_4, %dma_start3A_14] : memref<5120x64xi32, #tpu.memory_space<hbm>> -> memref<160x64xi32, #tpu.memory_space<hbm>>
    tpu.enqueue_dma source(%dma_start3A_15 : memref<160x64xi32, #tpu.memory_space<hbm>>) target(%arg9 : memref<160x64xi32, #tpu.memory_space<vmem>>) target_semaphore(%arg25 : memref<!tpu.dma_semaphore, #tpu.memory_space<semaphore_mem>>)
    %dma_wait3A = arith.constant 0 : i32
    %dma_wait3A_16 = tpu.memref_slice %arg7[%mul3A_2, %dma_wait3A] : memref<10112x32xf32, #tpu.memory_space<vmem_shared>> -> memref<632x32xf32, #tpu.memory_space<vmem_shared>>
    %dma_wait3A_17 = arith.constant 0 : i32
    %dma_wait3A_18 = tpu.memref_slice %arg5[%mul3A_2, %dma_wait3A_17] : memref<10112x32xf32, #tpu.memory_space<hbm>> -> memref<632x32xf32, #tpu.memory_space<hbm>>
    tpu.wait_dma2 semaphore(%arg25 : memref<!tpu.dma_semaphore, #tpu.memory_space<semaphore_mem>>) src(%dma_wait3A_18 : memref<632x32xf32, #tpu.memory_space<hbm>>) dst(%dma_wait3A_16 : memref<632x32xf32, #tpu.memory_space<vmem_shared>>)
    %dma_wait3A_19 = arith.constant 0 : i32
    %dma_wait3A_20 = tpu.memref_slice %arg3[%mul3A_4, %dma_wait3A_19] : memref<5120x64xi32, #tpu.memory_space<hbm>> -> memref<160x64xi32, #tpu.memory_space<hbm>>
    %dma_wait3A_21 = arith.constant 0 : i32
    %dma_wait3A_22 = tpu.memref_slice %arg3[%mul3A_4, %dma_wait3A_21] : memref<5120x64xi32, #tpu.memory_space<hbm>> -> memref<160x64xi32, #tpu.memory_space<hbm>>
    tpu.wait_dma2 semaphore(%arg25 : memref<!tpu.dma_semaphore, #tpu.memory_space<semaphore_mem>>) src(%dma_wait3A_22 : memref<160x64xi32, #tpu.memory_space<hbm>>) dst(%arg8 : memref<160x64xi32, #tpu.memory_space<vmem>>)
    %dma_wait3A_23 = arith.constant 0 : i32
    %dma_wait3A_24 = tpu.memref_slice %arg4[%mul3A_4, %dma_wait3A_23] : memref<5120x64xi32, #tpu.memory_space<hbm>> -> memref<160x64xi32, #tpu.memory_space<hbm>>
    %dma_wait3A_25 = arith.constant 0 : i32
    %dma_wait3A_26 = tpu.memref_slice %arg4[%mul3A_4, %dma_wait3A_25] : memref<5120x64xi32, #tpu.memory_space<hbm>> -> memref<160x64xi32, #tpu.memory_space<hbm>>
    tpu.wait_dma2 semaphore(%arg25 : memref<!tpu.dma_semaphore, #tpu.memory_space<semaphore_mem>>) src(%dma_wait3A_26 : memref<160x64xi32, #tpu.memory_space<hbm>>) dst(%arg9 : memref<160x64xi32, #tpu.memory_space<vmem>>)
    %barrier3A = arith.constant 0 : index
    tpu.barrier barrier_id(%barrier3A)
    %dma_start3A_27 = arith.constant 0 : i32
    %dma_start3A_28 = arith.constant 0 : i32
    %dma_start3A_29 = arith.constant 0 : i32
    %dma_start3A_30 = arith.constant 0 : i32
    %dma_start3A_31 = tpu.memref_slice %arg10[%dma_start3A_28, %dma_start3A_29, %dma_start3A_30] : memref<2x64x32xf32, #tpu.memory_space<vmem>> -> memref<1x64x32xf32, #tpu.memory_space<vmem>>
    %dma_start3A_32 = tpu.memref_squeeze %dma_start3A_31 : memref<1x64x32xf32, #tpu.memory_space<vmem>> -> memref<64x32xf32, #tpu.memory_space<vmem>>
    %dma_start3A_33 = arith.constant 0 : i32
    %dma_start3A_34 = tpu.memref_slice %arg8[%dma_start3A_27, %dma_start3A_33] : memref<160x64xi32, #tpu.memory_space<vmem>> -> memref<1x64xi32, #tpu.memory_space<vmem>>
    %dma_start3A_35 = tpu.memref_squeeze %dma_start3A_34 : memref<1x64xi32, #tpu.memory_space<vmem>> -> memref<64xi32, #tpu.memory_space<vmem>>
    %dma_start3A_36 = arith.constant 0 : i32
    %dma_start3A_37 = arith.constant 0 : i32
    %dma_start3A_38 = tpu.memref_slice %arg2[%dma_start3A_36, %dma_start3A_37] : memref<10000x32xf32, #tpu.memory_space<hbm>> -> memref<10000x32xf32, #tpu.memory_space<hbm>>
    tpu.enqueue_indirect_dma source(%dma_start3A_38 : memref<10000x32xf32, #tpu.memory_space<hbm>>) target(%dma_start3A_32 : memref<64x32xf32, #tpu.memory_space<vmem>>) offsets(%dma_start3A_35 : memref<64xi32, #tpu.memory_space<vmem>>) semaphore(%arg15 : memref<!tpu.dma_semaphore, #tpu.memory_space<semaphore_mem>>)
    %dma_start3A_39 = arith.constant 1 : i32
    %dma_start3A_40 = arith.constant 0 : i32
    %dma_start3A_41 = arith.constant 0 : i32
    %dma_start3A_42 = arith.constant 0 : i32
    %dma_start3A_43 = tpu.memref_slice %arg11[%dma_start3A_40, %dma_start3A_41, %dma_start3A_42] : memref<2x64x32xf32, #tpu.memory_space<vmem>> -> memref<1x64x32xf32, #tpu.memory_space<vmem>>
    %dma_start3A_44 = tpu.memref_squeeze %dma_start3A_43 : memref<1x64x32xf32, #tpu.memory_space<vmem>> -> memref<64x32xf32, #tpu.memory_space<vmem>>
    %dma_start3A_45 = arith.constant 0 : i32
    %dma_start3A_46 = tpu.memref_slice %arg8[%dma_start3A_39, %dma_start3A_45] : memref<160x64xi32, #tpu.memory_space<vmem>> -> memref<1x64xi32, #tpu.memory_space<vmem>>
    %dma_start3A_47 = tpu.memref_squeeze %dma_start3A_46 : memref<1x64xi32, #tpu.memory_space<vmem>> -> memref<64xi32, #tpu.memory_space<vmem>>
    %dma_start3A_48 = arith.constant 0 : i32
    %dma_start3A_49 = arith.constant 0 : i32
    %dma_start3A_50 = tpu.memref_slice %arg2[%dma_start3A_48, %dma_start3A_49] : memref<10000x32xf32, #tpu.memory_space<hbm>> -> memref<10000x32xf32, #tpu.memory_space<hbm>>
    tpu.enqueue_indirect_dma source(%dma_start3A_50 : memref<10000x32xf32, #tpu.memory_space<hbm>>) target(%dma_start3A_44 : memref<64x32xf32, #tpu.memory_space<vmem>>) offsets(%dma_start3A_47 : memref<64xi32, #tpu.memory_space<vmem>>) semaphore(%arg16 : memref<!tpu.dma_semaphore, #tpu.memory_space<semaphore_mem>>)
    %dma_start3A_51 = arith.constant 2 : i32
    %dma_start3A_52 = arith.constant 0 : i32
    %dma_start3A_53 = arith.constant 0 : i32
    %dma_start3A_54 = arith.constant 0 : i32
    %dma_start3A_55 = tpu.memref_slice %arg12[%dma_start3A_52, %dma_start3A_53, %dma_start3A_54] : memref<2x64x32xf32, #tpu.memory_space<vmem>> -> memref<1x64x32xf32, #tpu.memory_space<vmem>>
    %dma_start3A_56 = tpu.memref_squeeze %dma_start3A_55 : memref<1x64x32xf32, #tpu.memory_space<vmem>> -> memref<64x32xf32, #tpu.memory_space<vmem>>
    %dma_start3A_57 = arith.constant 0 : i32
    %dma_start3A_58 = tpu.memref_slice %arg8[%dma_start3A_51, %dma_start3A_57] : memref<160x64xi32, #tpu.memory_space<vmem>> -> memref<1x64xi32, #tpu.memory_space<vmem>>
    %dma_start3A_59 = tpu.memref_squeeze %dma_start3A_58 : memref<1x64xi32, #tpu.memory_space<vmem>> -> memref<64xi32, #tpu.memory_space<vmem>>
    %dma_start3A_60 = arith.constant 0 : i32
    %dma_start3A_61 = arith.constant 0 : i32
    %dma_start3A_62 = tpu.memref_slice %arg2[%dma_start3A_60, %dma_start3A_61] : memref<10000x32xf32, #tpu.memory_space<hbm>> -> memref<10000x32xf32, #tpu.memory_space<hbm>>
    tpu.enqueue_indirect_dma source(%dma_start3A_62 : memref<10000x32xf32, #tpu.memory_space<hbm>>) target(%dma_start3A_56 : memref<64x32xf32, #tpu.memory_space<vmem>>) offsets(%dma_start3A_59 : memref<64xi32, #tpu.memory_space<vmem>>) semaphore(%arg17 : memref<!tpu.dma_semaphore, #tpu.memory_space<semaphore_mem>>)
    %dma_start3A_63 = arith.constant 3 : i32
    %dma_start3A_64 = arith.constant 0 : i32
    %dma_start3A_65 = arith.constant 0 : i32
    %dma_start3A_66 = arith.constant 0 : i32
    %dma_start3A_67 = tpu.memref_slice %arg13[%dma_start3A_64, %dma_start3A_65, %dma_start3A_66] : memref<2x64x32xf32, #tpu.memory_space<vmem>> -> memref<1x64x32xf32, #tpu.memory_space<vmem>>
    %dma_start3A_68 = tpu.memref_squeeze %dma_start3A_67 : memref<1x64x32xf32, #tpu.memory_space<vmem>> -> memref<64x32xf32, #tpu.memory_space<vmem>>
    %dma_start3A_69 = arith.constant 0 : i32
    %dma_start3A_70 = tpu.memref_slice %arg8[%dma_start3A_63, %dma_start3A_69] : memref<160x64xi32, #tpu.memory_space<vmem>> -> memref<1x64xi32, #tpu.memory_space<vmem>>
    %dma_start3A_71 = tpu.memref_squeeze %dma_start3A_70 : memref<1x64xi32, #tpu.memory_space<vmem>> -> memref<64xi32, #tpu.memory_space<vmem>>
    %dma_start3A_72 = arith.constant 0 : i32
    %dma_start3A_73 = arith.constant 0 : i32
    %dma_start3A_74 = tpu.memref_slice %arg2[%dma_start3A_72, %dma_start3A_73] : memref<10000x32xf32, #tpu.memory_space<hbm>> -> memref<10000x32xf32, #tpu.memory_space<hbm>>
    tpu.enqueue_indirect_dma source(%dma_start3A_74 : memref<10000x32xf32, #tpu.memory_space<hbm>>) target(%dma_start3A_68 : memref<64x32xf32, #tpu.memory_space<vmem>>) offsets(%dma_start3A_71 : memref<64xi32, #tpu.memory_space<vmem>>) semaphore(%arg18 : memref<!tpu.dma_semaphore, #tpu.memory_space<semaphore_mem>>)
    %dma_start3A_75 = arith.constant 4 : i32
    %dma_start3A_76 = arith.constant 0 : i32
    %dma_start3A_77 = arith.constant 0 : i32
    %dma_start3A_78 = arith.constant 0 : i32
    %dma_start3A_79 = tpu.memref_slice %arg14[%dma_start3A_76, %dma_start3A_77, %dma_start3A_78] : memref<2x64x32xf32, #tpu.memory_space<vmem>> -> memref<1x64x32xf32, #tpu.memory_space<vmem>>
    %dma_start3A_80 = tpu.memref_squeeze %dma_start3A_79 : memref<1x64x32xf32, #tpu.memory_space<vmem>> -> memref<64x32xf32, #tpu.memory_space<vmem>>
    %dma_start3A_81 = arith.constant 0 : i32
    %dma_start3A_82 = tpu.memref_slice %arg8[%dma_start3A_75, %dma_start3A_81] : memref<160x64xi32, #tpu.memory_space<vmem>> -> memref<1x64xi32, #tpu.memory_space<vmem>>
    %dma_start3A_83 = tpu.memref_squeeze %dma_start3A_82 : memref<1x64xi32, #tpu.memory_space<vmem>> -> memref<64xi32, #tpu.memory_space<vmem>>
    %dma_start3A_84 = arith.constant 0 : i32
    %dma_start3A_85 = arith.constant 0 : i32
    %dma_start3A_86 = tpu.memref_slice %arg2[%dma_start3A_84, %dma_start3A_85] : memref<10000x32xf32, #tpu.memory_space<hbm>> -> memref<10000x32xf32, #tpu.memory_space<hbm>>
    tpu.enqueue_indirect_dma source(%dma_start3A_86 : memref<10000x32xf32, #tpu.memory_space<hbm>>) target(%dma_start3A_80 : memref<64x32xf32, #tpu.memory_space<vmem>>) offsets(%dma_start3A_83 : memref<64xi32, #tpu.memory_space<vmem>>) semaphore(%arg19 : memref<!tpu.dma_semaphore, #tpu.memory_space<semaphore_mem>>)
    %scan3A = arith.constant 0 : i32
    %scan3A_87 = arith.constant 0 : i32
    %scan3A_88 = arith.constant 32 : i32
    %scan3A_89 = arith.addi %scan3A_87, %scan3A_88 : i32
    %scan3A_90 = arith.constant 1 : i32
    scf.for %scan3A_153 = %scan3A_87 to %scan3A_89 step %scan3A_90  : i32 {
      %rem3A = arith.constant 2 : i32
      %rem3A_154 = arith.remsi %scan3A_153, %rem3A : i32
      %mul3A_155 = arith.constant 5 : i32
      %mul3A_156 = arith.muli %scan3A_153, %mul3A_155 : i32
      %add3A_157 = arith.constant 0 : i32
      %add3A_158 = arith.addi %mul3A_156, %add3A_157 : i32
      %dma_wait3A_159 = arith.constant 0 : i32
      %dma_wait3A_160 = arith.constant 0 : i32
      %dma_wait3A_161 = tpu.memref_slice %arg10[%rem3A_154, %dma_wait3A_159, %dma_wait3A_160] : memref<2x64x32xf32, #tpu.memory_space<vmem>> -> memref<1x64x32xf32, #tpu.memory_space<vmem>>
      %dma_wait3A_162 = tpu.memref_squeeze %dma_wait3A_161 : memref<1x64x32xf32, #tpu.memory_space<vmem>> -> memref<64x32xf32, #tpu.memory_space<vmem>>
      %dma_wait3A_163 = arith.constant 0 : i32
      %dma_wait3A_164 = tpu.memref_slice %arg8[%add3A_158, %dma_wait3A_163] : memref<160x64xi32, #tpu.memory_space<vmem>> -> memref<1x64xi32, #tpu.memory_space<vmem>>
      %dma_wait3A_165 = tpu.memref_squeeze %dma_wait3A_164 : memref<1x64xi32, #tpu.memory_space<vmem>> -> memref<64xi32, #tpu.memory_space<vmem>>
      %dma_wait3A_166 = arith.constant 0 : i32
      %dma_wait3A_167 = arith.constant 0 : i32
      %dma_wait3A_168 = tpu.memref_slice %arg2[%dma_wait3A_166, %dma_wait3A_167] : memref<10000x32xf32, #tpu.memory_space<hbm>> -> memref<10000x32xf32, #tpu.memory_space<hbm>>
      tpu.wait_indirect_dma semaphore(%arg15 : memref<!tpu.dma_semaphore, #tpu.memory_space<semaphore_mem>>) src(%dma_wait3A_168 : memref<10000x32xf32, #tpu.memory_space<hbm>>) dst(%dma_wait3A_162 : memref<64x32xf32, #tpu.memory_space<vmem>>)
      %ge3A = arith.constant 1 : i32
      %ge3A_169 = arith.cmpi sge, %scan3A_153, %ge3A : i32
      %convert_element_type3A = arith.extui %ge3A_169 : i1 to i32
      %cond3A = arith.constant 0 : i32
      %cond3A_170 = arith.cmpi ne, %convert_element_type3A, %cond3A : i32
      scf.if %cond3A_170 {
        %sub3A = arith.constant 1 : i32
        %sub3A_331 = arith.subi %sub3A, %rem3A_154 : i32
        %sub3A_332 = arith.constant 5 : i32
        %sub3A_333 = arith.subi %add3A_158, %sub3A_332 : i32
        %dma_wait3A_334 = arith.constant 0 : i32
        %dma_wait3A_335 = arith.constant 0 : i32
        %dma_wait3A_336 = tpu.memref_slice %arg10[%sub3A_331, %dma_wait3A_334, %dma_wait3A_335] : memref<2x64x32xf32, #tpu.memory_space<vmem>> -> memref<1x64x32xf32, #tpu.memory_space<vmem>>
        %dma_wait3A_337 = tpu.memref_squeeze %dma_wait3A_336 : memref<1x64x32xf32, #tpu.memory_space<vmem>> -> memref<64x32xf32, #tpu.memory_space<vmem>>
        %dma_wait3A_338 = arith.constant 0 : i32
        %dma_wait3A_339 = tpu.memref_slice %arg9[%sub3A_333, %dma_wait3A_338] : memref<160x64xi32, #tpu.memory_space<vmem>> -> memref<1x64xi32, #tpu.memory_space<vmem>>
        %dma_wait3A_340 = tpu.memref_squeeze %dma_wait3A_339 : memref<1x64xi32, #tpu.memory_space<vmem>> -> memref<64xi32, #tpu.memory_space<vmem>>
        %dma_wait3A_341 = arith.constant 0 : i32
        %dma_wait3A_342 = arith.constant 0 : i32
        %dma_wait3A_343 = tpu.memref_slice %arg7[%dma_wait3A_341, %dma_wait3A_342] : memref<10112x32xf32, #tpu.memory_space<vmem_shared>> -> memref<10112x32xf32, #tpu.memory_space<vmem_shared>>
        tpu.wait_indirect_dma semaphore(%arg20 : memref<!tpu.dma_semaphore, #tpu.memory_space<semaphore_mem>>) src(%dma_wait3A_337 : memref<64x32xf32, #tpu.memory_space<vmem>>) dst(%dma_wait3A_343 : memref<10112x32xf32, #tpu.memory_space<vmem_shared>>)
      } else {
      }
      %add3A_171 = arith.constant 5 : i32
      %add3A_172 = arith.addi %add3A_158, %add3A_171 : i32
      %lt3A = arith.constant 160 : i32
      %lt3A_173 = arith.cmpi slt, %add3A_172, %lt3A : i32
      %convert_element_type3A_174 = arith.extui %lt3A_173 : i1 to i32
      %cond3A_175 = arith.constant 0 : i32
      %cond3A_176 = arith.cmpi ne, %convert_element_type3A_174, %cond3A_175 : i32
      scf.if %cond3A_176 {
        %add3A_331 = arith.constant 5 : i32
        %add3A_332 = arith.addi %add3A_158, %add3A_331 : i32
        %sub3A = arith.constant 1 : i32
        %sub3A_333 = arith.subi %sub3A, %rem3A_154 : i32
        %dma_start3A_334 = arith.constant 0 : i32
        %dma_start3A_335 = arith.constant 0 : i32
        %dma_start3A_336 = tpu.memref_slice %arg10[%sub3A_333, %dma_start3A_334, %dma_start3A_335] : memref<2x64x32xf32, #tpu.memory_space<vmem>> -> memref<1x64x32xf32, #tpu.memory_space<vmem>>
        %dma_start3A_337 = tpu.memref_squeeze %dma_start3A_336 : memref<1x64x32xf32, #tpu.memory_space<vmem>> -> memref<64x32xf32, #tpu.memory_space<vmem>>
        %dma_start3A_338 = arith.constant 0 : i32
        %dma_start3A_339 = tpu.memref_slice %arg8[%add3A_332, %dma_start3A_338] : memref<160x64xi32, #tpu.memory_space<vmem>> -> memref<1x64xi32, #tpu.memory_space<vmem>>
        %dma_start3A_340 = tpu.memref_squeeze %dma_start3A_339 : memref<1x64xi32, #tpu.memory_space<vmem>> -> memref<64xi32, #tpu.memory_space<vmem>>
        %dma_start3A_341 = arith.constant 0 : i32
        %dma_start3A_342 = arith.constant 0 : i32
        %dma_start3A_343 = tpu.memref_slice %arg2[%dma_start3A_341, %dma_start3A_342] : memref<10000x32xf32, #tpu.memory_space<hbm>> -> memref<10000x32xf32, #tpu.memory_space<hbm>>
        tpu.enqueue_indirect_dma source(%dma_start3A_343 : memref<10000x32xf32, #tpu.memory_space<hbm>>) target(%dma_start3A_337 : memref<64x32xf32, #tpu.memory_space<vmem>>) offsets(%dma_start3A_340 : memref<64xi32, #tpu.memory_space<vmem>>) semaphore(%arg15 : memref<!tpu.dma_semaphore, #tpu.memory_space<semaphore_mem>>)
      } else {
      }
      %dma_start3A_177 = arith.constant 0 : i32
      %dma_start3A_178 = arith.constant 0 : i32
      %dma_start3A_179 = tpu.memref_slice %arg10[%rem3A_154, %dma_start3A_177, %dma_start3A_178] : memref<2x64x32xf32, #tpu.memory_space<vmem>> -> memref<1x64x32xf32, #tpu.memory_space<vmem>>
      %dma_start3A_180 = tpu.memref_squeeze %dma_start3A_179 : memref<1x64x32xf32, #tpu.memory_space<vmem>> -> memref<64x32xf32, #tpu.memory_space<vmem>>
      %dma_start3A_181 = arith.constant 0 : i32
      %dma_start3A_182 = tpu.memref_slice %arg9[%add3A_158, %dma_start3A_181] : memref<160x64xi32, #tpu.memory_space<vmem>> -> memref<1x64xi32, #tpu.memory_space<vmem>>
      %dma_start3A_183 = tpu.memref_squeeze %dma_start3A_182 : memref<1x64xi32, #tpu.memory_space<vmem>> -> memref<64xi32, #tpu.memory_space<vmem>>
      %dma_start3A_184 = arith.constant 0 : i32
      %dma_start3A_185 = arith.constant 0 : i32
      %dma_start3A_186 = tpu.memref_slice %arg7[%dma_start3A_184, %dma_start3A_185] : memref<10112x32xf32, #tpu.memory_space<vmem_shared>> -> memref<10112x32xf32, #tpu.memory_space<vmem_shared>>
      tpu.enqueue_indirect_dma source(%dma_start3A_180 : memref<64x32xf32, #tpu.memory_space<vmem>>) target(%dma_start3A_186 : memref<10112x32xf32, #tpu.memory_space<vmem_shared>>) offsets(%dma_start3A_183 : memref<64xi32, #tpu.memory_space<vmem>>) semaphore(%arg20 : memref<!tpu.dma_semaphore, #tpu.memory_space<semaphore_mem>>) {add = true}
      %mul3A_187 = arith.constant 5 : i32
      %mul3A_188 = arith.muli %scan3A_153, %mul3A_187 : i32
      %add3A_189 = arith.constant 1 : i32
      %add3A_190 = arith.addi %mul3A_188, %add3A_189 : i32
      %dma_wait3A_191 = arith.constant 0 : i32
      %dma_wait3A_192 = arith.constant 0 : i32
      %dma_wait3A_193 = tpu.memref_slice %arg11[%rem3A_154, %dma_wait3A_191, %dma_wait3A_192] : memref<2x64x32xf32, #tpu.memory_space<vmem>> -> memref<1x64x32xf32, #tpu.memory_space<vmem>>
      %dma_wait3A_194 = tpu.memref_squeeze %dma_wait3A_193 : memref<1x64x32xf32, #tpu.memory_space<vmem>> -> memref<64x32xf32, #tpu.memory_space<vmem>>
      %dma_wait3A_195 = arith.constant 0 : i32
      %dma_wait3A_196 = tpu.memref_slice %arg8[%add3A_190, %dma_wait3A_195] : memref<160x64xi32, #tpu.memory_space<vmem>> -> memref<1x64xi32, #tpu.memory_space<vmem>>
      %dma_wait3A_197 = tpu.memref_squeeze %dma_wait3A_196 : memref<1x64xi32, #tpu.memory_space<vmem>> -> memref<64xi32, #tpu.memory_space<vmem>>
      %dma_wait3A_198 = arith.constant 0 : i32
      %dma_wait3A_199 = arith.constant 0 : i32
      %dma_wait3A_200 = tpu.memref_slice %arg2[%dma_wait3A_198, %dma_wait3A_199] : memref<10000x32xf32, #tpu.memory_space<hbm>> -> memref<10000x32xf32, #tpu.memory_space<hbm>>
      tpu.wait_indirect_dma semaphore(%arg16 : memref<!tpu.dma_semaphore, #tpu.memory_space<semaphore_mem>>) src(%dma_wait3A_200 : memref<10000x32xf32, #tpu.memory_space<hbm>>) dst(%dma_wait3A_194 : memref<64x32xf32, #tpu.memory_space<vmem>>)
      %ge3A_201 = arith.constant 1 : i32
      %ge3A_202 = arith.cmpi sge, %scan3A_153, %ge3A_201 : i32
      %convert_element_type3A_203 = arith.extui %ge3A_202 : i1 to i32
      %cond3A_204 = arith.constant 0 : i32
      %cond3A_205 = arith.cmpi ne, %convert_element_type3A_203, %cond3A_204 : i32
      scf.if %cond3A_205 {
        %sub3A = arith.constant 1 : i32
        %sub3A_331 = arith.subi %sub3A, %rem3A_154 : i32
        %sub3A_332 = arith.constant 5 : i32
        %sub3A_333 = arith.subi %add3A_190, %sub3A_332 : i32
        %dma_wait3A_334 = arith.constant 0 : i32
        %dma_wait3A_335 = arith.constant 0 : i32
        %dma_wait3A_336 = tpu.memref_slice %arg11[%sub3A_331, %dma_wait3A_334, %dma_wait3A_335] : memref<2x64x32xf32, #tpu.memory_space<vmem>> -> memref<1x64x32xf32, #tpu.memory_space<vmem>>
        %dma_wait3A_337 = tpu.memref_squeeze %dma_wait3A_336 : memref<1x64x32xf32, #tpu.memory_space<vmem>> -> memref<64x32xf32, #tpu.memory_space<vmem>>
        %dma_wait3A_338 = arith.constant 0 : i32
        %dma_wait3A_339 = tpu.memref_slice %arg9[%sub3A_333, %dma_wait3A_338] : memref<160x64xi32, #tpu.memory_space<vmem>> -> memref<1x64xi32, #tpu.memory_space<vmem>>
        %dma_wait3A_340 = tpu.memref_squeeze %dma_wait3A_339 : memref<1x64xi32, #tpu.memory_space<vmem>> -> memref<64xi32, #tpu.memory_space<vmem>>
        %dma_wait3A_341 = arith.constant 0 : i32
        %dma_wait3A_342 = arith.constant 0 : i32
        %dma_wait3A_343 = tpu.memref_slice %arg7[%dma_wait3A_341, %dma_wait3A_342] : memref<10112x32xf32, #tpu.memory_space<vmem_shared>> -> memref<10112x32xf32, #tpu.memory_space<vmem_shared>>
        tpu.wait_indirect_dma semaphore(%arg21 : memref<!tpu.dma_semaphore, #tpu.memory_space<semaphore_mem>>) src(%dma_wait3A_337 : memref<64x32xf32, #tpu.memory_space<vmem>>) dst(%dma_wait3A_343 : memref<10112x32xf32, #tpu.memory_space<vmem_shared>>)
      } else {
      }
      %add3A_206 = arith.constant 5 : i32
      %add3A_207 = arith.addi %add3A_190, %add3A_206 : i32
      %lt3A_208 = arith.constant 160 : i32
      %lt3A_209 = arith.cmpi slt, %add3A_207, %lt3A_208 : i32
      %convert_element_type3A_210 = arith.extui %lt3A_209 : i1 to i32
      %cond3A_211 = arith.constant 0 : i32
      %cond3A_212 = arith.cmpi ne, %convert_element_type3A_210, %cond3A_211 : i32
      scf.if %cond3A_212 {
        %add3A_331 = arith.constant 5 : i32
        %add3A_332 = arith.addi %add3A_190, %add3A_331 : i32
        %sub3A = arith.constant 1 : i32
        %sub3A_333 = arith.subi %sub3A, %rem3A_154 : i32
        %dma_start3A_334 = arith.constant 0 : i32
        %dma_start3A_335 = arith.constant 0 : i32
        %dma_start3A_336 = tpu.memref_slice %arg11[%sub3A_333, %dma_start3A_334, %dma_start3A_335] : memref<2x64x32xf32, #tpu.memory_space<vmem>> -> memref<1x64x32xf32, #tpu.memory_space<vmem>>
        %dma_start3A_337 = tpu.memref_squeeze %dma_start3A_336 : memref<1x64x32xf32, #tpu.memory_space<vmem>> -> memref<64x32xf32, #tpu.memory_space<vmem>>
        %dma_start3A_338 = arith.constant 0 : i32
        %dma_start3A_339 = tpu.memref_slice %arg8[%add3A_332, %dma_start3A_338] : memref<160x64xi32, #tpu.memory_space<vmem>> -> memref<1x64xi32, #tpu.memory_space<vmem>>
        %dma_start3A_340 = tpu.memref_squeeze %dma_start3A_339 : memref<1x64xi32, #tpu.memory_space<vmem>> -> memref<64xi32, #tpu.memory_space<vmem>>
        %dma_start3A_341 = arith.constant 0 : i32
        %dma_start3A_342 = arith.constant 0 : i32
        %dma_start3A_343 = tpu.memref_slice %arg2[%dma_start3A_341, %dma_start3A_342] : memref<10000x32xf32, #tpu.memory_space<hbm>> -> memref<10000x32xf32, #tpu.memory_space<hbm>>
        tpu.enqueue_indirect_dma source(%dma_start3A_343 : memref<10000x32xf32, #tpu.memory_space<hbm>>) target(%dma_start3A_337 : memref<64x32xf32, #tpu.memory_space<vmem>>) offsets(%dma_start3A_340 : memref<64xi32, #tpu.memory_space<vmem>>) semaphore(%arg16 : memref<!tpu.dma_semaphore, #tpu.memory_space<semaphore_mem>>)
      } else {
      }
      %dma_start3A_213 = arith.constant 0 : i32
      %dma_start3A_214 = arith.constant 0 : i32
      %dma_start3A_215 = tpu.memref_slice %arg11[%rem3A_154, %dma_start3A_213, %dma_start3A_214] : memref<2x64x32xf32, #tpu.memory_space<vmem>> -> memref<1x64x32xf32, #tpu.memory_space<vmem>>
      %dma_start3A_216 = tpu.memref_squeeze %dma_start3A_215 : memref<1x64x32xf32, #tpu.memory_space<vmem>> -> memref<64x32xf32, #tpu.memory_space<vmem>>
      %dma_start3A_217 = arith.constant 0 : i32
      %dma_start3A_218 = tpu.memref_slice %arg9[%add3A_190, %dma_start3A_217] : memref<160x64xi32, #tpu.memory_space<vmem>> -> memref<1x64xi32, #tpu.memory_space<vmem>>
      %dma_start3A_219 = tpu.memref_squeeze %dma_start3A_218 : memref<1x64xi32, #tpu.memory_space<vmem>> -> memref<64xi32, #tpu.memory_space<vmem>>
      %dma_start3A_220 = arith.constant 0 : i32
      %dma_start3A_221 = arith.constant 0 : i32
      %dma_start3A_222 = tpu.memref_slice %arg7[%dma_start3A_220, %dma_start3A_221] : memref<10112x32xf32, #tpu.memory_space<vmem_shared>> -> memref<10112x32xf32, #tpu.memory_space<vmem_shared>>
      tpu.enqueue_indirect_dma source(%dma_start3A_216 : memref<64x32xf32, #tpu.memory_space<vmem>>) target(%dma_start3A_222 : memref<10112x32xf32, #tpu.memory_space<vmem_shared>>) offsets(%dma_start3A_219 : memref<64xi32, #tpu.memory_space<vmem>>) semaphore(%arg21 : memref<!tpu.dma_semaphore, #tpu.memory_space<semaphore_mem>>) {add = true}
      %mul3A_223 = arith.constant 5 : i32
      %mul3A_224 = arith.muli %scan3A_153, %mul3A_223 : i32
      %add3A_225 = arith.constant 2 : i32
      %add3A_226 = arith.addi %mul3A_224, %add3A_225 : i32
      %dma_wait3A_227 = arith.constant 0 : i32
      %dma_wait3A_228 = arith.constant 0 : i32
      %dma_wait3A_229 = tpu.memref_slice %arg12[%rem3A_154, %dma_wait3A_227, %dma_wait3A_228] : memref<2x64x32xf32, #tpu.memory_space<vmem>> -> memref<1x64x32xf32, #tpu.memory_space<vmem>>
      %dma_wait3A_230 = tpu.memref_squeeze %dma_wait3A_229 : memref<1x64x32xf32, #tpu.memory_space<vmem>> -> memref<64x32xf32, #tpu.memory_space<vmem>>
      %dma_wait3A_231 = arith.constant 0 : i32
      %dma_wait3A_232 = tpu.memref_slice %arg8[%add3A_226, %dma_wait3A_231] : memref<160x64xi32, #tpu.memory_space<vmem>> -> memref<1x64xi32, #tpu.memory_space<vmem>>
      %dma_wait3A_233 = tpu.memref_squeeze %dma_wait3A_232 : memref<1x64xi32, #tpu.memory_space<vmem>> -> memref<64xi32, #tpu.memory_space<vmem>>
      %dma_wait3A_234 = arith.constant 0 : i32
      %dma_wait3A_235 = arith.constant 0 : i32
      %dma_wait3A_236 = tpu.memref_slice %arg2[%dma_wait3A_234, %dma_wait3A_235] : memref<10000x32xf32, #tpu.memory_space<hbm>> -> memref<10000x32xf32, #tpu.memory_space<hbm>>
      tpu.wait_indirect_dma semaphore(%arg17 : memref<!tpu.dma_semaphore, #tpu.memory_space<semaphore_mem>>) src(%dma_wait3A_236 : memref<10000x32xf32, #tpu.memory_space<hbm>>) dst(%dma_wait3A_230 : memref<64x32xf32, #tpu.memory_space<vmem>>)
      %ge3A_237 = arith.constant 1 : i32
      %ge3A_238 = arith.cmpi sge, %scan3A_153, %ge3A_237 : i32
      %convert_element_type3A_239 = arith.extui %ge3A_238 : i1 to i32
      %cond3A_240 = arith.constant 0 : i32
      %cond3A_241 = arith.cmpi ne, %convert_element_type3A_239, %cond3A_240 : i32
      scf.if %cond3A_241 {
        %sub3A = arith.constant 1 : i32
        %sub3A_331 = arith.subi %sub3A, %rem3A_154 : i32
        %sub3A_332 = arith.constant 5 : i32
        %sub3A_333 = arith.subi %add3A_226, %sub3A_332 : i32
        %dma_wait3A_334 = arith.constant 0 : i32
        %dma_wait3A_335 = arith.constant 0 : i32
        %dma_wait3A_336 = tpu.memref_slice %arg12[%sub3A_331, %dma_wait3A_334, %dma_wait3A_335] : memref<2x64x32xf32, #tpu.memory_space<vmem>> -> memref<1x64x32xf32, #tpu.memory_space<vmem>>
        %dma_wait3A_337 = tpu.memref_squeeze %dma_wait3A_336 : memref<1x64x32xf32, #tpu.memory_space<vmem>> -> memref<64x32xf32, #tpu.memory_space<vmem>>
        %dma_wait3A_338 = arith.constant 0 : i32
        %dma_wait3A_339 = tpu.memref_slice %arg9[%sub3A_333, %dma_wait3A_338] : memref<160x64xi32, #tpu.memory_space<vmem>> -> memref<1x64xi32, #tpu.memory_space<vmem>>
        %dma_wait3A_340 = tpu.memref_squeeze %dma_wait3A_339 : memref<1x64xi32, #tpu.memory_space<vmem>> -> memref<64xi32, #tpu.memory_space<vmem>>
        %dma_wait3A_341 = arith.constant 0 : i32
        %dma_wait3A_342 = arith.constant 0 : i32
        %dma_wait3A_343 = tpu.memref_slice %arg7[%dma_wait3A_341, %dma_wait3A_342] : memref<10112x32xf32, #tpu.memory_space<vmem_shared>> -> memref<10112x32xf32, #tpu.memory_space<vmem_shared>>
        tpu.wait_indirect_dma semaphore(%arg22 : memref<!tpu.dma_semaphore, #tpu.memory_space<semaphore_mem>>) src(%dma_wait3A_337 : memref<64x32xf32, #tpu.memory_space<vmem>>) dst(%dma_wait3A_343 : memref<10112x32xf32, #tpu.memory_space<vmem_shared>>)
      } else {
      }
      %add3A_242 = arith.constant 5 : i32
      %add3A_243 = arith.addi %add3A_226, %add3A_242 : i32
      %lt3A_244 = arith.constant 160 : i32
      %lt3A_245 = arith.cmpi slt, %add3A_243, %lt3A_244 : i32
      %convert_element_type3A_246 = arith.extui %lt3A_245 : i1 to i32
      %cond3A_247 = arith.constant 0 : i32
      %cond3A_248 = arith.cmpi ne, %convert_element_type3A_246, %cond3A_247 : i32
      scf.if %cond3A_248 {
        %add3A_331 = arith.constant 5 : i32
        %add3A_332 = arith.addi %add3A_226, %add3A_331 : i32
        %sub3A = arith.constant 1 : i32
        %sub3A_333 = arith.subi %sub3A, %rem3A_154 : i32
        %dma_start3A_334 = arith.constant 0 : i32
        %dma_start3A_335 = arith.constant 0 : i32
        %dma_start3A_336 = tpu.memref_slice %arg12[%sub3A_333, %dma_start3A_334, %dma_start3A_335] : memref<2x64x32xf32, #tpu.memory_space<vmem>> -> memref<1x64x32xf32, #tpu.memory_space<vmem>>
        %dma_start3A_337 = tpu.memref_squeeze %dma_start3A_336 : memref<1x64x32xf32, #tpu.memory_space<vmem>> -> memref<64x32xf32, #tpu.memory_space<vmem>>
        %dma_start3A_338 = arith.constant 0 : i32
        %dma_start3A_339 = tpu.memref_slice %arg8[%add3A_332, %dma_start3A_338] : memref<160x64xi32, #tpu.memory_space<vmem>> -> memref<1x64xi32, #tpu.memory_space<vmem>>
        %dma_start3A_340 = tpu.memref_squeeze %dma_start3A_339 : memref<1x64xi32, #tpu.memory_space<vmem>> -> memref<64xi32, #tpu.memory_space<vmem>>
        %dma_start3A_341 = arith.constant 0 : i32
        %dma_start3A_342 = arith.constant 0 : i32
        %dma_start3A_343 = tpu.memref_slice %arg2[%dma_start3A_341, %dma_start3A_342] : memref<10000x32xf32, #tpu.memory_space<hbm>> -> memref<10000x32xf32, #tpu.memory_space<hbm>>
        tpu.enqueue_indirect_dma source(%dma_start3A_343 : memref<10000x32xf32, #tpu.memory_space<hbm>>) target(%dma_start3A_337 : memref<64x32xf32, #tpu.memory_space<vmem>>) offsets(%dma_start3A_340 : memref<64xi32, #tpu.memory_space<vmem>>) semaphore(%arg17 : memref<!tpu.dma_semaphore, #tpu.memory_space<semaphore_mem>>)
      } else {
      }
      %dma_start3A_249 = arith.constant 0 : i32
      %dma_start3A_250 = arith.constant 0 : i32
      %dma_start3A_251 = tpu.memref_slice %arg12[%rem3A_154, %dma_start3A_249, %dma_start3A_250] : memref<2x64x32xf32, #tpu.memory_space<vmem>> -> memref<1x64x32xf32, #tpu.memory_space<vmem>>
      %dma_start3A_252 = tpu.memref_squeeze %dma_start3A_251 : memref<1x64x32xf32, #tpu.memory_space<vmem>> -> memref<64x32xf32, #tpu.memory_space<vmem>>
      %dma_start3A_253 = arith.constant 0 : i32
      %dma_start3A_254 = tpu.memref_slice %arg9[%add3A_226, %dma_start3A_253] : memref<160x64xi32, #tpu.memory_space<vmem>> -> memref<1x64xi32, #tpu.memory_space<vmem>>
      %dma_start3A_255 = tpu.memref_squeeze %dma_start3A_254 : memref<1x64xi32, #tpu.memory_space<vmem>> -> memref<64xi32, #tpu.memory_space<vmem>>
      %dma_start3A_256 = arith.constant 0 : i32
      %dma_start3A_257 = arith.constant 0 : i32
      %dma_start3A_258 = tpu.memref_slice %arg7[%dma_start3A_256, %dma_start3A_257] : memref<10112x32xf32, #tpu.memory_space<vmem_shared>> -> memref<10112x32xf32, #tpu.memory_space<vmem_shared>>
      tpu.enqueue_indirect_dma source(%dma_start3A_252 : memref<64x32xf32, #tpu.memory_space<vmem>>) target(%dma_start3A_258 : memref<10112x32xf32, #tpu.memory_space<vmem_shared>>) offsets(%dma_start3A_255 : memref<64xi32, #tpu.memory_space<vmem>>) semaphore(%arg22 : memref<!tpu.dma_semaphore, #tpu.memory_space<semaphore_mem>>) {add = true}
      %mul3A_259 = arith.constant 5 : i32
      %mul3A_260 = arith.muli %scan3A_153, %mul3A_259 : i32
      %add3A_261 = arith.constant 3 : i32
      %add3A_262 = arith.addi %mul3A_260, %add3A_261 : i32
      %dma_wait3A_263 = arith.constant 0 : i32
      %dma_wait3A_264 = arith.constant 0 : i32
      %dma_wait3A_265 = tpu.memref_slice %arg13[%rem3A_154, %dma_wait3A_263, %dma_wait3A_264] : memref<2x64x32xf32, #tpu.memory_space<vmem>> -> memref<1x64x32xf32, #tpu.memory_space<vmem>>
      %dma_wait3A_266 = tpu.memref_squeeze %dma_wait3A_265 : memref<1x64x32xf32, #tpu.memory_space<vmem>> -> memref<64x32xf32, #tpu.memory_space<vmem>>
      %dma_wait3A_267 = arith.constant 0 : i32
      %dma_wait3A_268 = tpu.memref_slice %arg8[%add3A_262, %dma_wait3A_267] : memref<160x64xi32, #tpu.memory_space<vmem>> -> memref<1x64xi32, #tpu.memory_space<vmem>>
      %dma_wait3A_269 = tpu.memref_squeeze %dma_wait3A_268 : memref<1x64xi32, #tpu.memory_space<vmem>> -> memref<64xi32, #tpu.memory_space<vmem>>
      %dma_wait3A_270 = arith.constant 0 : i32
      %dma_wait3A_271 = arith.constant 0 : i32
      %dma_wait3A_272 = tpu.memref_slice %arg2[%dma_wait3A_270, %dma_wait3A_271] : memref<10000x32xf32, #tpu.memory_space<hbm>> -> memref<10000x32xf32, #tpu.memory_space<hbm>>
      tpu.wait_indirect_dma semaphore(%arg18 : memref<!tpu.dma_semaphore, #tpu.memory_space<semaphore_mem>>) src(%dma_wait3A_272 : memref<10000x32xf32, #tpu.memory_space<hbm>>) dst(%dma_wait3A_266 : memref<64x32xf32, #tpu.memory_space<vmem>>)
      %ge3A_273 = arith.constant 1 : i32
      %ge3A_274 = arith.cmpi sge, %scan3A_153, %ge3A_273 : i32
      %convert_element_type3A_275 = arith.extui %ge3A_274 : i1 to i32
      %cond3A_276 = arith.constant 0 : i32
      %cond3A_277 = arith.cmpi ne, %convert_element_type3A_275, %cond3A_276 : i32
      scf.if %cond3A_277 {
        %sub3A = arith.constant 1 : i32
        %sub3A_331 = arith.subi %sub3A, %rem3A_154 : i32
        %sub3A_332 = arith.constant 5 : i32
        %sub3A_333 = arith.subi %add3A_262, %sub3A_332 : i32
        %dma_wait3A_334 = arith.constant 0 : i32
        %dma_wait3A_335 = arith.constant 0 : i32
        %dma_wait3A_336 = tpu.memref_slice %arg13[%sub3A_331, %dma_wait3A_334, %dma_wait3A_335] : memref<2x64x32xf32, #tpu.memory_space<vmem>> -> memref<1x64x32xf32, #tpu.memory_space<vmem>>
        %dma_wait3A_337 = tpu.memref_squeeze %dma_wait3A_336 : memref<1x64x32xf32, #tpu.memory_space<vmem>> -> memref<64x32xf32, #tpu.memory_space<vmem>>
        %dma_wait3A_338 = arith.constant 0 : i32
        %dma_wait3A_339 = tpu.memref_slice %arg9[%sub3A_333, %dma_wait3A_338] : memref<160x64xi32, #tpu.memory_space<vmem>> -> memref<1x64xi32, #tpu.memory_space<vmem>>
        %dma_wait3A_340 = tpu.memref_squeeze %dma_wait3A_339 : memref<1x64xi32, #tpu.memory_space<vmem>> -> memref<64xi32, #tpu.memory_space<vmem>>
        %dma_wait3A_341 = arith.constant 0 : i32
        %dma_wait3A_342 = arith.constant 0 : i32
        %dma_wait3A_343 = tpu.memref_slice %arg7[%dma_wait3A_341, %dma_wait3A_342] : memref<10112x32xf32, #tpu.memory_space<vmem_shared>> -> memref<10112x32xf32, #tpu.memory_space<vmem_shared>>
        tpu.wait_indirect_dma semaphore(%arg23 : memref<!tpu.dma_semaphore, #tpu.memory_space<semaphore_mem>>) src(%dma_wait3A_337 : memref<64x32xf32, #tpu.memory_space<vmem>>) dst(%dma_wait3A_343 : memref<10112x32xf32, #tpu.memory_space<vmem_shared>>)
      } else {
      }
      %add3A_278 = arith.constant 5 : i32
      %add3A_279 = arith.addi %add3A_262, %add3A_278 : i32
      %lt3A_280 = arith.constant 160 : i32
      %lt3A_281 = arith.cmpi slt, %add3A_279, %lt3A_280 : i32
      %convert_element_type3A_282 = arith.extui %lt3A_281 : i1 to i32
      %cond3A_283 = arith.constant 0 : i32
      %cond3A_284 = arith.cmpi ne, %convert_element_type3A_282, %cond3A_283 : i32
      scf.if %cond3A_284 {
        %add3A_331 = arith.constant 5 : i32
        %add3A_332 = arith.addi %add3A_262, %add3A_331 : i32
        %sub3A = arith.constant 1 : i32
        %sub3A_333 = arith.subi %sub3A, %rem3A_154 : i32
        %dma_start3A_334 = arith.constant 0 : i32
        %dma_start3A_335 = arith.constant 0 : i32
        %dma_start3A_336 = tpu.memref_slice %arg13[%sub3A_333, %dma_start3A_334, %dma_start3A_335] : memref<2x64x32xf32, #tpu.memory_space<vmem>> -> memref<1x64x32xf32, #tpu.memory_space<vmem>>
        %dma_start3A_337 = tpu.memref_squeeze %dma_start3A_336 : memref<1x64x32xf32, #tpu.memory_space<vmem>> -> memref<64x32xf32, #tpu.memory_space<vmem>>
        %dma_start3A_338 = arith.constant 0 : i32
        %dma_start3A_339 = tpu.memref_slice %arg8[%add3A_332, %dma_start3A_338] : memref<160x64xi32, #tpu.memory_space<vmem>> -> memref<1x64xi32, #tpu.memory_space<vmem>>
        %dma_start3A_340 = tpu.memref_squeeze %dma_start3A_339 : memref<1x64xi32, #tpu.memory_space<vmem>> -> memref<64xi32, #tpu.memory_space<vmem>>
        %dma_start3A_341 = arith.constant 0 : i32
        %dma_start3A_342 = arith.constant 0 : i32
        %dma_start3A_343 = tpu.memref_slice %arg2[%dma_start3A_341, %dma_start3A_342] : memref<10000x32xf32, #tpu.memory_space<hbm>> -> memref<10000x32xf32, #tpu.memory_space<hbm>>
        tpu.enqueue_indirect_dma source(%dma_start3A_343 : memref<10000x32xf32, #tpu.memory_space<hbm>>) target(%dma_start3A_337 : memref<64x32xf32, #tpu.memory_space<vmem>>) offsets(%dma_start3A_340 : memref<64xi32, #tpu.memory_space<vmem>>) semaphore(%arg18 : memref<!tpu.dma_semaphore, #tpu.memory_space<semaphore_mem>>)
      } else {
      }
      %dma_start3A_285 = arith.constant 0 : i32
      %dma_start3A_286 = arith.constant 0 : i32
      %dma_start3A_287 = tpu.memref_slice %arg13[%rem3A_154, %dma_start3A_285, %dma_start3A_286] : memref<2x64x32xf32, #tpu.memory_space<vmem>> -> memref<1x64x32xf32, #tpu.memory_space<vmem>>
      %dma_start3A_288 = tpu.memref_squeeze %dma_start3A_287 : memref<1x64x32xf32, #tpu.memory_space<vmem>> -> memref<64x32xf32, #tpu.memory_space<vmem>>
      %dma_start3A_289 = arith.constant 0 : i32
      %dma_start3A_290 = tpu.memref_slice %arg9[%add3A_262, %dma_start3A_289] : memref<160x64xi32, #tpu.memory_space<vmem>> -> memref<1x64xi32, #tpu.memory_space<vmem>>
      %dma_start3A_291 = tpu.memref_squeeze %dma_start3A_290 : memref<1x64xi32, #tpu.memory_space<vmem>> -> memref<64xi32, #tpu.memory_space<vmem>>
      %dma_start3A_292 = arith.constant 0 : i32
      %dma_start3A_293 = arith.constant 0 : i32
      %dma_start3A_294 = tpu.memref_slice %arg7[%dma_start3A_292, %dma_start3A_293] : memref<10112x32xf32, #tpu.memory_space<vmem_shared>> -> memref<10112x32xf32, #tpu.memory_space<vmem_shared>>
      tpu.enqueue_indirect_dma source(%dma_start3A_288 : memref<64x32xf32, #tpu.memory_space<vmem>>) target(%dma_start3A_294 : memref<10112x32xf32, #tpu.memory_space<vmem_shared>>) offsets(%dma_start3A_291 : memref<64xi32, #tpu.memory_space<vmem>>) semaphore(%arg23 : memref<!tpu.dma_semaphore, #tpu.memory_space<semaphore_mem>>) {add = true}
      %mul3A_295 = arith.constant 5 : i32
      %mul3A_296 = arith.muli %scan3A_153, %mul3A_295 : i32
      %add3A_297 = arith.constant 4 : i32
      %add3A_298 = arith.addi %mul3A_296, %add3A_297 : i32
      %dma_wait3A_299 = arith.constant 0 : i32
      %dma_wait3A_300 = arith.constant 0 : i32
      %dma_wait3A_301 = tpu.memref_slice %arg14[%rem3A_154, %dma_wait3A_299, %dma_wait3A_300] : memref<2x64x32xf32, #tpu.memory_space<vmem>> -> memref<1x64x32xf32, #tpu.memory_space<vmem>>
      %dma_wait3A_302 = tpu.memref_squeeze %dma_wait3A_301 : memref<1x64x32xf32, #tpu.memory_space<vmem>> -> memref<64x32xf32, #tpu.memory_space<vmem>>
      %dma_wait3A_303 = arith.constant 0 : i32
      %dma_wait3A_304 = tpu.memref_slice %arg8[%add3A_298, %dma_wait3A_303] : memref<160x64xi32, #tpu.memory_space<vmem>> -> memref<1x64xi32, #tpu.memory_space<vmem>>
      %dma_wait3A_305 = tpu.memref_squeeze %dma_wait3A_304 : memref<1x64xi32, #tpu.memory_space<vmem>> -> memref<64xi32, #tpu.memory_space<vmem>>
      %dma_wait3A_306 = arith.constant 0 : i32
      %dma_wait3A_307 = arith.constant 0 : i32
      %dma_wait3A_308 = tpu.memref_slice %arg2[%dma_wait3A_306, %dma_wait3A_307] : memref<10000x32xf32, #tpu.memory_space<hbm>> -> memref<10000x32xf32, #tpu.memory_space<hbm>>
      tpu.wait_indirect_dma semaphore(%arg19 : memref<!tpu.dma_semaphore, #tpu.memory_space<semaphore_mem>>) src(%dma_wait3A_308 : memref<10000x32xf32, #tpu.memory_space<hbm>>) dst(%dma_wait3A_302 : memref<64x32xf32, #tpu.memory_space<vmem>>)
      %ge3A_309 = arith.constant 1 : i32
      %ge3A_310 = arith.cmpi sge, %scan3A_153, %ge3A_309 : i32
      %convert_element_type3A_311 = arith.extui %ge3A_310 : i1 to i32
      %cond3A_312 = arith.constant 0 : i32
      %cond3A_313 = arith.cmpi ne, %convert_element_type3A_311, %cond3A_312 : i32
      scf.if %cond3A_313 {
        %sub3A = arith.constant 1 : i32
        %sub3A_331 = arith.subi %sub3A, %rem3A_154 : i32
        %sub3A_332 = arith.constant 5 : i32
        %sub3A_333 = arith.subi %add3A_298, %sub3A_332 : i32
        %dma_wait3A_334 = arith.constant 0 : i32
        %dma_wait3A_335 = arith.constant 0 : i32
        %dma_wait3A_336 = tpu.memref_slice %arg14[%sub3A_331, %dma_wait3A_334, %dma_wait3A_335] : memref<2x64x32xf32, #tpu.memory_space<vmem>> -> memref<1x64x32xf32, #tpu.memory_space<vmem>>
        %dma_wait3A_337 = tpu.memref_squeeze %dma_wait3A_336 : memref<1x64x32xf32, #tpu.memory_space<vmem>> -> memref<64x32xf32, #tpu.memory_space<vmem>>
        %dma_wait3A_338 = arith.constant 0 : i32
        %dma_wait3A_339 = tpu.memref_slice %arg9[%sub3A_333, %dma_wait3A_338] : memref<160x64xi32, #tpu.memory_space<vmem>> -> memref<1x64xi32, #tpu.memory_space<vmem>>
        %dma_wait3A_340 = tpu.memref_squeeze %dma_wait3A_339 : memref<1x64xi32, #tpu.memory_space<vmem>> -> memref<64xi32, #tpu.memory_space<vmem>>
        %dma_wait3A_341 = arith.constant 0 : i32
        %dma_wait3A_342 = arith.constant 0 : i32
        %dma_wait3A_343 = tpu.memref_slice %arg7[%dma_wait3A_341, %dma_wait3A_342] : memref<10112x32xf32, #tpu.memory_space<vmem_shared>> -> memref<10112x32xf32, #tpu.memory_space<vmem_shared>>
        tpu.wait_indirect_dma semaphore(%arg24 : memref<!tpu.dma_semaphore, #tpu.memory_space<semaphore_mem>>) src(%dma_wait3A_337 : memref<64x32xf32, #tpu.memory_space<vmem>>) dst(%dma_wait3A_343 : memref<10112x32xf32, #tpu.memory_space<vmem_shared>>)
      } else {
      }
      %add3A_314 = arith.constant 5 : i32
      %add3A_315 = arith.addi %add3A_298, %add3A_314 : i32
      %lt3A_316 = arith.constant 160 : i32
      %lt3A_317 = arith.cmpi slt, %add3A_315, %lt3A_316 : i32
      %convert_element_type3A_318 = arith.extui %lt3A_317 : i1 to i32
      %cond3A_319 = arith.constant 0 : i32
      %cond3A_320 = arith.cmpi ne, %convert_element_type3A_318, %cond3A_319 : i32
      scf.if %cond3A_320 {
        %add3A_331 = arith.constant 5 : i32
        %add3A_332 = arith.addi %add3A_298, %add3A_331 : i32
        %sub3A = arith.constant 1 : i32
        %sub3A_333 = arith.subi %sub3A, %rem3A_154 : i32
        %dma_start3A_334 = arith.constant 0 : i32
        %dma_start3A_335 = arith.constant 0 : i32
        %dma_start3A_336 = tpu.memref_slice %arg14[%sub3A_333, %dma_start3A_334, %dma_start3A_335] : memref<2x64x32xf32, #tpu.memory_space<vmem>> -> memref<1x64x32xf32, #tpu.memory_space<vmem>>
        %dma_start3A_337 = tpu.memref_squeeze %dma_start3A_336 : memref<1x64x32xf32, #tpu.memory_space<vmem>> -> memref<64x32xf32, #tpu.memory_space<vmem>>
        %dma_start3A_338 = arith.constant 0 : i32
        %dma_start3A_339 = tpu.memref_slice %arg8[%add3A_332, %dma_start3A_338] : memref<160x64xi32, #tpu.memory_space<vmem>> -> memref<1x64xi32, #tpu.memory_space<vmem>>
        %dma_start3A_340 = tpu.memref_squeeze %dma_start3A_339 : memref<1x64xi32, #tpu.memory_space<vmem>> -> memref<64xi32, #tpu.memory_space<vmem>>
        %dma_start3A_341 = arith.constant 0 : i32
        %dma_start3A_342 = arith.constant 0 : i32
        %dma_start3A_343 = tpu.memref_slice %arg2[%dma_start3A_341, %dma_start3A_342] : memref<10000x32xf32, #tpu.memory_space<hbm>> -> memref<10000x32xf32, #tpu.memory_space<hbm>>
        tpu.enqueue_indirect_dma source(%dma_start3A_343 : memref<10000x32xf32, #tpu.memory_space<hbm>>) target(%dma_start3A_337 : memref<64x32xf32, #tpu.memory_space<vmem>>) offsets(%dma_start3A_340 : memref<64xi32, #tpu.memory_space<vmem>>) semaphore(%arg19 : memref<!tpu.dma_semaphore, #tpu.memory_space<semaphore_mem>>)
      } else {
      }
      %dma_start3A_321 = arith.constant 0 : i32
      %dma_start3A_322 = arith.constant 0 : i32
      %dma_start3A_323 = tpu.memref_slice %arg14[%rem3A_154, %dma_start3A_321, %dma_start3A_322] : memref<2x64x32xf32, #tpu.memory_space<vmem>> -> memref<1x64x32xf32, #tpu.memory_space<vmem>>
      %dma_start3A_324 = tpu.memref_squeeze %dma_start3A_323 : memref<1x64x32xf32, #tpu.memory_space<vmem>> -> memref<64x32xf32, #tpu.memory_space<vmem>>
      %dma_start3A_325 = arith.constant 0 : i32
      %dma_start3A_326 = tpu.memref_slice %arg9[%add3A_298, %dma_start3A_325] : memref<160x64xi32, #tpu.memory_space<vmem>> -> memref<1x64xi32, #tpu.memory_space<vmem>>
      %dma_start3A_327 = tpu.memref_squeeze %dma_start3A_326 : memref<1x64xi32, #tpu.memory_space<vmem>> -> memref<64xi32, #tpu.memory_space<vmem>>
      %dma_start3A_328 = arith.constant 0 : i32
      %dma_start3A_329 = arith.constant 0 : i32
      %dma_start3A_330 = tpu.memref_slice %arg7[%dma_start3A_328, %dma_start3A_329] : memref<10112x32xf32, #tpu.memory_space<vmem_shared>> -> memref<10112x32xf32, #tpu.memory_space<vmem_shared>>
      tpu.enqueue_indirect_dma source(%dma_start3A_324 : memref<64x32xf32, #tpu.memory_space<vmem>>) target(%dma_start3A_330 : memref<10112x32xf32, #tpu.memory_space<vmem_shared>>) offsets(%dma_start3A_327 : memref<64xi32, #tpu.memory_space<vmem>>) semaphore(%arg24 : memref<!tpu.dma_semaphore, #tpu.memory_space<semaphore_mem>>) {add = true}
    }
    %scan3A_91 = arith.constant 32 : i32
    %dma_wait3A_92 = arith.constant 1 : i32
    %dma_wait3A_93 = arith.constant 155 : i32
    %dma_wait3A_94 = arith.constant 0 : i32
    %dma_wait3A_95 = arith.constant 0 : i32
    %dma_wait3A_96 = tpu.memref_slice %arg10[%dma_wait3A_92, %dma_wait3A_94, %dma_wait3A_95] : memref<2x64x32xf32, #tpu.memory_space<vmem>> -> memref<1x64x32xf32, #tpu.memory_space<vmem>>
    %dma_wait3A_97 = tpu.memref_squeeze %dma_wait3A_96 : memref<1x64x32xf32, #tpu.memory_space<vmem>> -> memref<64x32xf32, #tpu.memory_space<vmem>>
    %dma_wait3A_98 = arith.constant 0 : i32
    %dma_wait3A_99 = tpu.memref_slice %arg9[%dma_wait3A_93, %dma_wait3A_98] : memref<160x64xi32, #tpu.memory_space<vmem>> -> memref<1x64xi32, #tpu.memory_space<vmem>>
    %dma_wait3A_100 = tpu.memref_squeeze %dma_wait3A_99 : memref<1x64xi32, #tpu.memory_space<vmem>> -> memref<64xi32, #tpu.memory_space<vmem>>
    %dma_wait3A_101 = arith.constant 0 : i32
    %dma_wait3A_102 = arith.constant 0 : i32
    %dma_wait3A_103 = tpu.memref_slice %arg7[%dma_wait3A_101, %dma_wait3A_102] : memref<10112x32xf32, #tpu.memory_space<vmem_shared>> -> memref<10112x32xf32, #tpu.memory_space<vmem_shared>>
    tpu.wait_indirect_dma semaphore(%arg20 : memref<!tpu.dma_semaphore, #tpu.memory_space<semaphore_mem>>) src(%dma_wait3A_97 : memref<64x32xf32, #tpu.memory_space<vmem>>) dst(%dma_wait3A_103 : memref<10112x32xf32, #tpu.memory_space<vmem_shared>>)
    %dma_wait3A_104 = arith.constant 1 : i32
    %dma_wait3A_105 = arith.constant 156 : i32
    %dma_wait3A_106 = arith.constant 0 : i32
    %dma_wait3A_107 = arith.constant 0 : i32
    %dma_wait3A_108 = tpu.memref_slice %arg11[%dma_wait3A_104, %dma_wait3A_106, %dma_wait3A_107] : memref<2x64x32xf32, #tpu.memory_space<vmem>> -> memref<1x64x32xf32, #tpu.memory_space<vmem>>
    %dma_wait3A_109 = tpu.memref_squeeze %dma_wait3A_108 : memref<1x64x32xf32, #tpu.memory_space<vmem>> -> memref<64x32xf32, #tpu.memory_space<vmem>>
    %dma_wait3A_110 = arith.constant 0 : i32
    %dma_wait3A_111 = tpu.memref_slice %arg9[%dma_wait3A_105, %dma_wait3A_110] : memref<160x64xi32, #tpu.memory_space<vmem>> -> memref<1x64xi32, #tpu.memory_space<vmem>>
    %dma_wait3A_112 = tpu.memref_squeeze %dma_wait3A_111 : memref<1x64xi32, #tpu.memory_space<vmem>> -> memref<64xi32, #tpu.memory_space<vmem>>
    %dma_wait3A_113 = arith.constant 0 : i32
    %dma_wait3A_114 = arith.constant 0 : i32
    %dma_wait3A_115 = tpu.memref_slice %arg7[%dma_wait3A_113, %dma_wait3A_114] : memref<10112x32xf32, #tpu.memory_space<vmem_shared>> -> memref<10112x32xf32, #tpu.memory_space<vmem_shared>>
    tpu.wait_indirect_dma semaphore(%arg21 : memref<!tpu.dma_semaphore, #tpu.memory_space<semaphore_mem>>) src(%dma_wait3A_109 : memref<64x32xf32, #tpu.memory_space<vmem>>) dst(%dma_wait3A_115 : memref<10112x32xf32, #tpu.memory_space<vmem_shared>>)
    %dma_wait3A_116 = arith.constant 1 : i32
    %dma_wait3A_117 = arith.constant 157 : i32
    %dma_wait3A_118 = arith.constant 0 : i32
    %dma_wait3A_119 = arith.constant 0 : i32
    %dma_wait3A_120 = tpu.memref_slice %arg12[%dma_wait3A_116, %dma_wait3A_118, %dma_wait3A_119] : memref<2x64x32xf32, #tpu.memory_space<vmem>> -> memref<1x64x32xf32, #tpu.memory_space<vmem>>
    %dma_wait3A_121 = tpu.memref_squeeze %dma_wait3A_120 : memref<1x64x32xf32, #tpu.memory_space<vmem>> -> memref<64x32xf32, #tpu.memory_space<vmem>>
    %dma_wait3A_122 = arith.constant 0 : i32
    %dma_wait3A_123 = tpu.memref_slice %arg9[%dma_wait3A_117, %dma_wait3A_122] : memref<160x64xi32, #tpu.memory_space<vmem>> -> memref<1x64xi32, #tpu.memory_space<vmem>>
    %dma_wait3A_124 = tpu.memref_squeeze %dma_wait3A_123 : memref<1x64xi32, #tpu.memory_space<vmem>> -> memref<64xi32, #tpu.memory_space<vmem>>
    %dma_wait3A_125 = arith.constant 0 : i32
    %dma_wait3A_126 = arith.constant 0 : i32
    %dma_wait3A_127 = tpu.memref_slice %arg7[%dma_wait3A_125, %dma_wait3A_126] : memref<10112x32xf32, #tpu.memory_space<vmem_shared>> -> memref<10112x32xf32, #tpu.memory_space<vmem_shared>>
    tpu.wait_indirect_dma semaphore(%arg22 : memref<!tpu.dma_semaphore, #tpu.memory_space<semaphore_mem>>) src(%dma_wait3A_121 : memref<64x32xf32, #tpu.memory_space<vmem>>) dst(%dma_wait3A_127 : memref<10112x32xf32, #tpu.memory_space<vmem_shared>>)
    %dma_wait3A_128 = arith.constant 1 : i32
    %dma_wait3A_129 = arith.constant 158 : i32
    %dma_wait3A_130 = arith.constant 0 : i32
    %dma_wait3A_131 = arith.constant 0 : i32
    %dma_wait3A_132 = tpu.memref_slice %arg13[%dma_wait3A_128, %dma_wait3A_130, %dma_wait3A_131] : memref<2x64x32xf32, #tpu.memory_space<vmem>> -> memref<1x64x32xf32, #tpu.memory_space<vmem>>
    %dma_wait3A_133 = tpu.memref_squeeze %dma_wait3A_132 : memref<1x64x32xf32, #tpu.memory_space<vmem>> -> memref<64x32xf32, #tpu.memory_space<vmem>>
    %dma_wait3A_134 = arith.constant 0 : i32
    %dma_wait3A_135 = tpu.memref_slice %arg9[%dma_wait3A_129, %dma_wait3A_134] : memref<160x64xi32, #tpu.memory_space<vmem>> -> memref<1x64xi32, #tpu.memory_space<vmem>>
    %dma_wait3A_136 = tpu.memref_squeeze %dma_wait3A_135 : memref<1x64xi32, #tpu.memory_space<vmem>> -> memref<64xi32, #tpu.memory_space<vmem>>
    %dma_wait3A_137 = arith.constant 0 : i32
    %dma_wait3A_138 = arith.constant 0 : i32
    %dma_wait3A_139 = tpu.memref_slice %arg7[%dma_wait3A_137, %dma_wait3A_138] : memref<10112x32xf32, #tpu.memory_space<vmem_shared>> -> memref<10112x32xf32, #tpu.memory_space<vmem_shared>>
    tpu.wait_indirect_dma semaphore(%arg23 : memref<!tpu.dma_semaphore, #tpu.memory_space<semaphore_mem>>) src(%dma_wait3A_133 : memref<64x32xf32, #tpu.memory_space<vmem>>) dst(%dma_wait3A_139 : memref<10112x32xf32, #tpu.memory_space<vmem_shared>>)
    %dma_wait3A_140 = arith.constant 1 : i32
    %dma_wait3A_141 = arith.constant 159 : i32
    %dma_wait3A_142 = arith.constant 0 : i32
    %dma_wait3A_143 = arith.constant 0 : i32
    %dma_wait3A_144 = tpu.memref_slice %arg14[%dma_wait3A_140, %dma_wait3A_142, %dma_wait3A_143] : memref<2x64x32xf32, #tpu.memory_space<vmem>> -> memref<1x64x32xf32, #tpu.memory_space<vmem>>
    %dma_wait3A_145 = tpu.memref_squeeze %dma_wait3A_144 : memref<1x64x32xf32, #tpu.memory_space<vmem>> -> memref<64x32xf32, #tpu.memory_space<vmem>>
    %dma_wait3A_146 = arith.constant 0 : i32
    %dma_wait3A_147 = tpu.memref_slice %arg9[%dma_wait3A_141, %dma_wait3A_146] : memref<160x64xi32, #tpu.memory_space<vmem>> -> memref<1x64xi32, #tpu.memory_space<vmem>>
    %dma_wait3A_148 = tpu.memref_squeeze %dma_wait3A_147 : memref<1x64xi32, #tpu.memory_space<vmem>> -> memref<64xi32, #tpu.memory_space<vmem>>
    %dma_wait3A_149 = arith.constant 0 : i32
    %dma_wait3A_150 = arith.constant 0 : i32
    %dma_wait3A_151 = tpu.memref_slice %arg7[%dma_wait3A_149, %dma_wait3A_150] : memref<10112x32xf32, #tpu.memory_space<vmem_shared>> -> memref<10112x32xf32, #tpu.memory_space<vmem_shared>>
    tpu.wait_indirect_dma semaphore(%arg24 : memref<!tpu.dma_semaphore, #tpu.memory_space<semaphore_mem>>) src(%dma_wait3A_145 : memref<64x32xf32, #tpu.memory_space<vmem>>) dst(%dma_wait3A_151 : memref<10112x32xf32, #tpu.memory_space<vmem_shared>>)
    %barrier3A_152 = arith.constant 0 : index
    tpu.barrier barrier_id(%barrier3A_152)
    "tpu.region"() ({
      %run_scoped3A = tpu.sem_alloc : memref<!tpu.dma_semaphore, #tpu.memory_space<semaphore_mem>>
      %dma_start3A_153 = arith.constant 0 : i32
      %dma_start3A_154 = tpu.memref_slice %arg6[%arg0, %mul3A_2, %dma_start3A_153] : memref<2x10112x32xf32, #tpu.memory_space<hbm>> -> memref<1x632x32xf32, #tpu.memory_space<hbm>>
      %dma_start3A_155 = tpu.memref_squeeze %dma_start3A_154 : memref<1x632x32xf32, #tpu.memory_space<hbm>> -> memref<632x32xf32, #tpu.memory_space<hbm>>
      %dma_start3A_156 = arith.constant 0 : i32
      %dma_start3A_157 = tpu.memref_slice %arg7[%mul3A_2, %dma_start3A_156] : memref<10112x32xf32, #tpu.memory_space<vmem_shared>> -> memref<632x32xf32, #tpu.memory_space<vmem_shared>>
      tpu.enqueue_dma source(%dma_start3A_157 : memref<632x32xf32, #tpu.memory_space<vmem_shared>>) target(%dma_start3A_155 : memref<632x32xf32, #tpu.memory_space<hbm>>) target_semaphore(%run_scoped3A : memref<!tpu.dma_semaphore, #tpu.memory_space<semaphore_mem>>)
      %dma_wait3A_158 = arith.constant 0 : i32
      %dma_wait3A_159 = tpu.memref_slice %arg6[%arg0, %mul3A_2, %dma_wait3A_158] : memref<2x10112x32xf32, #tpu.memory_space<hbm>> -> memref<1x632x32xf32, #tpu.memory_space<hbm>>
      %dma_wait3A_160 = tpu.memref_squeeze %dma_wait3A_159 : memref<1x632x32xf32, #tpu.memory_space<hbm>> -> memref<632x32xf32, #tpu.memory_space<hbm>>
      %dma_wait3A_161 = arith.constant 0 : i32
      %dma_wait3A_162 = tpu.memref_slice %arg7[%mul3A_2, %dma_wait3A_161] : memref<10112x32xf32, #tpu.memory_space<vmem_shared>> -> memref<632x32xf32, #tpu.memory_space<vmem_shared>>
      tpu.wait_dma2 semaphore(%run_scoped3A : memref<!tpu.dma_semaphore, #tpu.memory_space<semaphore_mem>>) src(%dma_wait3A_162 : memref<632x32xf32, #tpu.memory_space<vmem_shared>>) dst(%dma_wait3A_160 : memref<632x32xf32, #tpu.memory_space<hbm>>)
      tpu.yield
    }) : () -> ()
    return
  }
}

module attributes {stable_mosaic.version = 14 : i64} {
  func.func @_lin1_body(%arg0: i32, %arg1: memref<2000x128xf32, #tpu.memory_space<vmem>>, %arg2: memref<128x64xf32, #tpu.memory_space<vmem>>, %arg3: memref<128x64xf32, #tpu.memory_space<vmem>>, %arg4: memref<1x64xf32, #tpu.memory_space<vmem>>, %arg5: memref<2000x64xf32, #tpu.memory_space<vmem>>, %arg6: memref<2000x64xf32, #tpu.memory_space<vmem>>) attributes {dimension_semantics = [#tpu.dimension_semantics<arbitrary>], iteration_bounds = array<i64: 5>, scalar_prefetch = 0 : i64, scratch_operands = 0 : i64, tpu.core_type = #tpu.core_type<tc>, window_params = [{transform_indices = @transform_0, window_bounds = array<i64: 2000, 128>}, {pipeline_mode = #tpu.pipeline_mode<synchronous>, transform_indices = @transform_1, window_bounds = array<i64: 128, 64>}, {pipeline_mode = #tpu.pipeline_mode<synchronous>, transform_indices = @transform_2, window_bounds = array<i64: 128, 64>}, {pipeline_mode = #tpu.pipeline_mode<synchronous>, transform_indices = @transform_3, window_bounds = array<i64: 1, 64>}, {transform_indices = @transform_4, window_bounds = array<i64: 2000, 64>}, {transform_indices = @transform_5, window_bounds = array<i64: 2000, 64>}]} {
    %get3A = arith.constant 0 : index
    %get3A_0 = arith.constant 0 : index
    %get3A_1 = vector.load %arg1[%get3A, %get3A_0] : memref<2000x128xf32, #tpu.memory_space<vmem>>, vector<2000x128xf32>
    %get3A_2 = arith.constant 0 : index
    %get3A_3 = arith.constant 0 : index
    %get3A_4 = vector.load %arg2[%get3A_2, %get3A_3] : memref<128x64xf32, #tpu.memory_space<vmem>>, vector<128x64xf32>
    %dot_general3A = arith.constant dense<0.000000e+00> : vector<2000x64xf32>
    %dot_general3A_5 = tpu.matmul %get3A_1, %get3A_4, %dot_general3A {dimension_numbers = #tpu.dot_dimension_numbers<[1], [0], [0], [1], [0, 0, 1, 1], [], []>, transpose_lhs_hint = false} : vector<2000x128xf32>, vector<128x64xf32>, vector<2000x64xf32> -> vector<2000x64xf32>
    %swap3A = arith.constant 0 : index
    %swap3A_6 = arith.constant 0 : index
    %swap3A_7 = vector.load %arg5[%swap3A, %swap3A_6] : memref<2000x64xf32, #tpu.memory_space<vmem>>, vector<2000x64xf32>
    tpu.vector_store %arg5[%swap3A, %swap3A_6], %dot_general3A_5 {strides = array<i32>} : memref<2000x64xf32, #tpu.memory_space<vmem>>, vector<2000x64xf32>,
    %get3A_8 = arith.constant 0 : index
    %get3A_9 = arith.constant 0 : index
    %get3A_10 = vector.load %arg3[%get3A_8, %get3A_9] : memref<128x64xf32, #tpu.memory_space<vmem>>, vector<128x64xf32>
    %dot_general3A_11 = arith.constant dense<0.000000e+00> : vector<2000x64xf32>
    %dot_general3A_12 = tpu.matmul %get3A_1, %get3A_10, %dot_general3A_11 {dimension_numbers = #tpu.dot_dimension_numbers<[1], [0], [0], [1], [0, 0, 1, 1], [], []>, transpose_lhs_hint = false} : vector<2000x128xf32>, vector<128x64xf32>, vector<2000x64xf32> -> vector<2000x64xf32>
    %get3A_13 = arith.constant 0 : index
    %get3A_14 = arith.constant 0 : index
    %get3A_15 = vector.load %arg4[%get3A_13, %get3A_14] : memref<1x64xf32, #tpu.memory_space<vmem>>, vector<1x64xf32>
    %add3A = vector.broadcast %get3A_15 : vector<1x64xf32> to vector<2000x64xf32>
    %add3A_16 = arith.addf %dot_general3A_12, %add3A : vector<2000x64xf32>
    %swap3A_17 = arith.constant 0 : index
    %swap3A_18 = arith.constant 0 : index
    %swap3A_19 = vector.load %arg6[%swap3A_17, %swap3A_18] : memref<2000x64xf32, #tpu.memory_space<vmem>>, vector<2000x64xf32>
    tpu.vector_store %arg6[%swap3A_17, %swap3A_18], %add3A_16 {strides = array<i32>} : memref<2000x64xf32, #tpu.memory_space<vmem>>, vector<2000x64xf32>,
    return
  }
  func.func @transform_0(%arg0: i32) -> (i32, i32) {
    %c0_i32 = arith.constant 0 : i32
    %c0_i32_0 = arith.constant 0 : i32
    return %arg0, %c0_i32 : i32, i32
  }
  func.func @transform_1(%arg0: i32) -> (i32, i32) {
    %c0_i32 = arith.constant 0 : i32
    %c0_i32_0 = arith.constant 0 : i32
    %c0_i32_1 = arith.constant 0 : i32
    return %c0_i32, %c0_i32_0 : i32, i32
  }
  func.func @transform_2(%arg0: i32) -> (i32, i32) {
    %c0_i32 = arith.constant 0 : i32
    %c0_i32_0 = arith.constant 0 : i32
    %c0_i32_1 = arith.constant 0 : i32
    return %c0_i32, %c0_i32_0 : i32, i32
  }
  func.func @transform_3(%arg0: i32) -> (i32, i32) {
    %c0_i32 = arith.constant 0 : i32
    %c0_i32_0 = arith.constant 0 : i32
    %c0_i32_1 = arith.constant 0 : i32
    return %c0_i32, %c0_i32_0 : i32, i32
  }
  func.func @transform_4(%arg0: i32) -> (i32, i32) {
    %c0_i32 = arith.constant 0 : i32
    %c0_i32_0 = arith.constant 0 : i32
    return %arg0, %c0_i32 : i32, i32
  }
  func.func @transform_5(%arg0: i32) -> (i32, i32) {
    %c0_i32 = arith.constant 0 : i32
    %c0_i32_0 = arith.constant 0 : i32
    return %arg0, %c0_i32 : i32, i32
  }
}

module attributes {stable_mosaic.version = 14 : i64} {
  func.func @_mid_body(%arg0: i32, %arg1: memref<2000x64xf32, #tpu.memory_space<vmem>>, %arg2: memref<2000x64xf32, #tpu.memory_space<vmem>>, %arg3: memref<2000x16xf32, #tpu.memory_space<vmem>>, %arg4: memref<2000x16xf32, #tpu.memory_space<vmem>>, %arg5: memref<2000x64xf32, #tpu.memory_space<vmem>>, %arg6: memref<64x32xf32, #tpu.memory_space<vmem>>, %arg7: memref<64x32xf32, #tpu.memory_space<vmem>>, %arg8: memref<1x32xf32, #tpu.memory_space<vmem>>, %arg9: memref<2000x32xf32, #tpu.memory_space<vmem>>, %arg10: memref<2000x32xf32, #tpu.memory_space<vmem>>) attributes {dimension_semantics = [#tpu.dimension_semantics<arbitrary>], iteration_bounds = array<i64: 5>, scalar_prefetch = 0 : i64, scratch_operands = 0 : i64, tpu.core_type = #tpu.core_type<tc>, window_params = [{transform_indices = @transform_0, window_bounds = array<i64: 2000, 64>}, {transform_indices = @transform_1, window_bounds = array<i64: 2000, 64>}, {transform_indices = @transform_2, window_bounds = array<i64: 2000, 16>}, {transform_indices = @transform_3, window_bounds = array<i64: 2000, 16>}, {transform_indices = @transform_4, window_bounds = array<i64: 2000, 64>}, {pipeline_mode = #tpu.pipeline_mode<synchronous>, transform_indices = @transform_5, window_bounds = array<i64: 64, 32>}, {pipeline_mode = #tpu.pipeline_mode<synchronous>, transform_indices = @transform_6, window_bounds = array<i64: 64, 32>}, {pipeline_mode = #tpu.pipeline_mode<synchronous>, transform_indices = @transform_7, window_bounds = array<i64: 1, 32>}, {transform_indices = @transform_8, window_bounds = array<i64: 2000, 32>}, {transform_indices = @transform_9, window_bounds = array<i64: 2000, 32>}]} {
    %get3A = arith.constant 0 : index
    %get3A_0 = arith.constant 0 : index
    %get3A_1 = vector.load %arg3[%get3A, %get3A_0] : memref<2000x16xf32, #tpu.memory_space<vmem>>, vector<2000x1xf32>
    %get3A_2 = arith.constant 0 : index
    %get3A_3 = arith.constant 0 : index
    %get3A_4 = vector.load %arg4[%get3A_2, %get3A_3] : memref<2000x16xf32, #tpu.memory_space<vmem>>, vector<2000x1xf32>
    %add3A = arith.addf %get3A_1, %get3A_4 : vector<2000x1xf32>
    %max3A = arith.constant 1.000000e+00 : f32
    %max3A_5 = vector.broadcast %max3A : f32 to vector<2000x1xf32>
    %max3A_6 = arith.maximumf %add3A, %max3A_5 : vector<2000x1xf32>
    %div3A = arith.constant 1.000000e+00 : f32
    %div3A_7 = vector.broadcast %div3A : f32 to vector<2000x1xf32>
    %div3A_8 = arith.divf %div3A_7, %max3A_6 : vector<2000x1xf32>
    %get3A_9 = arith.constant 0 : index
    %get3A_10 = arith.constant 0 : index
    %get3A_11 = vector.load %arg1[%get3A_9, %get3A_10] : memref<2000x64xf32, #tpu.memory_space<vmem>>, vector<2000x64xf32>
    %get3A_12 = arith.constant 0 : index
    %get3A_13 = arith.constant 0 : index
    %get3A_14 = vector.load %arg2[%get3A_12, %get3A_13] : memref<2000x64xf32, #tpu.memory_space<vmem>>, vector<2000x64xf32>
    %add3A_15 = arith.addf %get3A_11, %get3A_14 : vector<2000x64xf32>
    %mul3A = vector.broadcast %div3A_8 : vector<2000x1xf32> to vector<2000x64xf32>
    %mul3A_16 = arith.mulf %add3A_15, %mul3A : vector<2000x64xf32>
    %get3A_17 = arith.constant 0 : index
    %get3A_18 = arith.constant 0 : index
    %get3A_19 = vector.load %arg5[%get3A_17, %get3A_18] : memref<2000x64xf32, #tpu.memory_space<vmem>>, vector<2000x64xf32>
    %add3A_20 = arith.addf %mul3A_16, %get3A_19 : vector<2000x64xf32>
    %ge3A = arith.constant 0.000000e+00 : f32
    %ge3A_21 = vector.broadcast %ge3A : f32 to vector<2000x64xf32>
    %ge3A_22 = arith.cmpf oge, %add3A_20, %ge3A_21 : vector<2000x64xf32>
    %mul3A_23 = arith.constant 1.000000e-01 : f32
    %mul3A_24 = vector.broadcast %mul3A_23 : f32 to vector<2000x64xf32>
    %mul3A_25 = arith.mulf %mul3A_24, %add3A_20 : vector<2000x64xf32>
    %select_n3A = arith.select %ge3A_22, %add3A_20, %mul3A_25 : vector<2000x64xi1>, vector<2000x64xf32>
    %get3A_26 = arith.constant 0 : index
    %get3A_27 = arith.constant 0 : index
    %get3A_28 = vector.load %arg6[%get3A_26, %get3A_27] : memref<64x32xf32, #tpu.memory_space<vmem>>, vector<64x32xf32>
    %dot_general3A = arith.constant dense<0.000000e+00> : vector<2000x32xf32>
    %dot_general3A_29 = tpu.matmul %select_n3A, %get3A_28, %dot_general3A {dimension_numbers = #tpu.dot_dimension_numbers<[1], [0], [0], [1], [0, 0, 1, 1], [], []>, transpose_lhs_hint = false} : vector<2000x64xf32>, vector<64x32xf32>, vector<2000x32xf32> -> vector<2000x32xf32>
    %swap3A = arith.constant 0 : index
    %swap3A_30 = arith.constant 0 : index
    %swap3A_31 = vector.load %arg9[%swap3A, %swap3A_30] : memref<2000x32xf32, #tpu.memory_space<vmem>>, vector<2000x32xf32>
    tpu.vector_store %arg9[%swap3A, %swap3A_30], %dot_general3A_29 {strides = array<i32>} : memref<2000x32xf32, #tpu.memory_space<vmem>>, vector<2000x32xf32>,
    %get3A_32 = arith.constant 0 : index
    %get3A_33 = arith.constant 0 : index
    %get3A_34 = vector.load %arg7[%get3A_32, %get3A_33] : memref<64x32xf32, #tpu.memory_space<vmem>>, vector<64x32xf32>
    %dot_general3A_35 = arith.constant dense<0.000000e+00> : vector<2000x32xf32>
    %dot_general3A_36 = tpu.matmul %select_n3A, %get3A_34, %dot_general3A_35 {dimension_numbers = #tpu.dot_dimension_numbers<[1], [0], [0], [1], [0, 0, 1, 1], [], []>, transpose_lhs_hint = false} : vector<2000x64xf32>, vector<64x32xf32>, vector<2000x32xf32> -> vector<2000x32xf32>
    %get3A_37 = arith.constant 0 : index
    %get3A_38 = arith.constant 0 : index
    %get3A_39 = vector.load %arg8[%get3A_37, %get3A_38] : memref<1x32xf32, #tpu.memory_space<vmem>>, vector<1x32xf32>
    %add3A_40 = vector.broadcast %get3A_39 : vector<1x32xf32> to vector<2000x32xf32>
    %add3A_41 = arith.addf %dot_general3A_36, %add3A_40 : vector<2000x32xf32>
    %swap3A_42 = arith.constant 0 : index
    %swap3A_43 = arith.constant 0 : index
    %swap3A_44 = vector.load %arg10[%swap3A_42, %swap3A_43] : memref<2000x32xf32, #tpu.memory_space<vmem>>, vector<2000x32xf32>
    tpu.vector_store %arg10[%swap3A_42, %swap3A_43], %add3A_41 {strides = array<i32>} : memref<2000x32xf32, #tpu.memory_space<vmem>>, vector<2000x32xf32>,
    return
  }
  func.func @transform_0(%arg0: i32) -> (i32, i32) {
    %c0_i32 = arith.constant 0 : i32
    %c0_i32_0 = arith.constant 0 : i32
    return %arg0, %c0_i32 : i32, i32
  }
  func.func @transform_1(%arg0: i32) -> (i32, i32) {
    %c0_i32 = arith.constant 0 : i32
    %c0_i32_0 = arith.constant 0 : i32
    return %arg0, %c0_i32 : i32, i32
  }
  func.func @transform_2(%arg0: i32) -> (i32, i32) {
    %c0_i32 = arith.constant 0 : i32
    %c0_i32_0 = arith.constant 0 : i32
    return %arg0, %c0_i32 : i32, i32
  }
  func.func @transform_3(%arg0: i32) -> (i32, i32) {
    %c0_i32 = arith.constant 0 : i32
    %c0_i32_0 = arith.constant 0 : i32
    return %arg0, %c0_i32 : i32, i32
  }
  func.func @transform_4(%arg0: i32) -> (i32, i32) {
    %c0_i32 = arith.constant 0 : i32
    %c0_i32_0 = arith.constant 0 : i32
    return %arg0, %c0_i32 : i32, i32
  }
  func.func @transform_5(%arg0: i32) -> (i32, i32) {
    %c0_i32 = arith.constant 0 : i32
    %c0_i32_0 = arith.constant 0 : i32
    %c0_i32_1 = arith.constant 0 : i32
    return %c0_i32, %c0_i32_0 : i32, i32
  }
  func.func @transform_6(%arg0: i32) -> (i32, i32) {
    %c0_i32 = arith.constant 0 : i32
    %c0_i32_0 = arith.constant 0 : i32
    %c0_i32_1 = arith.constant 0 : i32
    return %c0_i32, %c0_i32_0 : i32, i32
  }
  func.func @transform_7(%arg0: i32) -> (i32, i32) {
    %c0_i32 = arith.constant 0 : i32
    %c0_i32_0 = arith.constant 0 : i32
    %c0_i32_1 = arith.constant 0 : i32
    return %c0_i32, %c0_i32_0 : i32, i32
  }
  func.func @transform_8(%arg0: i32) -> (i32, i32) {
    %c0_i32 = arith.constant 0 : i32
    %c0_i32_0 = arith.constant 0 : i32
    return %arg0, %c0_i32 : i32, i32
  }
  func.func @transform_9(%arg0: i32) -> (i32, i32) {
    %c0_i32 = arith.constant 0 : i32
    %c0_i32_0 = arith.constant 0 : i32
    return %arg0, %c0_i32 : i32, i32
  }
}

module attributes {stable_mosaic.version = 14 : i64} {
  func.func @_fin_body(%arg0: i32, %arg1: memref<2000x32xf32, #tpu.memory_space<vmem>>, %arg2: memref<2000x32xf32, #tpu.memory_space<vmem>>, %arg3: memref<2000x16xf32, #tpu.memory_space<vmem>>, %arg4: memref<2000x16xf32, #tpu.memory_space<vmem>>, %arg5: memref<2000x32xf32, #tpu.memory_space<vmem>>, %arg6: memref<2000x32xf32, #tpu.memory_space<vmem>>) attributes {dimension_semantics = [#tpu.dimension_semantics<arbitrary>], iteration_bounds = array<i64: 5>, scalar_prefetch = 0 : i64, scratch_operands = 0 : i64, tpu.core_type = #tpu.core_type<tc>, window_params = [{transform_indices = @transform_0, window_bounds = array<i64: 2000, 32>}, {transform_indices = @transform_1, window_bounds = array<i64: 2000, 32>}, {transform_indices = @transform_2, window_bounds = array<i64: 2000, 16>}, {transform_indices = @transform_3, window_bounds = array<i64: 2000, 16>}, {transform_indices = @transform_4, window_bounds = array<i64: 2000, 32>}, {transform_indices = @transform_5, window_bounds = array<i64: 2000, 32>}]} {
    %get3A = arith.constant 0 : index
    %get3A_0 = arith.constant 0 : index
    %get3A_1 = vector.load %arg3[%get3A, %get3A_0] : memref<2000x16xf32, #tpu.memory_space<vmem>>, vector<2000x1xf32>
    %get3A_2 = arith.constant 0 : index
    %get3A_3 = arith.constant 0 : index
    %get3A_4 = vector.load %arg4[%get3A_2, %get3A_3] : memref<2000x16xf32, #tpu.memory_space<vmem>>, vector<2000x1xf32>
    %add3A = arith.addf %get3A_1, %get3A_4 : vector<2000x1xf32>
    %max3A = arith.constant 1.000000e+00 : f32
    %max3A_5 = vector.broadcast %max3A : f32 to vector<2000x1xf32>
    %max3A_6 = arith.maximumf %add3A, %max3A_5 : vector<2000x1xf32>
    %div3A = arith.constant 1.000000e+00 : f32
    %div3A_7 = vector.broadcast %div3A : f32 to vector<2000x1xf32>
    %div3A_8 = arith.divf %div3A_7, %max3A_6 : vector<2000x1xf32>
    %get3A_9 = arith.constant 0 : index
    %get3A_10 = arith.constant 0 : index
    %get3A_11 = vector.load %arg1[%get3A_9, %get3A_10] : memref<2000x32xf32, #tpu.memory_space<vmem>>, vector<2000x32xf32>
    %get3A_12 = arith.constant 0 : index
    %get3A_13 = arith.constant 0 : index
    %get3A_14 = vector.load %arg2[%get3A_12, %get3A_13] : memref<2000x32xf32, #tpu.memory_space<vmem>>, vector<2000x32xf32>
    %add3A_15 = arith.addf %get3A_11, %get3A_14 : vector<2000x32xf32>
    %mul3A = vector.broadcast %div3A_8 : vector<2000x1xf32> to vector<2000x32xf32>
    %mul3A_16 = arith.mulf %add3A_15, %mul3A : vector<2000x32xf32>
    %get3A_17 = arith.constant 0 : index
    %get3A_18 = arith.constant 0 : index
    %get3A_19 = vector.load %arg5[%get3A_17, %get3A_18] : memref<2000x32xf32, #tpu.memory_space<vmem>>, vector<2000x32xf32>
    %add3A_20 = arith.addf %mul3A_16, %get3A_19 : vector<2000x32xf32>
    %ge3A = arith.constant 0.000000e+00 : f32
    %ge3A_21 = vector.broadcast %ge3A : f32 to vector<2000x32xf32>
    %ge3A_22 = arith.cmpf oge, %add3A_20, %ge3A_21 : vector<2000x32xf32>
    %mul3A_23 = arith.constant 1.000000e-01 : f32
    %mul3A_24 = vector.broadcast %mul3A_23 : f32 to vector<2000x32xf32>
    %mul3A_25 = arith.mulf %mul3A_24, %add3A_20 : vector<2000x32xf32>
    %select_n3A = arith.select %ge3A_22, %add3A_20, %mul3A_25 : vector<2000x32xi1>, vector<2000x32xf32>
    %swap3A = arith.constant 0 : index
    %swap3A_26 = arith.constant 0 : index
    %swap3A_27 = vector.load %arg6[%swap3A, %swap3A_26] : memref<2000x32xf32, #tpu.memory_space<vmem>>, vector<2000x32xf32>
    tpu.vector_store %arg6[%swap3A, %swap3A_26], %select_n3A {strides = array<i32>} : memref<2000x32xf32, #tpu.memory_space<vmem>>, vector<2000x32xf32>,
    return
  }
  func.func @transform_0(%arg0: i32) -> (i32, i32) {
    %c0_i32 = arith.constant 0 : i32
    %c0_i32_0 = arith.constant 0 : i32
    return %arg0, %c0_i32 : i32, i32
  }
  func.func @transform_1(%arg0: i32) -> (i32, i32) {
    %c0_i32 = arith.constant 0 : i32
    %c0_i32_0 = arith.constant 0 : i32
    return %arg0, %c0_i32 : i32, i32
  }
  func.func @transform_2(%arg0: i32) -> (i32, i32) {
    %c0_i32 = arith.constant 0 : i32
    %c0_i32_0 = arith.constant 0 : i32
    return %arg0, %c0_i32 : i32, i32
  }
  func.func @transform_3(%arg0: i32) -> (i32, i32) {
    %c0_i32 = arith.constant 0 : i32
    %c0_i32_0 = arith.constant 0 : i32
    return %arg0, %c0_i32 : i32, i32
  }
  func.func @transform_4(%arg0: i32) -> (i32, i32) {
    %c0_i32 = arith.constant 0 : i32
    %c0_i32_0 = arith.constant 0 : i32
    return %arg0, %c0_i32 : i32, i32
  }
  func.func @transform_5(%arg0: i32) -> (i32, i32) {
    %c0_i32 = arith.constant 0 : i32
    %c0_i32_0 = arith.constant 0 : i32
    return %arg0, %c0_i32 : i32, i32
  }
}

</mosaic_0001>

<sc_bundles>
// kernel: kernel.10.cloned.1.call-start
scs
__scs_entry_jumppad:
0x0: {  	(pc) =	sbr.rel $0x88, $3  }
0x1: {  	(tag) =	ssettag $0x0;
	lr =	simm.s32 $0x1  }
0x2: {  	[smem:$0x3F99] =	sst lr;
	_ =	strace $0xD0000000  }
0x3: {  	_ = 	snop  }
0x4: {  	_ = 	snop  }
0x5: {  	_ = 	snop  }
0x6: {  	_ = 	snop  }
0x7: {  	_ = 	snop  }
__scs_overlays_trampoline_lowered:
0x8: {  	[smem:$0x3FA8] =	sst s0  }
0x9: {  	[smem:$0x3FA9] =	sst s1  }
0xa: {  	[smem:$0x3FAA] =	sst s2  }
0xb: {  	[smem:$0x3FAB] =	sst s3  }
0xc: {  	[smem:$0x3FAC] =	sst s4  }
0xd: {  	[smem:$0x3FAD] =	sst s5  }
0xe: {  	[smem:$0x3FAE] =	sst s6  }
0xf: {  	[smem:$0x3FAF] =	sst s7  }
0x10: {  	[smem:$0x3FB0] =	sst s8  }
0x11: {  	[smem:$0x3FB1] =	sst s9;
	s0 =	simm.s32 @!p0 $0x0  }
0x12: {  	s1 =	sld [smem:$0x3F97];
	s0 =	simm.s32 @p0 $0x1  }
0x13: {  	[smem:$0x3FB2] =	sst s0;
	s0 =	simm.s32 @!p1 $0x0  }
0x14: {  	s2 =	sld [smem:$0x3F96];
	s0 =	simm.s32 @p1 $0x1  }
0x15: {  	[smem:$0x3FB3] =	sst s0;
	s0 =	simm.s32 @!p2 $0x0  }
0x16: {  	s3 =	sld [smem:$0x3FDB];
	s0 =	simm.s32 @p2 $0x1  }
0x17: {  	s4 =	simm.s32 $0x1BF5;
	[smem:$0x3FB5] =	sst s0  }
0x18: {  	s0 =	sld [smem:$0x3F98];
	_ =	swait.ge [sflag:s4], $0x0  }
0x19: {  	s7 =	sld [smem:$0x3F99]  }
0x1a: {  	s8 =	sadd.s32 $0xFFFFE003, lr  }
0x1b: {  	s9 =	sadd.s32 $0xFFFFFEF7, lr;
	s5 =	simm.s32 $0xFFFFFFFF;
	p2 =	slt.u32 s8, $0xFFFFF086  }
0x1c: {  	p1 =	slt.u32 s9, $0xF7A;
	s5 =	simm.s32 @!p2 $0x0  }
0x1d: {  	s5 =	simm.s32 @p1 $0x1;
	p0 =	seq.s32 s7, s2  }
0x1e: {  	s7 =	smul.u32 @!p0 $0xF7A, s2;
	p2 =	seq.s32 @!p0 s5, $0x0  }
0x1f: {  	s9 =	smul.u32 $0xF7A, s1;
	s8 =	simm.s32 @!p0 $0x1BF5;
	p2 =	por !p2, p0  }
0x20: {  	[sflag:s8] =	ssyncset.s32 @!p0 $0xFFFFF086;
	s6 =	sadd.s32 @!p0 s3, s7;
	s7 =	simm.s32 @!p0 $0x108  }
0x21: {  	s3 =	sadd.s32 s3, s9;
	s6 =	sadd.s32 @!p0 $0x88, s6;
	s7 =	simm.s32 @p2 $0x1082  }
0x22: {  	[simem:s7], [sflag:s8] =	dma.local @!p0 [hbm:s6], $0xF7A  }
0x23: {  	s9 =	sor.u32 $0xD0000000, s2;
	s6 =	simm.s32 $0x108;
	_ =	swait.ge @!p0 [sflag:s8], $0x0  }
0x24: {  	s3 =	sadd.s32 $0x88, s3;
	s6 =	simm.s32 @!p1 $0x1082;
	[sflag:s4] =	ssyncset.s32 $0xFFFFF086  }
0x25: {  	[simem:s6], [sflag:s4] =	dma.local [hbm:s3], $0xF7A  }
0x26: {  	[smem:$0x3F99] =	sst s1;
	(tag) =	ssettag s2;
	_ =	strace s9  }
0x27: {  	s1 =	sld [smem:$0x3FA9]  }
0x28: {  	s2 =	sld [smem:$0x3FAA]  }
0x29: {  	s4 =	sld [smem:$0x3FAC]  }
0x2a: {  	p0 =	seq.s32 s5, $0x0;
	s5 =	sld [smem:$0x3FAD]  }
0x2b: {  	s6 =	sld [smem:$0x3FAE]  }
0x2c: {  	s7 =	sld [smem:$0x3FAF]  }
0x2d: {  	s3 =	simm.s32 $0x108;
	s8 =	sld [smem:$0x3FB0]  }
0x2e: {  	s3 =	simm.s32 @!p0 $0x1082;
	s9 =	sld [smem:$0x3FB1]  }
0x2f: {  	lr =	sadd.s32 s0, s3;
	s0 =	sld [smem:$0x3FA8]  }
0x30: {  	s3 =	sld [smem:$0x3FAB]  }
0x31: {  	[smem:$0x3FB4] =	sst s10  }
0x32: {  	s10 =	sld [smem:$0x3FB2];
	_ =	sdelay $0x3  }
0x33: {  	p0 =	seq.s32 s10, $0x1;
	s10 =	sld [smem:$0x3FB4];
	_ =	sdelay $0x3  }
0x34: {  	[smem:$0x3FB4] =	sst s10  }
0x35: {  	s10 =	sld [smem:$0x3FB3];
	_ =	sdelay $0x3  }
0x36: {  	p1 =	seq.s32 s10, $0x1;
	s10 =	sld [smem:$0x3FB4];
	_ =	sdelay $0x3  }
0x37: {  	[smem:$0x3FB4] =	sst s10  }
0x38: {  	s10 =	sld [smem:$0x3FB5]  }
0x39: {  	_ = 	snop;
	(pc) =	sbr.ind lr, $3  }
0x3a: {  	_ = 	snop  }
0x3b: {  	_ = 	snop  }
0x3c: {  	p2 =	seq.s32 s10, $0x1;
	s10 =	sld [smem:$0x3FB4]  }
0x3d: {  	_ =	shalt  }
0x3e: {  	_ =	shalt  }
0x3f: {  	_ =	shalt  }
0x40: {  	_ =	shalt  }
0x41: {  	_ =	shalt  }
0x42: {  	_ =	shalt  }
0x43: {  	_ =	shalt  }
0x44: {  	_ =	shalt  }
0x45: {  	_ =	shalt  }
0x46: {  	_ =	shalt  }
0x47: {  	_ =	shalt  }
0x48: {  	_ =	shalt  }
0x49: {  	_ =	shalt  }
0x4a: {  	_ =	shalt  }
0x4b: {  	_ =	shalt  }
0x4c: {  	_ =	shalt  }
0x4d: {  	_ =	shalt  }
0x4e: {  	_ =	shalt  }
0x4f: {  	_ =	shalt  }
0x50: {  	_ =	shalt  }
0x51: {  	_ =	shalt  }
0x52: {  	_ =	shalt  }
0x53: {  	_ =	shalt  }
0x54: {  	_ =	shalt  }
0x55: {  	_ =	shalt  }
0x56: {  	_ =	shalt  }
0x57: {  	_ =	shalt  }
0x58: {  	_ =	shalt  }
0x59: {  	_ =	shalt  }
0x5a: {  	_ =	shalt  }
0x5b: {  	_ =	shalt  }
0x5c: {  	_ =	shalt  }
0x5d: {  	_ =	shalt  }
0x5e: {  	_ =	shalt  }
0x5f: {  	_ =	shalt  }
0x60: {  	_ =	shalt  }
0x61: {  	_ =	shalt  }
0x62: {  	_ =	shalt  }
0x63: {  	_ =	shalt  }
0x64: {  	_ =	shalt  }
0x65: {  	_ =	shalt  }
0x66: {  	_ =	shalt  }
0x67: {  	_ =	shalt  }
0x68: {  	_ =	shalt  }
0x69: {  	_ =	shalt  }
0x6a: {  	_ =	shalt  }
0x6b: {  	_ =	shalt  }
0x6c: {  	_ =	shalt  }
0x6d: {  	_ =	shalt  }
0x6e: {  	_ =	shalt  }
0x6f: {  	_ =	shalt  }
0x70: {  	_ =	shalt  }
0x71: {  	_ =	shalt  }
0x72: {  	_ =	shalt  }
0x73: {  	_ =	shalt  }
0x74: {  	_ =	shalt  }
0x75: {  	_ =	shalt  }
0x76: {  	_ =	shalt  }
0x77: {  	_ =	shalt  }
0x78: {  	_ =	shalt  }
0x79: {  	_ =	shalt  }
0x7a: {  	_ =	shalt  }
0x7b: {  	_ =	shalt  }
0x7c: {  	_ =	shalt  }
0x7d: {  	_ =	shalt  }
0x7e: {  	_ =	shalt  }
0x7f: {  	_ =	shalt  }
0x80: {  	_ =	shalt  }
0x81: {  	_ =	shalt  }
0x82: {  	_ =	shalt  }
0x83: {  	_ =	shalt  }
0x84: {  	_ =	shalt  }
0x85: {  	_ =	shalt  }
0x86: {  	_ =	shalt  }
0x87: {  	_ =	shalt  }
.Lfunc_end0:
.L_simem_size_0:
called_computation.1_lowered:
.L_overlay_start_0:
0x88: {  	s2 =	sld [smem:$0x3FD9]  }
0x89: {  	s3 =	sld [smem:$0x3FFE];
	_ =	sdelay $0x1  }
0x8a: {  	s1 =	srdreg.scid  }
0x8b: {  	s0 =	sand.u32 $0x1, s1  }
0x8c: {  	s17 =	sshll.u32 s0, $0xA;
	s2 =	sadd.s32 s3, s2  }
0x8d: {  	s2 =	sadd.s32 s2, s17  }
0x8e: {  	[smem:$0x3FC0] =	sst s2  }
0x8f: {  	_ = 	snop  }
0x90: {  	s2 =	sld [smem:$0x3FD0];
	(tm) =	ssettm $0x1  }
0x91: {  	s18 =	sld [smem:$0x3FFB];
	_ =	sdelay $0x3  }
0x92: {  	_ =	strace s18  }
0x93: {  	s3 =	sld [smem:$0x3FFC];
	_ =	sdelay $0x3  }
0x94: {  	_ =	strace s3  }
0x95: {  	s3 =	sld [smem:$0x3FFD];
	_ =	sdelay $0x3  }
0x96: {  	_ =	strace s3  }
0x97: {  	_ =	strace $0x8FFFFFFF  }
0x98: {  	s19 =	sld [smem:$0x3FDB];
	_ =	sdelay $0x1  }
0x99: {  	s4 =	simm.s32 $_scs_section_size  }
0x9a: {  	s5 =	simm.s32 $_size__tile_overlayer_lowered;
	s6 =	simm.s32 $_tile_overlayer_lowered  }
0x9b: {  	s22 =	simm.s32 $0x1BFF;
	s21 =	sshll.u32 s6, $0x1;
	s3 =	sadd.s32 s4, s19  }
0x9c: {  	s7 =	simm.s32 $0x0;
	s20 =	sshll.u32 s5, $0x1;
	s5 =	sadd.s32 s21, s3  }
0x9d: {  	[timem:s7], [sflag:s22] =	dma.local [hbm:s5], s20  }
0x9e: {  	_ =	swait.ge [sflag:s22], s20  }
0x9f: {  	s4 =	ssub.s32 $0x0, s20;
	[sflag:s22] =	ssyncset.done $0x0  }
0xa0: {  	[sflag:s22] =	ssyncadd.s32 s4;
	_ =	sdelay $0x1  }
0xa1: {  	s23 =	simm.s32 $0x1B8B  }
0xa2: {  	_ =	swait.ge [sflag:s23], $0x1  }
0xa3: {  	[sflag:s23] =	ssyncset.done $0x0  }
0xa4: {  	s25 =	simm.s32 $0x1B8E;
	s24 =	sld [smem:$0x3FFE];
	[sflag:s23] =	ssyncadd.s32 $0xFFFFFFFF  }
0xa5: {  	s26 =	simm.s32 $execute0_lowered;
	[smem:$0x3FD2] =	sst s25  }
0xa6: {  	s5 =	sshll.u32 s26, $0x1;
	_ =	strace $0x80000049;
	[dreg:$0x1] =	wrdreg $0xFFFFFFFF  }
0xa7: {  	s28 =	simm.s32 $_size_execute0_lowered;
	s3 =	sadd.s32 s3, s5;
	[dreg:$0x0] =	wrdreg $0x0  }
0xa8: {  	s5 =	sshll.u32 s28, $0x1;
	[dreg:$0x2] =	wrdreg s3  }
0xa9: {  	[dreg:$0x3] =	wrdreg s5  }
0xaa: {  	[dreg:$0x4] =	wrdreg $0xC0  }
0xab: {  	_ =	task [dreg:s7], $0x5FFFF  }
0xac: {  	[dreg:$0x1] =	wrdreg $0xFFFFFFFF  }
0xad: {  	[dreg:$0x0] =	wrdreg $0x60  }
0xae: {  	[dreg:$0x2] =	wrdreg s24  }
0xaf: {  	[dreg:$0x3] =	wrdreg s2  }
0xb0: {  	[dreg:$0x4] =	wrdreg $0x0  }
0xb1: {  	[dreg:$0x5] =	wrdreg $0x9  }
0xb2: {  	_ =	task.clear_ibuf [dreg:s7], $0x6FFFF;
	_ =	strace $0x90000049  }
0xb3: {  	s29 =	simm.s32 $0x9;
	_ =	strace $0x8000004B  }
0xb4: {  	_ =	swait.ge [sflag:s29], $0x1  }
0xb5: {  	[sflag:s29] =	ssyncadd.s32 $0xFFFFFFFF  }
0xb6: {  	_ =	strace $0x9000004B  }
0xb7: {  	_ =	sfence  }
0xb8: {  	s30 =	sld [smem:$0x0];
	_ =	sdelay $0x2  }
0xb9: {  	s31 =	sshll.u32 s1, $0xD;
	s1 =	sshrl.u32 s1, $0x2  }
0xba: {  	s3 =	sand.u32 $0x4000, s31;
	s1 =	sadd.s32 s1, s30  }
0xbb: {  	s0 =	sor.u32 s3, s0;
	s1 =	sshll.u32 s1, $0x11  }
0xbc: {  	s0 =	sor.u32 s1, s0  }
0xbd: {  	s0 =	sadd.s32 $0x8F2B, s0  }
0xbe: {  	[sflag:s0] =	ssyncadd.remote.s32 $0x1  }
0xbf: {  	_ =	sfence.sel $0xFFFF  }
0xc0: {  	[dreg:$0x0] =	wrdreg $0xFFFFFFFF;
	(pc) =	sbr.abs _section_cstart, $3  }
0xc1: {  	[dreg:$0x1] =	wrdreg $0xFFFFFFFF  }
0xc2: {  	_ =	task.clear_ibuf [dreg:s7], $0x2FFFF;
	_ =	strace $0x9FFFFFFF  }
0xc3: {  	(tm) =	ssettm $0x7FFFFFFF  }
tec
execute0_lowered:
.L_overlay_start_1:
0x0: {  	(tag) =	ssettag $0x1  }
0x1: {  	s0 =	rddreg [dreg:$0x0]  }
0x2: {  	s1 =	rddreg [dreg:$0x1]  }
0x3: {  	s2 =	rddreg [dreg:$0x2]  }
0x4: {  	s3 =	srdreg.scid;
	s10 =	stileid.u32  }
0x5: {  	s23 =	simm.s32 $0x0;
	s13 =	simm.s32 $0x4F00;
	s15 =	simm.s32 $0xB  }
0x6: {  	s16 =	simm.s32 $0x40;
	s28 =	simm.s32 $0x2;
	s29 =	simm.s32 $0x3  }
0x7: {  	s30 =	simm.s32 $0x4;
	s31 =	simm.s32 $0x5;
	s14 =	simm.s32 $0x8  }
0x8: {  	s17 =	simm.s32 $0x9;
	s18 =	simm.s32 $0xA;
	s19 =	simm.s32 $0xC  }
0x9: {  	s20 =	simm.s32 $0x0;
	s5 =	sand.u32 $0x1, s3;
	s6 =	smul.u32 $0x4F00, s10  }
0xa: {  	[smem:$0x7FF] =	sst s23;
	s4 =	sshll.u32 s5, $0x4;
	s7 =	smul.u32 $0x4F000, s5  }
0xb: {  	_ =	strace $0x8000004A;
	s5 =	ssub.s32 $0x2, s5;
	s4 =	sor.u32 s10, s4  }
0xc: {  	s24 =	sshrl.u32 s5, $0x1;
	s25 =	sshrl.u32 s6, $0x3;
	s12 =	sadd.s32 s6, s2  }
0xd: {  	s8 =	smul.u32 $0x500, s4;
	s7 =	sadd.s32 s6, s7;
	s4 =	sadd.s32 $0x29C00, s0  }
0xe: {  	s11 =	ssub.s32 s5, s24;
	s5 =	sshll.u32 s10, $0x6;
	s1 =	sadd.s32 s1, s25  }
.Ltmp0:
0xf: {  	s12 =	sshrl.u32 s12, $0x3;
	s7 =	sshrl.u32 s7, $0x3;
	(pc) =	sbr.rel .LBB2_1-.Ltmp0, $4  }
0x10: {  	[dreg:$0x4] =	wrdreg s1;
	s26 =	sor.u32 $0x1C0B, s5;
	s11 =	smax.u32 s11, $0x1  }
0x11: {  	s1 =	simm.s32 $0x7;
	s9 =	sadd.s32 s8, s0;
	s0 =	sadd.s32 s7, s0  }
0x12: {  	[dreg:$0x5] =	wrdreg s26;
	s26 =	simm.s32 $0x1;
	s8 =	sadd.s32 $0x47600, s9  }
0x13: {  	s9 =	sadd.s32 $0x3D600, s9;
	s10 =	sadd.s32 $0x51600, s0;
	s0 =	simm.s32 $0x6  }
.LBB2_6:
0x14: {  	_ =	swait.ge [sflag:s0], $0x800  }
0x15: {  	[sflag:s0] =	ssyncset.done $0x0  }
0x16: {  	[sflag:s0] =	ssyncadd.s32 $0xFFFFF800  }
0x17: {  	_ =	swait.ge [sflag:s1], $0x800  }
0x18: {  	[sflag:s1] =	ssyncset.done $0x0  }
0x19: {  	[sflag:s1] =	ssyncadd.s32 $0xFFFFF800  }
0x1a: {  	_ =	swait.ge [sflag:s14], $0x800  }
0x1b: {  	[sflag:s14] =	ssyncset.done $0x0  }
0x1c: {  	[sflag:s14] =	ssyncadd.s32 $0xFFFFF800  }
0x1d: {  	_ =	swait.ge [sflag:s17], $0x800  }
0x1e: {  	[sflag:s17] =	ssyncset.done $0x0  }
0x1f: {  	[sflag:s17] =	ssyncadd.s32 $0xFFFFF800  }
0x20: {  	_ =	swait.ge [sflag:s18], $0x800  }
0x21: {  	s20 =	sadd.s32 $0x1, s20;
	[sflag:s18] =	ssyncset.done $0x0  }
0x22: {  	p0 =	sne.s32 s20, s11;
	[sflag:s18] =	ssyncadd.s32 $0xFFFFF800  }
.Ltmp1:
0x23: {  	s3 =	sor.u32 $0x1C0C, s5;
	[bflag:$0x0] =	sbarrier.arrive $0xFFFF;
	(pc) =	sbr.rel @!p0 .LBB2_7-.Ltmp1, $4  }
0x24: {  	[hbm:s10], [sflag:s3] =	dma.local [spmem:s12], $0x9E0  }
0x25: {  	_ =	swait.ge [sflag:s19], $0x9E0  }
0x26: {  	[sflag:s19] =	ssyncset.done $0x0  }
0x27: {  	[sflag:s19] =	ssyncadd.s32 $0xFFFFF620  }
.LBB2_1:
0x28: {  	s3 =	rddreg [dreg:$0x4]  }
0x29: {  	s6 =	rddreg [dreg:$0x5];
	s21 =	simm.s32 $0x0  }
0x2a: {  	[spmem:s12], [sflag:s6] =	dma.local [hbm:s3], $0x9E0  }
0x2b: {  	[tilespmem:s13], [sflag:$0xB] =	stream.linear.gather [hbm4b:s8+s21], $0x2800, $0x38;
	[tilespmem:$0xEF00] =	vst v63  }
0x2c: {  	s22 =	simm.s32 $0x7700  }
0x2d: {  	[tilespmem:s22], [sflag:$0xB] =	stream.linear.gather [hbm4b:s9+s21], $0x2800, $0x38;
	[tilespmem:$0xEF00] =	vst v63  }
0x2e: {  	_ =	swait.ge [sflag:s15], $0x9E0  }
0x2f: {  	[sflag:s15] =	ssyncset.done $0x0  }
0x30: {  	[sflag:s15] =	ssyncadd.s32 $0xFFFFF620  }
0x31: {  	_ =	swait.ge [sflag:s15], $0x2800  }
0x32: {  	[sflag:s15] =	ssyncset.done $0x0  }
0x33: {  	[sflag:s15] =	ssyncadd.s32 $0xFFFFD800  }
0x34: {  	_ =	swait.ge [sflag:s15], $0x2800  }
0x35: {  	[sflag:s15] =	ssyncset.done $0x0  }
0x36: {  	[sflag:s15] =	ssyncadd.s32 $0xFFFFD800  }
0x37: {  	s23 =	simm.s32 $0x9F00;
	[bflag:$0x0] =	sbarrier.arrive $0xFFFF  }
0x38: {  	[tilespmem:s23], [sflag:$0x1] =	stream.indirect.gather [hbm4b:s4+s16], $0x20, s13, s16, $0xb8;
	[tilespmem:$0xEF00] =	vst v63  }
0x39: {  	s24 =	simm.s32 $0x4F40;
	s25 =	simm.s32 $0xAF00  }
0x3a: {  	[tilespmem:s25], [sflag:$0x2] =	stream.indirect.gather [hbm4b:s4+s16], $0x20, s24, s16, $0xb8;
	[tilespmem:$0xEF00] =	vst v63  }
0x3b: {  	s7 =	simm.s32 $0x4F80;
	s21 =	simm.s32 $0xBF00  }
0x3c: {  	[tilespmem:s21], [sflag:$0x3] =	stream.indirect.gather [hbm4b:s4+s16], $0x20, s7, s16, $0xb8;
	[tilespmem:$0xEF00] =	vst v63  }
.Ltmp2:
0x3d: {  	_ = 	snop;
	(pc) =	sbr.rel .LBB2_2-.Ltmp2, $4  }
0x3e: {  	s22 =	simm.s32 $0x4FC0;
	s23 =	simm.s32 $0xCF00;
	s24 =	simm.s32 $0x5000  }
0x3f: {  	[tilespmem:s23], [sflag:$0x4] =	stream.indirect.gather [hbm4b:s4+s16], $0x20, s22, s16, $0xb8;
	[tilespmem:$0xEF00] =	vst v63  }
0x40: {  	s25 =	simm.s32 $0xDF00;
	s21 =	simm.s32 $0x0;
	s22 =	simm.s32 $0x0  }
0x41: {  	[tilespmem:s25], [sflag:$0x5] =	stream.indirect.gather [hbm4b:s4+s16], $0x20, s24, s16, $0xb8;
	[tilespmem:$0xEF00] =	vst v63  }
.LBB2_4:
0x42: {  	s24 =	sshra.s32 s22, $0x2  }
0x43: {  	s25 =	ssub.s32 $0xA700, s23;
	s24 =	sadd.s32 $0x5040, s24  }
0x44: {  	[tilespmem:s25], [sflag:$0x1] =	stream.indirect.gather [hbm4b:s4+s16], $0x20, s24, s16, $0xb8;
	[tilespmem:$0xEF00] =	vst v63  }
0x45: {  	p1 =	por $0x0, $0x0;
	s24 =	smov.u32 s22  }
.LBB2_5:
0x46: {  	s25 =	sshra.s32 s24, $0x2  }
0x47: {  	s3 =	sadd.s32 $0x9F00, s23;
	s6 =	sadd.s32 $0x7700, s25  }
0x48: {  	[spmem:s2] =	stream.indirect.scatter.add.f32 [tilespmem:s3], [sflag:$0x6], $0x20, s6, s16, $0xb8;
	[tilespmem:$0xEF00] =	vst v63  }
0x49: {  	_ =	swait.ge [sflag:s28], $0x800  }
0x4a: {  	[sflag:s28] =	ssyncset.done $0x0  }
0x4b: {  	s3 =	simm.s32 @!p0 $0x7;
	[sflag:s28] =	ssyncadd.s32 $0xFFFFF800  }
0x4c: {  	_ =	swait.ge @!p0 [sflag:s3], $0x800  }
0x4d: {  	[sflag:s3] =	ssyncset.done @!p0 $0x0  }
0x4e: {  	[sflag:s3] =	ssyncadd.s32 @!p0 $0xFFFFF800;
	s3 =	sshra.s32 @!p1 s24, $0x2  }
0x4f: {  	s7 =	simm.s32 @!p1 $0x40;
	s6 =	ssub.s32 @!p1 $0xB700, s23;
	s24 =	sadd.s32 @!p1 $0x5080, s3  }
0x50: {  	[tilespmem:s6], [sflag:$0x2] =	stream.indirect.gather @!p1 [hbm4b:s4+s7], $0x20, s24, s7, $0xb8;
	[tilespmem:$0xEF00] =	vst v63  }
0x51: {  	s6 =	sadd.s32 $0xAF00, s23;
	s24 =	sadd.s32 $0x7740, s25  }
0x52: {  	[spmem:s2] =	stream.indirect.scatter.add.f32 [tilespmem:s6], [sflag:$0x7], $0x20, s24, s16, $0xb8;
	[tilespmem:$0xEF00] =	vst v63  }
0x53: {  	_ =	swait.ge [sflag:s29], $0x800  }
0x54: {  	[sflag:s29] =	ssyncset.done $0x0  }
0x55: {  	s6 =	simm.s32 @!p0 $0x8;
	[sflag:s29] =	ssyncadd.s32 $0xFFFFF800  }
0x56: {  	_ =	swait.ge @!p0 [sflag:s6], $0x800  }
0x57: {  	[sflag:s6] =	ssyncset.done @!p0 $0x0  }
0x58: {  	s24 =	sadd.s32 @!p1 $0x50C0, s3;
	[sflag:s6] =	ssyncadd.s32 @!p0 $0xFFFFF800;
	s6 =	ssub.s32 @!p1 $0xC700, s23  }
0x59: {  	[tilespmem:s6], [sflag:$0x3] =	stream.indirect.gather @!p1 [hbm4b:s4+s7], $0x20, s24, s7, $0xb8;
	[tilespmem:$0xEF00] =	vst v63  }
0x5a: {  	s6 =	sadd.s32 $0xBF00, s23;
	s24 =	sadd.s32 $0x7780, s25  }
0x5b: {  	[spmem:s2] =	stream.indirect.scatter.add.f32 [tilespmem:s6], [sflag:$0x8], $0x20, s24, s16, $0xb8;
	[tilespmem:$0xEF00] =	vst v63  }
0x5c: {  	_ =	swait.ge [sflag:s30], $0x800  }
0x5d: {  	[sflag:s30] =	ssyncset.done $0x0  }
0x5e: {  	s6 =	simm.s32 @!p0 $0x9;
	[sflag:s30] =	ssyncadd.s32 $0xFFFFF800  }
0x5f: {  	_ =	swait.ge @!p0 [sflag:s6], $0x800  }
0x60: {  	[sflag:s6] =	ssyncset.done @!p0 $0x0  }
0x61: {  	s24 =	sadd.s32 @!p1 $0x5100, s3;
	[sflag:s6] =	ssyncadd.s32 @!p0 $0xFFFFF800;
	s6 =	ssub.s32 @!p1 $0xD700, s23  }
0x62: {  	[tilespmem:s6], [sflag:$0x4] =	stream.indirect.gather @!p1 [hbm4b:s4+s7], $0x20, s24, s7, $0xb8;
	[tilespmem:$0xEF00] =	vst v63  }
0x63: {  	s6 =	sadd.s32 $0xCF00, s23;
	s24 =	sadd.s32 $0x77C0, s25  }
0x64: {  	[spmem:s2] =	stream.indirect.scatter.add.f32 [tilespmem:s6], [sflag:$0x9], $0x20, s24, s16, $0xb8;
	[tilespmem:$0xEF00] =	vst v63  }
0x65: {  	_ =	swait.ge [sflag:s31], $0x800  }
0x66: {  	[sflag:s31] =	ssyncset.done $0x0  }
0x67: {  	s6 =	simm.s32 @!p0 $0xA;
	[sflag:s31] =	ssyncadd.s32 $0xFFFFF800  }
0x68: {  	_ =	swait.ge @!p0 [sflag:s6], $0x800  }
0x69: {  	s22 =	sadd.s32 $0x500, s22;
	[sflag:s6] =	ssyncset.done @!p0 $0x0  }
0x6a: {  	[sflag:s6] =	ssyncadd.s32 @!p0 $0xFFFFF800;
	p0 =	sne.s32 s22, $0xA000  }
.Ltmp3:
0x6b: {  	_ = 	snop;
	(pc) =	sbr.rel @!p0 .LBB2_6-.Ltmp3, $4  }
0x6c: {  	s3 =	sadd.s32 @!p1 $0x5140, s3;
	s6 =	ssub.s32 @!p1 $0xE700, s23  }
0x6d: {  	[tilespmem:s6], [sflag:$0x5] =	stream.indirect.gather @!p1 [hbm4b:s4+s7], $0x20, s3, s7, $0xb8;
	[tilespmem:$0xEF00] =	vst v63  }
0x6e: {  	s21 =	sadd.s32 $0x800, s21;
	s25 =	sadd.s32 $0x7800, s25;
	s24 =	sadd.s32 $0xDF00, s23  }
0x6f: {  	[spmem:s2] =	stream.indirect.scatter.add.f32 [tilespmem:s24], [sflag:$0xA], $0x20, s25, s16, $0xb8;
	[tilespmem:$0xEF00] =	vst v63  }
.LBB2_2:
0x70: {  	p0 =	seq.s32 s22, $0x0  }
0x71: {  	p1 =	seq.s32 @!p0 s22, $0x9B00  }
0x72: {  	_ =	swait.ge [sflag:s26], $0x800;
	p1 =	por p0, !p1  }
.Ltmp4:
0x73: {  	[sflag:s26] =	ssyncset.done $0x0;
	(pc) =	sbr.rel @p1 .LBB2_4-.Ltmp4, $4  }
0x74: {  	s24 =	simm.s32 @!p0 $0x6;
	[sflag:s26] =	ssyncadd.s32 $0xFFFFF800  }
0x75: {  	_ =	swait.ge @!p0 [sflag:s24], $0x800  }
0x76: {  	[sflag:s24] =	ssyncset.done @!p0 $0x0  }
0x77: {  	s23 =	sand.u32 $0x800, s21;
	[sflag:s24] =	ssyncadd.s32 @!p0 $0xFFFFF800  }
.Ltmp5:
0x78: {  	(pc) =	sbr.rel .LBB2_5-.Ltmp5, $2  }
0x79: {  	_ =	sdelay $0x2  }
0x7a: {  	p1 =	por @!p0 $0x1, $0x1;
	s24 =	simm.s32 @!p0 $0x9B00  }
.LBB2_7:
0x7b: {  	_ =	sfence.sel $0x180000  }
0x7c: {  	[bflag:$0x0] =	sbarrier.arrive $0xFFFF  }
0x7d: {  	_ =	strace $0x9000004A  }
0x7e: {  	s0 =	stileid.u32;
	[bflag:$0x2] =	sbarrier.arrive $0xFFFF  }
0x7f: {  	p0 =	sne.s32 s0, $0x0;
	s0 =	rddreg [dreg:$0x3]  }
0x80: {  	s0 =	sadd.s32 @!p0 $0x100000, s0  }
0x81: {  	[sflag:s0] =	ssyncadd.tile.s32 @!p0 $0x1;
	_ =	shalt  }
.Lfunc_end2:
_tile_overlayer_lowered:
.L_overlay_start_2:
0x82: {  	(tag) =	ssettag $0x2  }
0x83: {  	s0 =	rddreg [dreg:$0x0];
	s2 =	stileid.u32  }
0x84: {  	s1 =	rddreg [dreg:$0x1];
	p0 =	sne.s32 s2, $0x0  }
0x85: {  	s3 =	rddreg [dreg:$0x2];
	[bflag:$0x3] =	sbarrier.arrive $0xFFFF;
	s2 =	simm.s32 @!p0 $0x1C0C  }
0x86: {  	[timem:s3], [sflag:s2] =	dma.local @!p0 [hbm:s0], s1  }
0x87: {  	s0 =	simm.s32 @!p0 $0xC  }
0x88: {  	_ =	swait.ge @!p0 [sflag:s0], s1  }
0x89: {  	s1 =	ssub.s32 @!p0 $0x0, s1;
	[sflag:s0] =	ssyncset.done @!p0 $0x0  }
0x8a: {  	[sflag:s0] =	ssyncadd.s32 @!p0 s1  }
0x8b: {  	[bflag:$0x3] =	sbarrier.arrive $0xFFFF  }
0x8c: {  	_ =	shalt  }

// kernel: kernel.7.cloned.1.call-start
scs
__scs_entry_jumppad:
0x0: {  	(pc) =	sbr.rel $0x88, $3  }
0x1: {  	(tag) =	ssettag $0x0;
	lr =	simm.s32 $0x1  }
0x2: {  	[smem:$0x3F99] =	sst lr;
	_ =	strace $0xD0000000  }
0x3: {  	_ = 	snop  }
0x4: {  	_ = 	snop  }
0x5: {  	_ = 	snop  }
0x6: {  	_ = 	snop  }
0x7: {  	_ = 	snop  }
__scs_overlays_trampoline_lowered:
0x8: {  	[smem:$0x3FA8] =	sst s0  }
0x9: {  	[smem:$0x3FA9] =	sst s1  }
0xa: {  	[smem:$0x3FAA] =	sst s2  }
0xb: {  	[smem:$0x3FAB] =	sst s3  }
0xc: {  	[smem:$0x3FAC] =	sst s4  }
0xd: {  	[smem:$0x3FAD] =	sst s5  }
0xe: {  	[smem:$0x3FAE] =	sst s6  }
0xf: {  	[smem:$0x3FAF] =	sst s7  }
0x10: {  	[smem:$0x3FB0] =	sst s8  }
0x11: {  	[smem:$0x3FB1] =	sst s9;
	s0 =	simm.s32 @!p0 $0x0  }
0x12: {  	s1 =	sld [smem:$0x3F97];
	s0 =	simm.s32 @p0 $0x1  }
0x13: {  	[smem:$0x3FB2] =	sst s0;
	s0 =	simm.s32 @!p1 $0x0  }
0x14: {  	s2 =	sld [smem:$0x3F96];
	s0 =	simm.s32 @p1 $0x1  }
0x15: {  	[smem:$0x3FB3] =	sst s0;
	s0 =	simm.s32 @!p2 $0x0  }
0x16: {  	s3 =	sld [smem:$0x3FDB];
	s0 =	simm.s32 @p2 $0x1  }
0x17: {  	s4 =	simm.s32 $0x1BF5;
	[smem:$0x3FB5] =	sst s0  }
0x18: {  	s0 =	sld [smem:$0x3F98];
	_ =	swait.ge [sflag:s4], $0x0  }
0x19: {  	s7 =	sld [smem:$0x3F99]  }
0x1a: {  	s8 =	sadd.s32 $0xFFFFE003, lr  }
0x1b: {  	s9 =	sadd.s32 $0xFFFFFEF7, lr;
	s5 =	simm.s32 $0xFFFFFFFF;
	p2 =	slt.u32 s8, $0xFFFFF086  }
0x1c: {  	p1 =	slt.u32 s9, $0xF7A;
	s5 =	simm.s32 @!p2 $0x0  }
0x1d: {  	s5 =	simm.s32 @p1 $0x1;
	p0 =	seq.s32 s7, s2  }
0x1e: {  	s7 =	smul.u32 @!p0 $0xF7A, s2;
	p2 =	seq.s32 @!p0 s5, $0x0  }
0x1f: {  	s9 =	smul.u32 $0xF7A, s1;
	s8 =	simm.s32 @!p0 $0x1BF5;
	p2 =	por !p2, p0  }
0x20: {  	[sflag:s8] =	ssyncset.s32 @!p0 $0xFFFFF086;
	s6 =	sadd.s32 @!p0 s3, s7;
	s7 =	simm.s32 @!p0 $0x108  }
0x21: {  	s3 =	sadd.s32 s3, s9;
	s6 =	sadd.s32 @!p0 $0x88, s6;
	s7 =	simm.s32 @p2 $0x1082  }
0x22: {  	[simem:s7], [sflag:s8] =	dma.local @!p0 [hbm:s6], $0xF7A  }
0x23: {  	s9 =	sor.u32 $0xD0000000, s2;
	s6 =	simm.s32 $0x108;
	_ =	swait.ge @!p0 [sflag:s8], $0x0  }
0x24: {  	s3 =	sadd.s32 $0x88, s3;
	s6 =	simm.s32 @!p1 $0x1082;
	[sflag:s4] =	ssyncset.s32 $0xFFFFF086  }
0x25: {  	[simem:s6], [sflag:s4] =	dma.local [hbm:s3], $0xF7A  }
0x26: {  	[smem:$0x3F99] =	sst s1;
	(tag) =	ssettag s2;
	_ =	strace s9  }
0x27: {  	s1 =	sld [smem:$0x3FA9]  }
0x28: {  	s2 =	sld [smem:$0x3FAA]  }
0x29: {  	s4 =	sld [smem:$0x3FAC]  }
0x2a: {  	p0 =	seq.s32 s5, $0x0;
	s5 =	sld [smem:$0x3FAD]  }
0x2b: {  	s6 =	sld [smem:$0x3FAE]  }
0x2c: {  	s7 =	sld [smem:$0x3FAF]  }
0x2d: {  	s3 =	simm.s32 $0x108;
	s8 =	sld [smem:$0x3FB0]  }
0x2e: {  	s3 =	simm.s32 @!p0 $0x1082;
	s9 =	sld [smem:$0x3FB1]  }
0x2f: {  	lr =	sadd.s32 s0, s3;
	s0 =	sld [smem:$0x3FA8]  }
0x30: {  	s3 =	sld [smem:$0x3FAB]  }
0x31: {  	[smem:$0x3FB4] =	sst s10  }
0x32: {  	s10 =	sld [smem:$0x3FB2];
	_ =	sdelay $0x3  }
0x33: {  	p0 =	seq.s32 s10, $0x1;
	s10 =	sld [smem:$0x3FB4];
	_ =	sdelay $0x3  }
0x34: {  	[smem:$0x3FB4] =	sst s10  }
0x35: {  	s10 =	sld [smem:$0x3FB3];
	_ =	sdelay $0x3  }
0x36: {  	p1 =	seq.s32 s10, $0x1;
	s10 =	sld [smem:$0x3FB4];
	_ =	sdelay $0x3  }
0x37: {  	[smem:$0x3FB4] =	sst s10  }
0x38: {  	s10 =	sld [smem:$0x3FB5]  }
0x39: {  	_ = 	snop;
	(pc) =	sbr.ind lr, $3  }
0x3a: {  	_ = 	snop  }
0x3b: {  	_ = 	snop  }
0x3c: {  	p2 =	seq.s32 s10, $0x1;
	s10 =	sld [smem:$0x3FB4]  }
0x3d: {  	_ =	shalt  }
0x3e: {  	_ =	shalt  }
0x3f: {  	_ =	shalt  }
0x40: {  	_ =	shalt  }
0x41: {  	_ =	shalt  }
0x42: {  	_ =	shalt  }
0x43: {  	_ =	shalt  }
0x44: {  	_ =	shalt  }
0x45: {  	_ =	shalt  }
0x46: {  	_ =	shalt  }
0x47: {  	_ =	shalt  }
0x48: {  	_ =	shalt  }
0x49: {  	_ =	shalt  }
0x4a: {  	_ =	shalt  }
0x4b: {  	_ =	shalt  }
0x4c: {  	_ =	shalt  }
0x4d: {  	_ =	shalt  }
0x4e: {  	_ =	shalt  }
0x4f: {  	_ =	shalt  }
0x50: {  	_ =	shalt  }
0x51: {  	_ =	shalt  }
0x52: {  	_ =	shalt  }
0x53: {  	_ =	shalt  }
0x54: {  	_ =	shalt  }
0x55: {  	_ =	shalt  }
0x56: {  	_ =	shalt  }
0x57: {  	_ =	shalt  }
0x58: {  	_ =	shalt  }
0x59: {  	_ =	shalt  }
0x5a: {  	_ =	shalt  }
0x5b: {  	_ =	shalt  }
0x5c: {  	_ =	shalt  }
0x5d: {  	_ =	shalt  }
0x5e: {  	_ =	shalt  }
0x5f: {  	_ =	shalt  }
0x60: {  	_ =	shalt  }
0x61: {  	_ =	shalt  }
0x62: {  	_ =	shalt  }
0x63: {  	_ =	shalt  }
0x64: {  	_ =	shalt  }
0x65: {  	_ =	shalt  }
0x66: {  	_ =	shalt  }
0x67: {  	_ =	shalt  }
0x68: {  	_ =	shalt  }
0x69: {  	_ =	shalt  }
0x6a: {  	_ =	shalt  }
0x6b: {  	_ =	shalt  }
0x6c: {  	_ =	shalt  }
0x6d: {  	_ =	shalt  }
0x6e: {  	_ =	shalt  }
0x6f: {  	_ =	shalt  }
0x70: {  	_ =	shalt  }
0x71: {  	_ =	shalt  }
0x72: {  	_ =	shalt  }
0x73: {  	_ =	shalt  }
0x74: {  	_ =	shalt  }
0x75: {  	_ =	shalt  }
0x76: {  	_ =	shalt  }
0x77: {  	_ =	shalt  }
0x78: {  	_ =	shalt  }
0x79: {  	_ =	shalt  }
0x7a: {  	_ =	shalt  }
0x7b: {  	_ =	shalt  }
0x7c: {  	_ =	shalt  }
0x7d: {  	_ =	shalt  }
0x7e: {  	_ =	shalt  }
0x7f: {  	_ =	shalt  }
0x80: {  	_ =	shalt  }
0x81: {  	_ =	shalt  }
0x82: {  	_ =	shalt  }
0x83: {  	_ =	shalt  }
0x84: {  	_ =	shalt  }
0x85: {  	_ =	shalt  }
0x86: {  	_ =	shalt  }
0x87: {  	_ =	shalt  }
.Lfunc_end0:
.L_simem_size_0:
called_computation_lowered:
.L_overlay_start_0:
0x88: {  	s2 =	sld [smem:$0x3FD9]  }
0x89: {  	s3 =	sld [smem:$0x3FFE];
	_ =	sdelay $0x1  }
0x8a: {  	s1 =	srdreg.scid  }
0x8b: {  	s0 =	sand.u32 $0x1, s1  }
0x8c: {  	s17 =	sshll.u32 s0, $0xA;
	s2 =	sadd.s32 s3, s2  }
0x8d: {  	s2 =	sadd.s32 s2, s17  }
0x8e: {  	[smem:$0x3FC0] =	sst s2  }
0x8f: {  	_ = 	snop  }
0x90: {  	s2 =	sld [smem:$0x3FD0];
	(tm) =	ssettm $0x1  }
0x91: {  	s18 =	sld [smem:$0x3FFB];
	_ =	sdelay $0x3  }
0x92: {  	_ =	strace s18  }
0x93: {  	s3 =	sld [smem:$0x3FFC];
	_ =	sdelay $0x3  }
0x94: {  	_ =	strace s3  }
0x95: {  	s3 =	sld [smem:$0x3FFD];
	_ =	sdelay $0x3  }
0x96: {  	_ =	strace s3  }
0x97: {  	_ =	strace $0x8FFFFFFF  }
0x98: {  	s19 =	sld [smem:$0x3FDB];
	_ =	sdelay $0x1  }
0x99: {  	s4 =	simm.s32 $_scs_section_size  }
0x9a: {  	s5 =	simm.s32 $_size__tile_overlayer_lowered;
	s6 =	simm.s32 $_tile_overlayer_lowered  }
0x9b: {  	s22 =	simm.s32 $0x1BFF;
	s21 =	sshll.u32 s6, $0x1;
	s3 =	sadd.s32 s4, s19  }
0x9c: {  	s7 =	simm.s32 $0x0;
	s20 =	sshll.u32 s5, $0x1;
	s5 =	sadd.s32 s21, s3  }
0x9d: {  	[timem:s7], [sflag:s22] =	dma.local [hbm:s5], s20  }
0x9e: {  	_ =	swait.ge [sflag:s22], s20  }
0x9f: {  	s4 =	ssub.s32 $0x0, s20;
	[sflag:s22] =	ssyncset.done $0x0  }
0xa0: {  	[sflag:s22] =	ssyncadd.s32 s4;
	_ =	sdelay $0x1  }
0xa1: {  	s23 =	simm.s32 $0x1B8B  }
0xa2: {  	_ =	swait.ge [sflag:s23], $0x1  }
0xa3: {  	[sflag:s23] =	ssyncset.done $0x0  }
0xa4: {  	s25 =	simm.s32 $0x1B8E;
	s24 =	sld [smem:$0x3FFE];
	[sflag:s23] =	ssyncadd.s32 $0xFFFFFFFF  }
0xa5: {  	s26 =	simm.s32 $execute0_lowered;
	[smem:$0x3FD2] =	sst s25  }
0xa6: {  	s5 =	sshll.u32 s26, $0x1;
	_ =	strace $0x80000046;
	[dreg:$0x1] =	wrdreg $0xFFFFFFFF  }
0xa7: {  	s28 =	simm.s32 $_size_execute0_lowered;
	s3 =	sadd.s32 s3, s5;
	[dreg:$0x0] =	wrdreg $0x0  }
0xa8: {  	s5 =	sshll.u32 s28, $0x1;
	[dreg:$0x2] =	wrdreg s3  }
0xa9: {  	[dreg:$0x3] =	wrdreg s5  }
0xaa: {  	[dreg:$0x4] =	wrdreg $0xC0  }
0xab: {  	_ =	task [dreg:s7], $0x5FFFF  }
0xac: {  	[dreg:$0x1] =	wrdreg $0xFFFFFFFF  }
0xad: {  	[dreg:$0x0] =	wrdreg $0x60  }
0xae: {  	[dreg:$0x2] =	wrdreg s24  }
0xaf: {  	[dreg:$0x3] =	wrdreg s2  }
0xb0: {  	[dreg:$0x4] =	wrdreg $0x0  }
0xb1: {  	[dreg:$0x5] =	wrdreg $0x18E000  }
0xb2: {  	[dreg:$0x6] =	wrdreg $0x9  }
0xb3: {  	_ =	task.clear_ibuf [dreg:s7], $0x7FFFF;
	_ =	strace $0x90000046  }
0xb4: {  	s29 =	simm.s32 $0x9;
	_ =	strace $0x80000048  }
0xb5: {  	_ =	swait.ge [sflag:s29], $0x1  }
0xb6: {  	[sflag:s29] =	ssyncadd.s32 $0xFFFFFFFF  }
0xb7: {  	_ =	strace $0x90000048  }
0xb8: {  	_ =	sfence  }
0xb9: {  	s30 =	sld [smem:$0x0];
	_ =	sdelay $0x2  }
0xba: {  	s31 =	sshll.u32 s1, $0xD;
	s1 =	sshrl.u32 s1, $0x2  }
0xbb: {  	s3 =	sand.u32 $0x4000, s31;
	s1 =	sadd.s32 s1, s30  }
0xbc: {  	s0 =	sor.u32 s3, s0;
	s1 =	sshll.u32 s1, $0x11  }
0xbd: {  	s0 =	sor.u32 s1, s0  }
0xbe: {  	s0 =	sadd.s32 $0x8F2B, s0  }
0xbf: {  	[sflag:s0] =	ssyncadd.remote.s32 $0x1  }
0xc0: {  	_ =	sfence.sel $0xFFFF  }
0xc1: {  	[dreg:$0x0] =	wrdreg $0xFFFFFFFF;
	(pc) =	sbr.abs _section_cstart, $3  }
0xc2: {  	[dreg:$0x1] =	wrdreg $0xFFFFFFFF  }
0xc3: {  	_ =	task.clear_ibuf [dreg:s7], $0x2FFFF;
	_ =	strace $0x9FFFFFFF  }
0xc4: {  	(tm) =	ssettm $0x7FFFFFFF  }
0xc5: {  	_ =	shalt  }
tec
execute0_lowered:
.L_overlay_start_1:
0x0: {  	(tag) =	ssettag $0x1  }
0x1: {  	s1 =	rddreg [dreg:$0x0]  }
0x2: {  	s0 =	srdreg.scid;
	s4 =	rddreg [dreg:$0x1]  }
0x3: {  	s13 =	stileid.u32;
	s2 =	rddreg [dreg:$0x2];
	s22 =	simm.s32 $0x0  }
0x4: {  	s20 =	simm.s32 $0x1B580;
	s21 =	simm.s32 $0xB;
	s18 =	simm.s32 $0x2  }
0x5: {  	s30 =	simm.s32 $0xD;
	s31 =	simm.s32 $0x8;
	s7 =	smul.u32 $0x9E00, s13  }
0x6: {  	s0 =	sand.u32 $0x1, s0;
	[smem:$0x7FF] =	sst s22;
	s8 =	smul.u32 $0x2780, s13  }
0x7: {  	s14 =	sadd.s32 $0x6A200, s1;
	s24 =	sshll.u32 s13, $0x6;
	s22 =	simm.s32 $0x40  }
0x8: {  	s3 =	sshll.u32 s0, $0x4;
	s9 =	smul.u32 $0x9E000, s0;
	s12 =	ssub.s32 $0x2, s0  }
0x9: {  	s0 =	smul.u32 $0x27800, s0;
	s5 =	sor.u32 s13, s3;
	s3 =	rddreg [dreg:$0x3]  }
0xa: {  	_ =	strace $0x80000047;
	s10 =	sshrl.u32 s7, $0x3;
	[dreg:$0x5] =	wrdreg s14  }
0xb: {  	s11 =	sshrl.u32 s8, $0x3;
	s23 =	sshrl.u32 s12, $0x1;
	[dreg:$0x6] =	wrdreg s24  }
0xc: {  	s6 =	smul.u32 $0x500, s5;
	s5 =	sadd.s32 $0x29C00, s1;
	s10 =	sadd.s32 s10, s1  }
0xd: {  	s9 =	sadd.s32 s7, s9;
	s11 =	sadd.s32 s11, s1;
	s12 =	ssub.s32 s12, s23  }
0xe: {  	s7 =	sadd.s32 s7, s2;
	s0 =	sadd.s32 s8, s0;
	s26 =	sadd.s32 s8, s3  }
0xf: {  	s23 =	simm.s32 $0x3;
	s8 =	simm.s32 $0xF;
	s9 =	sshrl.u32 s9, $0x3  }
0x10: {  	s10 =	sadd.s32 $0x51600, s10;
	s28 =	sadd.s32 $0x65200, s11;
	s0 =	sshrl.u32 s0, $0x3  }
0x11: {  	s29 =	smax.u32 s12, $0x1;
	s16 =	sshrl.u32 s7, $0x3;
	s19 =	sshrl.u32 s26, $0x3  }
0x12: {  	s11 =	simm.s32 $0x10;
	s7 =	simm.s32 $0x11;
	[dreg:$0x7] =	wrdreg s10  }
0x13: {  	s12 =	simm.s32 $0x0;
	s6 =	sadd.s32 s6, s1;
	[dreg:$0xa] =	wrdreg s28  }
0x14: {  	s1 =	sadd.s32 s9, s1;
	s0 =	sadd.s32 s4, s0;
	[dreg:$0xd] =	wrdreg s29  }
.Ltmp0:
0x15: {  	s25 =	sadd.s32 $0x47600, s6;
	[dreg:$0xc] =	wrdreg s0;
	(pc) =	sbr.rel .LBB2_1-.Ltmp0, $4  }
0x16: {  	s9 =	sor.u32 $0x1C0B, s24;
	s6 =	sadd.s32 $0x3D600, s6;
	[dreg:$0x8] =	wrdreg s25  }
0x17: {  	s24 =	simm.s32 $0x4;
	s1 =	sadd.s32 $0x6A400, s1;
	[dreg:$0x9] =	wrdreg s6  }
0x18: {  	s10 =	simm.s32 $0xA;
	s0 =	simm.s32 $0x1;
	[dreg:$0xb] =	wrdreg s1  }
0x19: {  	s25 =	simm.s32 $0x5;
	s1 =	simm.s32 $0xE;
	s6 =	simm.s32 $0x9  }
.LBB2_6:
0x1a: {  	s4 =	simm.s32 $0x6  }
0x1b: {  	_ =	swait.ge [sflag:s4], $0x1000  }
0x1c: {  	[sflag:s4] =	ssyncset.done $0x0  }
0x1d: {  	s15 =	simm.s32 $0xC;
	[sflag:s4] =	ssyncadd.s32 $0xFFFFF000  }
0x1e: {  	_ =	swait.ge [sflag:s15], $0x400  }
0x1f: {  	[sflag:s15] =	ssyncset.done $0x0  }
0x20: {  	s17 =	simm.s32 $0x7;
	[sflag:s15] =	ssyncadd.s32 $0xFFFFFC00  }
0x21: {  	_ =	swait.ge [sflag:s17], $0x1000  }
0x22: {  	[sflag:s17] =	ssyncset.done $0x0  }
0x23: {  	[sflag:s17] =	ssyncadd.s32 $0xFFFFF000  }
0x24: {  	_ =	swait.ge [sflag:s30], $0x400  }
0x25: {  	[sflag:s30] =	ssyncset.done $0x0  }
0x26: {  	[sflag:s30] =	ssyncadd.s32 $0xFFFFFC00  }
0x27: {  	_ =	swait.ge [sflag:s31], $0x1000  }
0x28: {  	[sflag:s31] =	ssyncset.done $0x0  }
0x29: {  	[sflag:s31] =	ssyncadd.s32 $0xFFFFF000  }
0x2a: {  	_ =	swait.ge [sflag:s1], $0x400  }
0x2b: {  	[sflag:s1] =	ssyncset.done $0x0  }
0x2c: {  	[sflag:s1] =	ssyncadd.s32 $0xFFFFFC00  }
0x2d: {  	_ =	swait.ge [sflag:s6], $0x1000  }
0x2e: {  	[sflag:s6] =	ssyncset.done $0x0  }
0x2f: {  	[sflag:s6] =	ssyncadd.s32 $0xFFFFF000  }
0x30: {  	_ =	swait.ge [sflag:s8], $0x400  }
0x31: {  	[sflag:s8] =	ssyncset.done $0x0  }
0x32: {  	[sflag:s8] =	ssyncadd.s32 $0xFFFFFC00  }
0x33: {  	_ =	swait.ge [sflag:s10], $0x1000  }
0x34: {  	[sflag:s10] =	ssyncset.done $0x0  }
0x35: {  	[sflag:s10] =	ssyncadd.s32 $0xFFFFF000  }
0x36: {  	_ =	swait.ge [sflag:s11], $0x400  }
0x37: {  	[sflag:s11] =	ssyncset.done $0x0  }
0x38: {  	[sflag:s11] =	ssyncadd.s32 $0xFFFFFC00  }
0x39: {  	[bflag:$0x0] =	sbarrier.arrive $0xFFFF  }
0x3a: {  	s26 =	rddreg [dreg:$0x6]  }
0x3b: {  	s13 =	rddreg [dreg:$0xb];
	s4 =	sor.u32 $0x1C11, s26  }
0x3c: {  	[hbm:s13], [sflag:s4] =	dma.local [spmem:s16], $0x13C0  }
0x3d: {  	_ =	swait.ge [sflag:s7], $0x13C0  }
0x3e: {  	[sflag:s7] =	ssyncset.done $0x0  }
0x3f: {  	s28 =	rddreg [dreg:$0xc];
	[sflag:s7] =	ssyncadd.s32 $0xFFFFEC40  }
0x40: {  	[hbm:s28], [sflag:s4] =	dma.local [spmem:s19], $0x4F0  }
0x41: {  	_ =	swait.ge [sflag:s7], $0x4F0  }
0x42: {  	s12 =	sadd.s32 $0x1, s12;
	s29 =	rddreg [dreg:$0xd]  }
0x43: {  	p0 =	sne.s32 s12, s29  }
.Ltmp1:
0x44: {  	_ = 	snop;
	(pc) =	sbr.rel @!p0 .LBB2_7-.Ltmp1, $3  }
0x45: {  	_ =	sdelay $0x1  }
0x46: {  	[sflag:s7] =	ssyncset.done $0x0  }
0x47: {  	[sflag:s7] =	ssyncadd.s32 $0xFFFFFB10  }
.LBB2_1:
0x48: {  	s4 =	rddreg [dreg:$0x7]  }
0x49: {  	[spmem:s16], [sflag:s9] =	dma.local [hbm:s4], $0x13C0  }
0x4a: {  	s13 =	rddreg [dreg:$0x8]  }
0x4b: {  	s28 =	simm.s32 $0x0;
	s14 =	simm.s32 $0x9E00;
	s29 =	rddreg [dreg:$0x9]  }
0x4c: {  	[tilespmem:s14], [sflag:$0xB] =	stream.linear.gather [hbm4b:s13+s28], $0x2800, $0x38;
	[tilespmem:$0x1B980] =	vst v63  }
0x4d: {  	s15 =	simm.s32 $0xC600;
	s17 =	rddreg [dreg:$0xa]  }
0x4e: {  	[tilespmem:s15], [sflag:$0xB] =	stream.linear.gather [hbm4b:s29+s28], $0x2800, $0x38;
	[tilespmem:$0x1B980] =	vst v63  }
0x4f: {  	[spmem:s19], [sflag:s9] =	dma.local [hbm:s17], $0x4F0  }
0x50: {  	s13 =	rddreg [dreg:$0x5]  }
0x51: {  	[tilespmem:s20], [sflag:$0xB] =	stream.linear.gather [hbm4b:s13+s28], $0x400, $0x38;
	[tilespmem:$0x1B980] =	vst v63  }
0x52: {  	_ =	swait.ge [sflag:s21], $0x13C0  }
0x53: {  	[sflag:s21] =	ssyncset.done $0x0  }
0x54: {  	[sflag:s21] =	ssyncadd.s32 $0xFFFFEC40  }
0x55: {  	_ =	swait.ge [sflag:s21], $0x2800  }
0x56: {  	[sflag:s21] =	ssyncset.done $0x0  }
0x57: {  	[sflag:s21] =	ssyncadd.s32 $0xFFFFD800  }
0x58: {  	_ =	swait.ge [sflag:s21], $0x2800  }
0x59: {  	[sflag:s21] =	ssyncset.done $0x0  }
0x5a: {  	[sflag:s21] =	ssyncadd.s32 $0xFFFFD800  }
0x5b: {  	_ =	swait.ge [sflag:s21], $0x4F0  }
0x5c: {  	[sflag:s21] =	ssyncset.done $0x0  }
0x5d: {  	[sflag:s21] =	ssyncadd.s32 $0xFFFFFB10  }
0x5e: {  	_ =	swait.ge [sflag:s21], $0x400  }
0x5f: {  	[sflag:s21] =	ssyncset.done $0x0  }
0x60: {  	[sflag:s21] =	ssyncadd.s32 $0xFFFFFC00  }
0x61: {  	s26 =	simm.s32 $0xEE00;
	[bflag:$0x0] =	sbarrier.arrive $0xFFFF  }
0x62: {  	[tilespmem:s26], [sflag:$0x1] =	stream.indirect.gather [hbm4b:s5+s22], $0x40, s14, s22, $0xb8;
	[tilespmem:$0x1B980] =	vst v63  }
0x63: {  	s29 =	simm.s32 $0x10E00;
	s28 =	simm.s32 $0x9E40  }
0x64: {  	[tilespmem:s29], [sflag:$0x2] =	stream.indirect.gather [hbm4b:s5+s22], $0x40, s28, s22, $0xb8;
	[tilespmem:$0x1B980] =	vst v63  }
0x65: {  	s15 =	simm.s32 $0x12E00;
	s14 =	simm.s32 $0x9E80  }
0x66: {  	[tilespmem:s15], [sflag:$0x3] =	stream.indirect.gather [hbm4b:s5+s22], $0x40, s14, s22, $0xb8;
	[tilespmem:$0x1B980] =	vst v63  }
.Ltmp2:
0x67: {  	_ = 	snop;
	(pc) =	sbr.rel .LBB2_2-.Ltmp2, $4  }
0x68: {  	s17 =	simm.s32 $0x9EC0;
	s13 =	simm.s32 $0x0;
	s26 =	simm.s32 $0x14E00  }
0x69: {  	[tilespmem:s26], [sflag:$0x4] =	stream.indirect.gather [hbm4b:s5+s22], $0x40, s17, s22, $0xb8;
	[tilespmem:$0x1B980] =	vst v63  }
0x6a: {  	s28 =	simm.s32 $0x9F00;
	s29 =	simm.s32 $0x16E00;
	s17 =	simm.s32 $0x0  }
0x6b: {  	[tilespmem:s29], [sflag:$0x5] =	stream.indirect.gather [hbm4b:s5+s22], $0x40, s28, s22, $0xb8;
	[tilespmem:$0x1B980] =	vst v63  }
.LBB2_4:
0x6c: {  	s4 =	sshra.s32 s17, $0x2  }
0x6d: {  	s15 =	ssub.s32 $0xFE00, s14;
	s4 =	sadd.s32 $0x9F40, s4  }
0x6e: {  	[tilespmem:s15], [sflag:$0x1] =	stream.indirect.gather [hbm4b:s5+s22], $0x40, s4, s22, $0xb8;
	[tilespmem:$0x1B980] =	vst v63  }
0x6f: {  	p1 =	por $0x0, $0x0;
	s4 =	smov.u32 s17  }
.LBB2_5:
0x70: {  	s15 =	sshra.s32 s4, $0x2  }
0x71: {  	s26 =	sor.u32 $0xEE00, s14;
	s28 =	sadd.s32 $0xC600, s15  }
0x72: {  	[spmem:s2] =	stream.indirect.scatter.add.f32 [tilespmem:s26], [sflag:$0x6], $0x40, s28, s22, $0xb8;
	[tilespmem:$0x1B980] =	vst v63  }
0x73: {  	_ = 	snop  }
0x74: {  	[spmem:s3] =	stream.indirect.scatter.add.f32 [tilespmem:s20], [sflag:$0xC], $0x10, s28, s22, $0xb8;
	[tilespmem:$0x1B980] =	vst v63  }
0x75: {  	_ =	swait.ge [sflag:s18], $0x1000  }
0x76: {  	[sflag:s18] =	ssyncset.done $0x0  }
0x77: {  	s26 =	simm.s32 @!p0 $0x7;
	[sflag:s18] =	ssyncadd.s32 $0xFFFFF000  }
0x78: {  	_ =	swait.ge @!p0 [sflag:s26], $0x1000  }
0x79: {  	[sflag:s26] =	ssyncset.done @!p0 $0x0  }
0x7a: {  	[sflag:s26] =	ssyncadd.s32 @!p0 $0xFFFFF000;
	s26 =	simm.s32 @!p0 $0xD  }
0x7b: {  	_ =	swait.ge @!p0 [sflag:s26], $0x400  }
0x7c: {  	s4 =	sshra.s32 @!p1 s4, $0x2;
	s29 =	simm.s32 @!p1 $0x40;
	[sflag:s26] =	ssyncset.done @!p0 $0x0  }
0x7d: {  	s28 =	sadd.s32 @!p1 $0x9F80, s4;
	[sflag:s26] =	ssyncadd.s32 @!p0 $0xFFFFFC00;
	s26 =	ssub.s32 @!p1 $0x11E00, s14  }
0x7e: {  	[tilespmem:s26], [sflag:$0x2] =	stream.indirect.gather @!p1 [hbm4b:s5+s29], $0x40, s28, s29, $0xb8;
	[tilespmem:$0x1B980] =	vst v63  }
0x7f: {  	s26 =	sadd.s32 $0x10E00, s14;
	s28 =	sadd.s32 $0xC640, s15  }
0x80: {  	[spmem:s2] =	stream.indirect.scatter.add.f32 [tilespmem:s26], [sflag:$0x7], $0x40, s28, s22, $0xb8;
	[tilespmem:$0x1B980] =	vst v63  }
0x81: {  	_ = 	snop  }
0x82: {  	[spmem:s3] =	stream.indirect.scatter.add.f32 [tilespmem:s20], [sflag:$0xD], $0x10, s28, s22, $0xb8;
	[tilespmem:$0x1B980] =	vst v63  }
0x83: {  	_ =	swait.ge [sflag:s23], $0x1000  }
0x84: {  	[sflag:s23] =	ssyncset.done $0x0  }
0x85: {  	s26 =	simm.s32 @!p0 $0x8;
	[sflag:s23] =	ssyncadd.s32 $0xFFFFF000  }
0x86: {  	_ =	swait.ge @!p0 [sflag:s26], $0x1000  }
0x87: {  	[sflag:s26] =	ssyncset.done @!p0 $0x0  }
0x88: {  	[sflag:s26] =	ssyncadd.s32 @!p0 $0xFFFFF000;
	s26 =	simm.s32 @!p0 $0xE  }
0x89: {  	_ =	swait.ge @!p0 [sflag:s26], $0x400  }
0x8a: {  	[sflag:s26] =	ssyncset.done @!p0 $0x0  }
0x8b: {  	s28 =	sadd.s32 @!p1 $0x9FC0, s4;
	[sflag:s26] =	ssyncadd.s32 @!p0 $0xFFFFFC00;
	s26 =	ssub.s32 @!p1 $0x13E00, s14  }
0x8c: {  	[tilespmem:s26], [sflag:$0x3] =	stream.indirect.gather @!p1 [hbm4b:s5+s29], $0x40, s28, s29, $0xb8;
	[tilespmem:$0x1B980] =	vst v63  }
0x8d: {  	s26 =	sadd.s32 $0x12E00, s14;
	s28 =	sadd.s32 $0xC680, s15  }
0x8e: {  	[spmem:s2] =	stream.indirect.scatter.add.f32 [tilespmem:s26], [sflag:$0x8], $0x40, s28, s22, $0xb8;
	[tilespmem:$0x1B980] =	vst v63  }
0x8f: {  	_ = 	snop  }
0x90: {  	[spmem:s3] =	stream.indirect.scatter.add.f32 [tilespmem:s20], [sflag:$0xE], $0x10, s28, s22, $0xb8;
	[tilespmem:$0x1B980] =	vst v63  }
0x91: {  	_ =	swait.ge [sflag:s24], $0x1000  }
0x92: {  	[sflag:s24] =	ssyncset.done $0x0  }
0x93: {  	s26 =	simm.s32 @!p0 $0x9;
	[sflag:s24] =	ssyncadd.s32 $0xFFFFF000  }
0x94: {  	_ =	swait.ge @!p0 [sflag:s26], $0x1000  }
0x95: {  	[sflag:s26] =	ssyncset.done @!p0 $0x0  }
0x96: {  	[sflag:s26] =	ssyncadd.s32 @!p0 $0xFFFFF000;
	s26 =	simm.s32 @!p0 $0xF  }
0x97: {  	_ =	swait.ge @!p0 [sflag:s26], $0x400  }
0x98: {  	[sflag:s26] =	ssyncset.done @!p0 $0x0  }
0x99: {  	s28 =	sadd.s32 @!p1 $0xA000, s4;
	[sflag:s26] =	ssyncadd.s32 @!p0 $0xFFFFFC00;
	s26 =	ssub.s32 @!p1 $0x15E00, s14  }
0x9a: {  	[tilespmem:s26], [sflag:$0x4] =	stream.indirect.gather @!p1 [hbm4b:s5+s29], $0x40, s28, s29, $0xb8;
	[tilespmem:$0x1B980] =	vst v63  }
0x9b: {  	s26 =	sadd.s32 $0x14E00, s14;
	s28 =	sadd.s32 $0xC6C0, s15  }
0x9c: {  	[spmem:s2] =	stream.indirect.scatter.add.f32 [tilespmem:s26], [sflag:$0x9], $0x40, s28, s22, $0xb8;
	[tilespmem:$0x1B980] =	vst v63  }
0x9d: {  	_ = 	snop  }
0x9e: {  	[spmem:s3] =	stream.indirect.scatter.add.f32 [tilespmem:s20], [sflag:$0xF], $0x10, s28, s22, $0xb8;
	[tilespmem:$0x1B980] =	vst v63  }
0x9f: {  	_ =	swait.ge [sflag:s25], $0x1000  }
0xa0: {  	[sflag:s25] =	ssyncset.done $0x0  }
0xa1: {  	s26 =	simm.s32 @!p0 $0xA;
	[sflag:s25] =	ssyncadd.s32 $0xFFFFF000  }
0xa2: {  	_ =	swait.ge @!p0 [sflag:s26], $0x1000  }
0xa3: {  	[sflag:s26] =	ssyncset.done @!p0 $0x0  }
0xa4: {  	[sflag:s26] =	ssyncadd.s32 @!p0 $0xFFFFF000;
	s26 =	simm.s32 @!p0 $0x10  }
0xa5: {  	_ =	swait.ge @!p0 [sflag:s26], $0x400  }
0xa6: {  	s17 =	sadd.s32 $0x500, s17;
	s4 =	sadd.s32 @!p1 $0xA040, s4;
	[sflag:s26] =	ssyncset.done @!p0 $0x0  }
0xa7: {  	[sflag:s26] =	ssyncadd.s32 @!p0 $0xFFFFFC00;
	s26 =	ssub.s32 @!p1 $0x17E00, s14;
	p0 =	sne.s32 s17, $0xA000  }
0xa8: {  	[tilespmem:s26], [sflag:$0x5] =	stream.indirect.gather @!p1 [hbm4b:s5+s29], $0x40, s4, s29, $0xb8;
	[tilespmem:$0x1B980] =	vst v63  }
.Ltmp3:
0xa9: {  	_ = 	snop;
	(pc) =	sbr.rel @!p0 .LBB2_6-.Ltmp3, $4  }
0xaa: {  	s28 =	sadd.s32 $0x16E00, s14;
	s29 =	sadd.s32 $0xC700, s15  }
0xab: {  	[spmem:s2] =	stream.indirect.scatter.add.f32 [tilespmem:s28], [sflag:$0xA], $0x40, s29, s22, $0xb8;
	[tilespmem:$0x1B980] =	vst v63  }
0xac: {  	s13 =	sadd.s32 $0x1000, s13  }
0xad: {  	[spmem:s3] =	stream.indirect.scatter.add.f32 [tilespmem:s20], [sflag:$0x10], $0x10, s29, s22, $0xb8;
	[tilespmem:$0x1B980] =	vst v63  }
.LBB2_2:
0xae: {  	_ =	swait.ge [sflag:s0], $0x1000  }
0xaf: {  	p0 =	seq.s32 s17, $0x0;
	[sflag:s0] =	ssyncset.done $0x0  }
0xb0: {  	s4 =	simm.s32 @!p0 $0x6;
	p1 =	seq.s32 @!p0 s17, $0x9B00;
	[sflag:s0] =	ssyncadd.s32 $0xFFFFF000  }
0xb1: {  	p1 =	por p0, !p1;
	_ =	swait.ge @!p0 [sflag:s4], $0x1000  }
.Ltmp4:
0xb2: {  	[sflag:s4] =	ssyncset.done @!p0 $0x0;
	(pc) =	sbr.rel @p1 .LBB2_4-.Ltmp4, $4  }
0xb3: {  	[sflag:s4] =	ssyncadd.s32 @!p0 $0xFFFFF000;
	s4 =	simm.s32 @!p0 $0xC  }
0xb4: {  	_ =	swait.ge @!p0 [sflag:s4], $0x400  }
0xb5: {  	[sflag:s4] =	ssyncset.done @!p0 $0x0  }
0xb6: {  	s14 =	sand.u32 $0x1000, s13;
	[sflag:s4] =	ssyncadd.s32 @!p0 $0xFFFFFC00  }
.Ltmp5:
0xb7: {  	(pc) =	sbr.rel .LBB2_5-.Ltmp5, $2  }
0xb8: {  	_ =	sdelay $0x2  }
0xb9: {  	p1 =	por @!p0 $0x1, $0x1;
	s4 =	simm.s32 @!p0 $0x9B00  }
.LBB2_7:
0xba: {  	_ =	sfence.sel $0x180000  }
0xbb: {  	[bflag:$0x0] =	sbarrier.arrive $0xFFFF  }
0xbc: {  	_ =	strace $0x90000047  }
0xbd: {  	s0 =	stileid.u32;
	[bflag:$0x2] =	sbarrier.arrive $0xFFFF  }
0xbe: {  	p0 =	sne.s32 s0, $0x0;
	s0 =	rddreg [dreg:$0x4]  }
0xbf: {  	s0 =	sadd.s32 @!p0 $0x100000, s0  }
0xc0: {  	[sflag:s0] =	ssyncadd.tile.s32 @!p0 $0x1;
	_ =	shalt  }
.Lfunc_end2:
_tile_overlayer_lowered:
.L_overlay_start_2:
0xc1: {  	(tag) =	ssettag $0x2  }
0xc2: {  	s0 =	rddreg [dreg:$0x0];
	s2 =	stileid.u32  }
0xc3: {  	s1 =	rddreg [dreg:$0x1];
	p0 =	sne.s32 s2, $0x0  }
0xc4: {  	s3 =	rddreg [dreg:$0x2];
	[bflag:$0x3] =	sbarrier.arrive $0xFFFF;
	s2 =	simm.s32 @!p0 $0x1C11  }
0xc5: {  	[timem:s3], [sflag:s2] =	dma.local @!p0 [hbm:s0], s1  }
0xc6: {  	s0 =	simm.s32 @!p0 $0x11  }
0xc7: {  	_ =	swait.ge @!p0 [sflag:s0], s1  }
0xc8: {  	s1 =	ssub.s32 @!p0 $0x0, s1;
	[sflag:s0] =	ssyncset.done @!p0 $0x0  }
0xc9: {  	[sflag:s0] =	ssyncadd.s32 @!p0 s1  }
0xca: {  	[bflag:$0x3] =	sbarrier.arrive $0xFFFF  }
0xcb: {  	_ =	shalt  }

</sc_bundles>
